<compile_context>
chip_gen: v7x
topology: tpu7x:2x2x1
jax: 0.10.2.dev20260603
libtpu: 0.0.44.dev20260713+nightly
codegen_flags: <defaults>
</compile_context>

<pallas_src>
import functools

import jax
import jax.numpy as jnp
from jax import lax
from jax.experimental import pallas as pl
from jax.experimental.pallas import tpu as pltpu
from jax.experimental.pallas import tpu_sc as plsc

NC = 2
NS = 16
L = 16
NW = NC * NS

CHUNK = 128
GROUPS = CHUNK // L


def _tec_body(motifs_hbm, reward_hbm, table_hbm, out_hbm,
              sidx_v, rows0_v, rows1_v, rew_v, part_v, acc_v,
              sem_in, sem0, sem1):
    m, b = motifs_hbm.shape
    _, d = table_hbm.shape
    b_per_w = b // NW
    nchunk = b_per_w // CHUNK

    wid = lax.axis_index("s") * NC + lax.axis_index("c")
    iota = lax.iota(jnp.int32, L)

    def stage_idx(t, sem):
        return [
            pltpu.async_copy(
                motifs_hbm.at[pl.ds(mm, 1),
                              pl.ds(wid * b_per_w + t * CHUNK, CHUNK)],
                sidx_v.at[pl.ds(t * m + mm, 1)], sem)
            for mm in range(m)
        ]

    idx0_hs = stage_idx(0, sem0)
    rest_hs = [h for t in range(1, nchunk) for h in stage_idx(t, sem_in)]
    rew_h = pltpu.async_copy(reward_hbm.at[pl.ds(wid * b_per_w, b_per_w)],
                             rew_v, sem1)

    rows_bufs = (rows0_v, rows1_v)
    sems = (sem0, sem1)

    def fire(t):
        buf, sem = rows_bufs[t % 2], sems[t % 2]
        return [
            pltpu.async_copy(table_hbm.at[sidx_v.at[t * m + mm]], buf.at[mm], sem)
            for mm in range(m)
        ]

    for h in idx0_hs:
        h.wait()
    handles = fire(0)
    for h in rest_hs:
        h.wait()
    rew_h.wait()
    loss_acc = jnp.zeros((L,), jnp.float32)
    for t in range(nchunk):
        nxt = fire(t + 1) if t + 1 < nchunk else None
        for h in handles:
            h.wait()
        buf = rows_bufs[t % 2]

        @plsc.parallel_loop(0, CHUNK, unroll=2)
        def _(e, buf=buf):
            acc = jnp.zeros((L,), jnp.float32)
            for c in range(d // L):
                sl = pl.ds(c * L, L)
                prod = buf[0, e, sl]
                for mm in range(1, m):
                    prod = prod * buf[mm, e, sl]
                acc = acc + prod
            part_v[pl.ds(e * L, L)] = acc

        def group_body(g, loss_acc, t=t):
            rowbase = (g * L + iota) * L
            score = jnp.zeros((L,), jnp.float32)
            for j in range(L):
                score = score + plsc.load_gather(part_v, [rowbase + j])
            p = jnp.clip(1.0 - jnp.exp(-score), 1e-5, 1.0)
            rew = rew_v[pl.ds(t * CHUNK + g * L, L)]
            return loss_acc + p * rew
        loss_acc = plsc.parallel_loop(0, GROUPS, carry=loss_acc)(group_body)
        handles = nxt

    acc_v[...] = loss_acc
    pltpu.sync_copy(acc_v, out_hbm.at[wid])


@jax.jit
def _run_sc(motifs, reward, embedding_matrix):
    b, m = motifs.shape
    _, d = embedding_matrix.shape
    b_per_w = b // NW
    mesh = plsc.VectorSubcoreMesh(core_axis_name="c", subcore_axis_name="s")
    kern = functools.partial(
        pl.kernel,
        mesh=mesh,
        compiler_params=pltpu.CompilerParams(needs_layout_passes=False),
        out_type=jax.ShapeDtypeStruct((NW, L), jnp.float32),
        scratch_types=[
            pltpu.VMEM(((b_per_w // CHUNK) * m, CHUNK), jnp.int32),
            pltpu.VMEM((m, CHUNK, d), jnp.float32),
            pltpu.VMEM((m, CHUNK, d), jnp.float32),
            pltpu.VMEM((b_per_w,), jnp.float32),
            pltpu.VMEM((CHUNK * L,), jnp.float32),
            pltpu.VMEM((L,), jnp.float32),
            pltpu.SemaphoreType.DMA,
            pltpu.SemaphoreType.DMA,
            pltpu.SemaphoreType.DMA,
        ],
    )(_tec_body)
    return kern(motifs.T, reward, embedding_matrix)


def kernel(motifs, reward, embedding_matrix):
    partials = _run_sc(motifs, reward, embedding_matrix)
    return -(jnp.sum(partials) / motifs.shape[0])

# --- scband reference (transcript-rebuilt; emitter-appended) ---
"""Pipeline reference for scband-gene-com-gan-3513283248908 (READ-ONLY COPY).

The authoritative reference and input builder live on the scoring server;
editing this copy changes nothing except your own understanding.
"""

import jax, jax.numpy as jnp
import numpy as np

N_NODES = 100000
EMB_DIM = 128
BATCH = 16384
MOTIF_SIZE = 3


def setup_inputs(seed: int = 0) -> dict:
    key = jax.random.key(seed)
    k1, k2, k3 = jax.random.split(key, 3)
    motifs = jax.random.randint(k1, (BATCH, MOTIF_SIZE), 0, N_NODES, dtype=jnp.int64 if jax.config.jax_enable_x64 else jnp.int32).astype(jnp.int32)
    reward = jax.random.uniform(k2, (BATCH,), dtype=jnp.float32)
    # embedding_matrix is the learned AGM-format node embedding (non-negative, clipped to [0, max_value])
    embedding_matrix = jax.random.uniform(k3, (N_NODES, EMB_DIM), dtype=jnp.float32)
    return {"motifs": motifs, "reward": reward, "embedding_matrix": embedding_matrix}


def reference(motifs, reward, embedding_matrix):
    # gather: [B, motif_size, d]
    gathered = jnp.take(embedding_matrix, motifs, axis=0)
    # elementwise product over motif members, then sum over embedding dim -> [B]
    score = jnp.sum(jnp.prod(gathered, axis=1), axis=1)
    p = jnp.clip(1.0 - jnp.exp(-score), 1e-05, 1.0)
    loss = -jnp.mean(p * reward)
    return loss

if __name__ == "__main__":
    import jax
    _d = setup_inputs()
    print(jax.jit(kernel)(*tuple(_d.values())))

</pallas_src>

<mosaic_0001>
#map = affine_map<(d0, d1) -> (0, 0)>
#map1 = affine_map<(d0, d1) -> (0)>
module attributes {stable_mosaic.version = 14 : i64} {
  func.func @_tec_body(%arg0: i32, %arg1: i32, %arg2: memref<3x16384xi32, #tpu.memory_space<hbm>>, %arg3: memref<16384xf32, #tpu.memory_space<hbm>>, %arg4: memref<100000x128xf32, #tpu.memory_space<hbm>>, %arg5: memref<32x16xf32, #tpu.memory_space<hbm>>, %arg6: memref<12x128xi32, #tpu.memory_space<vmem>>, %arg7: memref<3x128x128xf32, #tpu.memory_space<vmem>>, %arg8: memref<3x128x128xf32, #tpu.memory_space<vmem>>, %arg9: memref<512xf32, #tpu.memory_space<vmem>>, %arg10: memref<2048xf32, #tpu.memory_space<vmem>>, %arg11: memref<16xf32, #tpu.memory_space<vmem>>, %arg12: memref<!tpu.dma_semaphore, #tpu.memory_space<semaphore_mem>>, %arg13: memref<!tpu.dma_semaphore, #tpu.memory_space<semaphore_mem>>, %arg14: memref<!tpu.dma_semaphore, #tpu.memory_space<semaphore_mem>>) attributes {dimension_semantics = [#tpu.dimension_semantics<core_parallel>, #tpu.dimension_semantics<subcore_parallel>], iteration_bounds = array<i64: 2, 16>, scalar_prefetch = 0 : i64, scratch_operands = 9 : i64, tpu.core_type = #tpu.core_type<sc_vector_subcore>, window_params = [{transform_indices = #map}, {transform_indices = #map1}, {transform_indices = #map}, {transform_indices = #map}]} {
    %mul3A = arith.constant 2 : i32
    %mul3A_0 = arith.muli %arg1, %mul3A : i32
    %add3A = arith.addi %mul3A_0, %arg0 : i32
    %iota3A = tpu.iota {dimensions = array<i32: 0>} : vector<16xi32>
    %mul3A_1 = arith.constant 512 : i32
    %mul3A_2 = arith.muli %add3A, %mul3A_1 : i32
    %add3A_3 = arith.constant 0 : i32
    %add3A_4 = arith.addi %mul3A_2, %add3A_3 : i32
    %dma_start3A = arith.constant 0 : i32
    %dma_start3A_5 = arith.constant 0 : i32
    %dma_start3A_6 = tpu.memref_slice %arg6[%dma_start3A, %dma_start3A_5] : memref<12x128xi32, #tpu.memory_space<vmem>> -> memref<1x128xi32, #tpu.memory_space<vmem>>
    %dma_start3A_7 = arith.constant 0 : i32
    %dma_start3A_8 = tpu.memref_slice %arg2[%dma_start3A_7, %add3A_4] : memref<3x16384xi32, #tpu.memory_space<hbm>> -> memref<1x128xi32, #tpu.memory_space<hbm>>
    %dma_start3A_9 = arith.constant 0 : i32
    %dma_start3A_10 = arith.constant 0 : i32
    %dma_start3A_11 = tpu.memref_slice %arg6[%dma_start3A_9, %dma_start3A_10] : memref<12x128xi32, #tpu.memory_space<vmem>> -> memref<1x128xi32, #tpu.memory_space<vmem>>
    %dma_start3A_12 = arith.constant 0 : i32
    %dma_start3A_13 = tpu.memref_slice %arg2[%dma_start3A_12, %add3A_4] : memref<3x16384xi32, #tpu.memory_space<hbm>> -> memref<1x128xi32, #tpu.memory_space<hbm>>
    tpu.enqueue_dma source(%dma_start3A_13 : memref<1x128xi32, #tpu.memory_space<hbm>>) target(%dma_start3A_11 : memref<1x128xi32, #tpu.memory_space<vmem>>) target_semaphore(%arg13 : memref<!tpu.dma_semaphore, #tpu.memory_space<semaphore_mem>>)
    %mul3A_14 = arith.constant 512 : i32
    %mul3A_15 = arith.muli %add3A, %mul3A_14 : i32
    %add3A_16 = arith.constant 0 : i32
    %add3A_17 = arith.addi %mul3A_15, %add3A_16 : i32
    %dma_start3A_18 = arith.constant 1 : i32
    %dma_start3A_19 = arith.constant 0 : i32
    %dma_start3A_20 = tpu.memref_slice %arg6[%dma_start3A_18, %dma_start3A_19] : memref<12x128xi32, #tpu.memory_space<vmem>> -> memref<1x128xi32, #tpu.memory_space<vmem>>
    %dma_start3A_21 = arith.constant 1 : i32
    %dma_start3A_22 = tpu.memref_slice %arg2[%dma_start3A_21, %add3A_17] : memref<3x16384xi32, #tpu.memory_space<hbm>> -> memref<1x128xi32, #tpu.memory_space<hbm>>
    %dma_start3A_23 = arith.constant 1 : i32
    %dma_start3A_24 = arith.constant 0 : i32
    %dma_start3A_25 = tpu.memref_slice %arg6[%dma_start3A_23, %dma_start3A_24] : memref<12x128xi32, #tpu.memory_space<vmem>> -> memref<1x128xi32, #tpu.memory_space<vmem>>
    %dma_start3A_26 = arith.constant 1 : i32
    %dma_start3A_27 = tpu.memref_slice %arg2[%dma_start3A_26, %add3A_17] : memref<3x16384xi32, #tpu.memory_space<hbm>> -> memref<1x128xi32, #tpu.memory_space<hbm>>
    tpu.enqueue_dma source(%dma_start3A_27 : memref<1x128xi32, #tpu.memory_space<hbm>>) target(%dma_start3A_25 : memref<1x128xi32, #tpu.memory_space<vmem>>) target_semaphore(%arg13 : memref<!tpu.dma_semaphore, #tpu.memory_space<semaphore_mem>>)
    %mul3A_28 = arith.constant 512 : i32
    %mul3A_29 = arith.muli %add3A, %mul3A_28 : i32
    %add3A_30 = arith.constant 0 : i32
    %add3A_31 = arith.addi %mul3A_29, %add3A_30 : i32
    %dma_start3A_32 = arith.constant 2 : i32
    %dma_start3A_33 = arith.constant 0 : i32
    %dma_start3A_34 = tpu.memref_slice %arg6[%dma_start3A_32, %dma_start3A_33] : memref<12x128xi32, #tpu.memory_space<vmem>> -> memref<1x128xi32, #tpu.memory_space<vmem>>
    %dma_start3A_35 = arith.constant 2 : i32
    %dma_start3A_36 = tpu.memref_slice %arg2[%dma_start3A_35, %add3A_31] : memref<3x16384xi32, #tpu.memory_space<hbm>> -> memref<1x128xi32, #tpu.memory_space<hbm>>
    %dma_start3A_37 = arith.constant 2 : i32
    %dma_start3A_38 = arith.constant 0 : i32
    %dma_start3A_39 = tpu.memref_slice %arg6[%dma_start3A_37, %dma_start3A_38] : memref<12x128xi32, #tpu.memory_space<vmem>> -> memref<1x128xi32, #tpu.memory_space<vmem>>
    %dma_start3A_40 = arith.constant 2 : i32
    %dma_start3A_41 = tpu.memref_slice %arg2[%dma_start3A_40, %add3A_31] : memref<3x16384xi32, #tpu.memory_space<hbm>> -> memref<1x128xi32, #tpu.memory_space<hbm>>
    tpu.enqueue_dma source(%dma_start3A_41 : memref<1x128xi32, #tpu.memory_space<hbm>>) target(%dma_start3A_39 : memref<1x128xi32, #tpu.memory_space<vmem>>) target_semaphore(%arg13 : memref<!tpu.dma_semaphore, #tpu.memory_space<semaphore_mem>>)
    %mul3A_42 = arith.constant 512 : i32
    %mul3A_43 = arith.muli %add3A, %mul3A_42 : i32
    %add3A_44 = arith.constant 128 : i32
    %add3A_45 = arith.addi %mul3A_43, %add3A_44 : i32
    %dma_start3A_46 = arith.constant 3 : i32
    %dma_start3A_47 = arith.constant 0 : i32
    %dma_start3A_48 = tpu.memref_slice %arg6[%dma_start3A_46, %dma_start3A_47] : memref<12x128xi32, #tpu.memory_space<vmem>> -> memref<1x128xi32, #tpu.memory_space<vmem>>
    %dma_start3A_49 = arith.constant 0 : i32
    %dma_start3A_50 = tpu.memref_slice %arg2[%dma_start3A_49, %add3A_45] : memref<3x16384xi32, #tpu.memory_space<hbm>> -> memref<1x128xi32, #tpu.memory_space<hbm>>
    %dma_start3A_51 = arith.constant 3 : i32
    %dma_start3A_52 = arith.constant 0 : i32
    %dma_start3A_53 = tpu.memref_slice %arg6[%dma_start3A_51, %dma_start3A_52] : memref<12x128xi32, #tpu.memory_space<vmem>> -> memref<1x128xi32, #tpu.memory_space<vmem>>
    %dma_start3A_54 = arith.constant 0 : i32
    %dma_start3A_55 = tpu.memref_slice %arg2[%dma_start3A_54, %add3A_45] : memref<3x16384xi32, #tpu.memory_space<hbm>> -> memref<1x128xi32, #tpu.memory_space<hbm>>
    tpu.enqueue_dma source(%dma_start3A_55 : memref<1x128xi32, #tpu.memory_space<hbm>>) target(%dma_start3A_53 : memref<1x128xi32, #tpu.memory_space<vmem>>) target_semaphore(%arg12 : memref<!tpu.dma_semaphore, #tpu.memory_space<semaphore_mem>>)
    %mul3A_56 = arith.constant 512 : i32
    %mul3A_57 = arith.muli %add3A, %mul3A_56 : i32
    %add3A_58 = arith.constant 128 : i32
    %add3A_59 = arith.addi %mul3A_57, %add3A_58 : i32
    %dma_start3A_60 = arith.constant 4 : i32
    %dma_start3A_61 = arith.constant 0 : i32
    %dma_start3A_62 = tpu.memref_slice %arg6[%dma_start3A_60, %dma_start3A_61] : memref<12x128xi32, #tpu.memory_space<vmem>> -> memref<1x128xi32, #tpu.memory_space<vmem>>
    %dma_start3A_63 = arith.constant 1 : i32
    %dma_start3A_64 = tpu.memref_slice %arg2[%dma_start3A_63, %add3A_59] : memref<3x16384xi32, #tpu.memory_space<hbm>> -> memref<1x128xi32, #tpu.memory_space<hbm>>
    %dma_start3A_65 = arith.constant 4 : i32
    %dma_start3A_66 = arith.constant 0 : i32
    %dma_start3A_67 = tpu.memref_slice %arg6[%dma_start3A_65, %dma_start3A_66] : memref<12x128xi32, #tpu.memory_space<vmem>> -> memref<1x128xi32, #tpu.memory_space<vmem>>
    %dma_start3A_68 = arith.constant 1 : i32
    %dma_start3A_69 = tpu.memref_slice %arg2[%dma_start3A_68, %add3A_59] : memref<3x16384xi32, #tpu.memory_space<hbm>> -> memref<1x128xi32, #tpu.memory_space<hbm>>
    tpu.enqueue_dma source(%dma_start3A_69 : memref<1x128xi32, #tpu.memory_space<hbm>>) target(%dma_start3A_67 : memref<1x128xi32, #tpu.memory_space<vmem>>) target_semaphore(%arg12 : memref<!tpu.dma_semaphore, #tpu.memory_space<semaphore_mem>>)
    %mul3A_70 = arith.constant 512 : i32
    %mul3A_71 = arith.muli %add3A, %mul3A_70 : i32
    %add3A_72 = arith.constant 128 : i32
    %add3A_73 = arith.addi %mul3A_71, %add3A_72 : i32
    %dma_start3A_74 = arith.constant 5 : i32
    %dma_start3A_75 = arith.constant 0 : i32
    %dma_start3A_76 = tpu.memref_slice %arg6[%dma_start3A_74, %dma_start3A_75] : memref<12x128xi32, #tpu.memory_space<vmem>> -> memref<1x128xi32, #tpu.memory_space<vmem>>
    %dma_start3A_77 = arith.constant 2 : i32
    %dma_start3A_78 = tpu.memref_slice %arg2[%dma_start3A_77, %add3A_73] : memref<3x16384xi32, #tpu.memory_space<hbm>> -> memref<1x128xi32, #tpu.memory_space<hbm>>
    %dma_start3A_79 = arith.constant 5 : i32
    %dma_start3A_80 = arith.constant 0 : i32
    %dma_start3A_81 = tpu.memref_slice %arg6[%dma_start3A_79, %dma_start3A_80] : memref<12x128xi32, #tpu.memory_space<vmem>> -> memref<1x128xi32, #tpu.memory_space<vmem>>
    %dma_start3A_82 = arith.constant 2 : i32
    %dma_start3A_83 = tpu.memref_slice %arg2[%dma_start3A_82, %add3A_73] : memref<3x16384xi32, #tpu.memory_space<hbm>> -> memref<1x128xi32, #tpu.memory_space<hbm>>
    tpu.enqueue_dma source(%dma_start3A_83 : memref<1x128xi32, #tpu.memory_space<hbm>>) target(%dma_start3A_81 : memref<1x128xi32, #tpu.memory_space<vmem>>) target_semaphore(%arg12 : memref<!tpu.dma_semaphore, #tpu.memory_space<semaphore_mem>>)
    %mul3A_84 = arith.constant 512 : i32
    %mul3A_85 = arith.muli %add3A, %mul3A_84 : i32
    %add3A_86 = arith.constant 256 : i32
    %add3A_87 = arith.addi %mul3A_85, %add3A_86 : i32
    %dma_start3A_88 = arith.constant 6 : i32
    %dma_start3A_89 = arith.constant 0 : i32
    %dma_start3A_90 = tpu.memref_slice %arg6[%dma_start3A_88, %dma_start3A_89] : memref<12x128xi32, #tpu.memory_space<vmem>> -> memref<1x128xi32, #tpu.memory_space<vmem>>
    %dma_start3A_91 = arith.constant 0 : i32
    %dma_start3A_92 = tpu.memref_slice %arg2[%dma_start3A_91, %add3A_87] : memref<3x16384xi32, #tpu.memory_space<hbm>> -> memref<1x128xi32, #tpu.memory_space<hbm>>
    %dma_start3A_93 = arith.constant 6 : i32
    %dma_start3A_94 = arith.constant 0 : i32
    %dma_start3A_95 = tpu.memref_slice %arg6[%dma_start3A_93, %dma_start3A_94] : memref<12x128xi32, #tpu.memory_space<vmem>> -> memref<1x128xi32, #tpu.memory_space<vmem>>
    %dma_start3A_96 = arith.constant 0 : i32
    %dma_start3A_97 = tpu.memref_slice %arg2[%dma_start3A_96, %add3A_87] : memref<3x16384xi32, #tpu.memory_space<hbm>> -> memref<1x128xi32, #tpu.memory_space<hbm>>
    tpu.enqueue_dma source(%dma_start3A_97 : memref<1x128xi32, #tpu.memory_space<hbm>>) target(%dma_start3A_95 : memref<1x128xi32, #tpu.memory_space<vmem>>) target_semaphore(%arg12 : memref<!tpu.dma_semaphore, #tpu.memory_space<semaphore_mem>>)
    %mul3A_98 = arith.constant 512 : i32
    %mul3A_99 = arith.muli %add3A, %mul3A_98 : i32
    %add3A_100 = arith.constant 256 : i32
    %add3A_101 = arith.addi %mul3A_99, %add3A_100 : i32
    %dma_start3A_102 = arith.constant 7 : i32
    %dma_start3A_103 = arith.constant 0 : i32
    %dma_start3A_104 = tpu.memref_slice %arg6[%dma_start3A_102, %dma_start3A_103] : memref<12x128xi32, #tpu.memory_space<vmem>> -> memref<1x128xi32, #tpu.memory_space<vmem>>
    %dma_start3A_105 = arith.constant 1 : i32
    %dma_start3A_106 = tpu.memref_slice %arg2[%dma_start3A_105, %add3A_101] : memref<3x16384xi32, #tpu.memory_space<hbm>> -> memref<1x128xi32, #tpu.memory_space<hbm>>
    %dma_start3A_107 = arith.constant 7 : i32
    %dma_start3A_108 = arith.constant 0 : i32
    %dma_start3A_109 = tpu.memref_slice %arg6[%dma_start3A_107, %dma_start3A_108] : memref<12x128xi32, #tpu.memory_space<vmem>> -> memref<1x128xi32, #tpu.memory_space<vmem>>
    %dma_start3A_110 = arith.constant 1 : i32
    %dma_start3A_111 = tpu.memref_slice %arg2[%dma_start3A_110, %add3A_101] : memref<3x16384xi32, #tpu.memory_space<hbm>> -> memref<1x128xi32, #tpu.memory_space<hbm>>
    tpu.enqueue_dma source(%dma_start3A_111 : memref<1x128xi32, #tpu.memory_space<hbm>>) target(%dma_start3A_109 : memref<1x128xi32, #tpu.memory_space<vmem>>) target_semaphore(%arg12 : memref<!tpu.dma_semaphore, #tpu.memory_space<semaphore_mem>>)
    %mul3A_112 = arith.constant 512 : i32
    %mul3A_113 = arith.muli %add3A, %mul3A_112 : i32
    %add3A_114 = arith.constant 256 : i32
    %add3A_115 = arith.addi %mul3A_113, %add3A_114 : i32
    %dma_start3A_116 = arith.constant 8 : i32
    %dma_start3A_117 = arith.constant 0 : i32
    %dma_start3A_118 = tpu.memref_slice %arg6[%dma_start3A_116, %dma_start3A_117] : memref<12x128xi32, #tpu.memory_space<vmem>> -> memref<1x128xi32, #tpu.memory_space<vmem>>
    %dma_start3A_119 = arith.constant 2 : i32
    %dma_start3A_120 = tpu.memref_slice %arg2[%dma_start3A_119, %add3A_115] : memref<3x16384xi32, #tpu.memory_space<hbm>> -> memref<1x128xi32, #tpu.memory_space<hbm>>
    %dma_start3A_121 = arith.constant 8 : i32
    %dma_start3A_122 = arith.constant 0 : i32
    %dma_start3A_123 = tpu.memref_slice %arg6[%dma_start3A_121, %dma_start3A_122] : memref<12x128xi32, #tpu.memory_space<vmem>> -> memref<1x128xi32, #tpu.memory_space<vmem>>
    %dma_start3A_124 = arith.constant 2 : i32
    %dma_start3A_125 = tpu.memref_slice %arg2[%dma_start3A_124, %add3A_115] : memref<3x16384xi32, #tpu.memory_space<hbm>> -> memref<1x128xi32, #tpu.memory_space<hbm>>
    tpu.enqueue_dma source(%dma_start3A_125 : memref<1x128xi32, #tpu.memory_space<hbm>>) target(%dma_start3A_123 : memref<1x128xi32, #tpu.memory_space<vmem>>) target_semaphore(%arg12 : memref<!tpu.dma_semaphore, #tpu.memory_space<semaphore_mem>>)
    %mul3A_126 = arith.constant 512 : i32
    %mul3A_127 = arith.muli %add3A, %mul3A_126 : i32
    %add3A_128 = arith.constant 384 : i32
    %add3A_129 = arith.addi %mul3A_127, %add3A_128 : i32
    %dma_start3A_130 = arith.constant 9 : i32
    %dma_start3A_131 = arith.constant 0 : i32
    %dma_start3A_132 = tpu.memref_slice %arg6[%dma_start3A_130, %dma_start3A_131] : memref<12x128xi32, #tpu.memory_space<vmem>> -> memref<1x128xi32, #tpu.memory_space<vmem>>
    %dma_start3A_133 = arith.constant 0 : i32
    %dma_start3A_134 = tpu.memref_slice %arg2[%dma_start3A_133, %add3A_129] : memref<3x16384xi32, #tpu.memory_space<hbm>> -> memref<1x128xi32, #tpu.memory_space<hbm>>
    %dma_start3A_135 = arith.constant 9 : i32
    %dma_start3A_136 = arith.constant 0 : i32
    %dma_start3A_137 = tpu.memref_slice %arg6[%dma_start3A_135, %dma_start3A_136] : memref<12x128xi32, #tpu.memory_space<vmem>> -> memref<1x128xi32, #tpu.memory_space<vmem>>
    %dma_start3A_138 = arith.constant 0 : i32
    %dma_start3A_139 = tpu.memref_slice %arg2[%dma_start3A_138, %add3A_129] : memref<3x16384xi32, #tpu.memory_space<hbm>> -> memref<1x128xi32, #tpu.memory_space<hbm>>
    tpu.enqueue_dma source(%dma_start3A_139 : memref<1x128xi32, #tpu.memory_space<hbm>>) target(%dma_start3A_137 : memref<1x128xi32, #tpu.memory_space<vmem>>) target_semaphore(%arg12 : memref<!tpu.dma_semaphore, #tpu.memory_space<semaphore_mem>>)
    %mul3A_140 = arith.constant 512 : i32
    %mul3A_141 = arith.muli %add3A, %mul3A_140 : i32
    %add3A_142 = arith.constant 384 : i32
    %add3A_143 = arith.addi %mul3A_141, %add3A_142 : i32
    %dma_start3A_144 = arith.constant 10 : i32
    %dma_start3A_145 = arith.constant 0 : i32
    %dma_start3A_146 = tpu.memref_slice %arg6[%dma_start3A_144, %dma_start3A_145] : memref<12x128xi32, #tpu.memory_space<vmem>> -> memref<1x128xi32, #tpu.memory_space<vmem>>
    %dma_start3A_147 = arith.constant 1 : i32
    %dma_start3A_148 = tpu.memref_slice %arg2[%dma_start3A_147, %add3A_143] : memref<3x16384xi32, #tpu.memory_space<hbm>> -> memref<1x128xi32, #tpu.memory_space<hbm>>
    %dma_start3A_149 = arith.constant 10 : i32
    %dma_start3A_150 = arith.constant 0 : i32
    %dma_start3A_151 = tpu.memref_slice %arg6[%dma_start3A_149, %dma_start3A_150] : memref<12x128xi32, #tpu.memory_space<vmem>> -> memref<1x128xi32, #tpu.memory_space<vmem>>
    %dma_start3A_152 = arith.constant 1 : i32
    %dma_start3A_153 = tpu.memref_slice %arg2[%dma_start3A_152, %add3A_143] : memref<3x16384xi32, #tpu.memory_space<hbm>> -> memref<1x128xi32, #tpu.memory_space<hbm>>
    tpu.enqueue_dma source(%dma_start3A_153 : memref<1x128xi32, #tpu.memory_space<hbm>>) target(%dma_start3A_151 : memref<1x128xi32, #tpu.memory_space<vmem>>) target_semaphore(%arg12 : memref<!tpu.dma_semaphore, #tpu.memory_space<semaphore_mem>>)
    %mul3A_154 = arith.constant 512 : i32
    %mul3A_155 = arith.muli %add3A, %mul3A_154 : i32
    %add3A_156 = arith.constant 384 : i32
    %add3A_157 = arith.addi %mul3A_155, %add3A_156 : i32
    %dma_start3A_158 = arith.constant 11 : i32
    %dma_start3A_159 = arith.constant 0 : i32
    %dma_start3A_160 = tpu.memref_slice %arg6[%dma_start3A_158, %dma_start3A_159] : memref<12x128xi32, #tpu.memory_space<vmem>> -> memref<1x128xi32, #tpu.memory_space<vmem>>
    %dma_start3A_161 = arith.constant 2 : i32
    %dma_start3A_162 = tpu.memref_slice %arg2[%dma_start3A_161, %add3A_157] : memref<3x16384xi32, #tpu.memory_space<hbm>> -> memref<1x128xi32, #tpu.memory_space<hbm>>
    %dma_start3A_163 = arith.constant 11 : i32
    %dma_start3A_164 = arith.constant 0 : i32
    %dma_start3A_165 = tpu.memref_slice %arg6[%dma_start3A_163, %dma_start3A_164] : memref<12x128xi32, #tpu.memory_space<vmem>> -> memref<1x128xi32, #tpu.memory_space<vmem>>
    %dma_start3A_166 = arith.constant 2 : i32
    %dma_start3A_167 = tpu.memref_slice %arg2[%dma_start3A_166, %add3A_157] : memref<3x16384xi32, #tpu.memory_space<hbm>> -> memref<1x128xi32, #tpu.memory_space<hbm>>
    tpu.enqueue_dma source(%dma_start3A_167 : memref<1x128xi32, #tpu.memory_space<hbm>>) target(%dma_start3A_165 : memref<1x128xi32, #tpu.memory_space<vmem>>) target_semaphore(%arg12 : memref<!tpu.dma_semaphore, #tpu.memory_space<semaphore_mem>>)
    %mul3A_168 = arith.constant 512 : i32
    %mul3A_169 = arith.muli %add3A, %mul3A_168 : i32
    %dma_start3A_170 = tpu.memref_slice %arg3[%mul3A_169] : memref<16384xf32, #tpu.memory_space<hbm>> -> memref<512xf32, #tpu.memory_space<hbm>>
    %dma_start3A_171 = tpu.memref_slice %arg3[%mul3A_169] : memref<16384xf32, #tpu.memory_space<hbm>> -> memref<512xf32, #tpu.memory_space<hbm>>
    tpu.enqueue_dma source(%dma_start3A_171 : memref<512xf32, #tpu.memory_space<hbm>>) target(%arg9 : memref<512xf32, #tpu.memory_space<vmem>>) target_semaphore(%arg14 : memref<!tpu.dma_semaphore, #tpu.memory_space<semaphore_mem>>)
    %dma_wait3A = arith.constant 0 : i32
    %dma_wait3A_172 = arith.constant 0 : i32
    %dma_wait3A_173 = tpu.memref_slice %arg6[%dma_wait3A, %dma_wait3A_172] : memref<12x128xi32, #tpu.memory_space<vmem>> -> memref<1x128xi32, #tpu.memory_space<vmem>>
    %dma_wait3A_174 = arith.constant 0 : i32
    %dma_wait3A_175 = tpu.memref_slice %arg2[%dma_wait3A_174, %add3A_4] : memref<3x16384xi32, #tpu.memory_space<hbm>> -> memref<1x128xi32, #tpu.memory_space<hbm>>
    %dma_wait3A_176 = arith.constant 0 : i32
    %dma_wait3A_177 = arith.constant 0 : i32
    %dma_wait3A_178 = tpu.memref_slice %arg6[%dma_wait3A_176, %dma_wait3A_177] : memref<12x128xi32, #tpu.memory_space<vmem>> -> memref<1x128xi32, #tpu.memory_space<vmem>>
    %dma_wait3A_179 = arith.constant 0 : i32
    %dma_wait3A_180 = tpu.memref_slice %arg2[%dma_wait3A_179, %add3A_4] : memref<3x16384xi32, #tpu.memory_space<hbm>> -> memref<1x128xi32, #tpu.memory_space<hbm>>
    tpu.wait_dma2 semaphore(%arg13 : memref<!tpu.dma_semaphore, #tpu.memory_space<semaphore_mem>>) src(%dma_wait3A_180 : memref<1x128xi32, #tpu.memory_space<hbm>>) dst(%dma_wait3A_178 : memref<1x128xi32, #tpu.memory_space<vmem>>)
    %dma_wait3A_181 = arith.constant 1 : i32
    %dma_wait3A_182 = arith.constant 0 : i32
    %dma_wait3A_183 = tpu.memref_slice %arg6[%dma_wait3A_181, %dma_wait3A_182] : memref<12x128xi32, #tpu.memory_space<vmem>> -> memref<1x128xi32, #tpu.memory_space<vmem>>
    %dma_wait3A_184 = arith.constant 1 : i32
    %dma_wait3A_185 = tpu.memref_slice %arg2[%dma_wait3A_184, %add3A_17] : memref<3x16384xi32, #tpu.memory_space<hbm>> -> memref<1x128xi32, #tpu.memory_space<hbm>>
    %dma_wait3A_186 = arith.constant 1 : i32
    %dma_wait3A_187 = arith.constant 0 : i32
    %dma_wait3A_188 = tpu.memref_slice %arg6[%dma_wait3A_186, %dma_wait3A_187] : memref<12x128xi32, #tpu.memory_space<vmem>> -> memref<1x128xi32, #tpu.memory_space<vmem>>
    %dma_wait3A_189 = arith.constant 1 : i32
    %dma_wait3A_190 = tpu.memref_slice %arg2[%dma_wait3A_189, %add3A_17] : memref<3x16384xi32, #tpu.memory_space<hbm>> -> memref<1x128xi32, #tpu.memory_space<hbm>>
    tpu.wait_dma2 semaphore(%arg13 : memref<!tpu.dma_semaphore, #tpu.memory_space<semaphore_mem>>) src(%dma_wait3A_190 : memref<1x128xi32, #tpu.memory_space<hbm>>) dst(%dma_wait3A_188 : memref<1x128xi32, #tpu.memory_space<vmem>>)
    %dma_wait3A_191 = arith.constant 2 : i32
    %dma_wait3A_192 = arith.constant 0 : i32
    %dma_wait3A_193 = tpu.memref_slice %arg6[%dma_wait3A_191, %dma_wait3A_192] : memref<12x128xi32, #tpu.memory_space<vmem>> -> memref<1x128xi32, #tpu.memory_space<vmem>>
    %dma_wait3A_194 = arith.constant 2 : i32
    %dma_wait3A_195 = tpu.memref_slice %arg2[%dma_wait3A_194, %add3A_31] : memref<3x16384xi32, #tpu.memory_space<hbm>> -> memref<1x128xi32, #tpu.memory_space<hbm>>
    %dma_wait3A_196 = arith.constant 2 : i32
    %dma_wait3A_197 = arith.constant 0 : i32
    %dma_wait3A_198 = tpu.memref_slice %arg6[%dma_wait3A_196, %dma_wait3A_197] : memref<12x128xi32, #tpu.memory_space<vmem>> -> memref<1x128xi32, #tpu.memory_space<vmem>>
    %dma_wait3A_199 = arith.constant 2 : i32
    %dma_wait3A_200 = tpu.memref_slice %arg2[%dma_wait3A_199, %add3A_31] : memref<3x16384xi32, #tpu.memory_space<hbm>> -> memref<1x128xi32, #tpu.memory_space<hbm>>
    tpu.wait_dma2 semaphore(%arg13 : memref<!tpu.dma_semaphore, #tpu.memory_space<semaphore_mem>>) src(%dma_wait3A_200 : memref<1x128xi32, #tpu.memory_space<hbm>>) dst(%dma_wait3A_198 : memref<1x128xi32, #tpu.memory_space<vmem>>)
    %dma_start3A_201 = arith.constant 0 : i32
    %dma_start3A_202 = arith.constant 0 : i32
    %dma_start3A_203 = arith.constant 0 : i32
    %dma_start3A_204 = arith.constant 0 : i32
    %dma_start3A_205 = tpu.memref_slice %arg7[%dma_start3A_202, %dma_start3A_203, %dma_start3A_204] : memref<3x128x128xf32, #tpu.memory_space<vmem>> -> memref<1x128x128xf32, #tpu.memory_space<vmem>>
    %dma_start3A_206 = tpu.memref_squeeze %dma_start3A_205 : memref<1x128x128xf32, #tpu.memory_space<vmem>> -> memref<128x128xf32, #tpu.memory_space<vmem>>
    %dma_start3A_207 = arith.constant 0 : i32
    %dma_start3A_208 = tpu.memref_slice %arg6[%dma_start3A_201, %dma_start3A_207] : memref<12x128xi32, #tpu.memory_space<vmem>> -> memref<1x128xi32, #tpu.memory_space<vmem>>
    %dma_start3A_209 = tpu.memref_squeeze %dma_start3A_208 : memref<1x128xi32, #tpu.memory_space<vmem>> -> memref<128xi32, #tpu.memory_space<vmem>>
    %dma_start3A_210 = arith.constant 0 : i32
    %dma_start3A_211 = arith.constant 0 : i32
    %dma_start3A_212 = tpu.memref_slice %arg4[%dma_start3A_210, %dma_start3A_211] : memref<100000x128xf32, #tpu.memory_space<hbm>> -> memref<100000x128xf32, #tpu.memory_space<hbm>>
    tpu.enqueue_indirect_dma source(%dma_start3A_212 : memref<100000x128xf32, #tpu.memory_space<hbm>>) target(%dma_start3A_206 : memref<128x128xf32, #tpu.memory_space<vmem>>) offsets(%dma_start3A_209 : memref<128xi32, #tpu.memory_space<vmem>>) semaphore(%arg13 : memref<!tpu.dma_semaphore, #tpu.memory_space<semaphore_mem>>)
    %dma_start3A_213 = arith.constant 1 : i32
    %dma_start3A_214 = arith.constant 1 : i32
    %dma_start3A_215 = arith.constant 0 : i32
    %dma_start3A_216 = arith.constant 0 : i32
    %dma_start3A_217 = tpu.memref_slice %arg7[%dma_start3A_214, %dma_start3A_215, %dma_start3A_216] : memref<3x128x128xf32, #tpu.memory_space<vmem>> -> memref<1x128x128xf32, #tpu.memory_space<vmem>>
    %dma_start3A_218 = tpu.memref_squeeze %dma_start3A_217 : memref<1x128x128xf32, #tpu.memory_space<vmem>> -> memref<128x128xf32, #tpu.memory_space<vmem>>
    %dma_start3A_219 = arith.constant 0 : i32
    %dma_start3A_220 = tpu.memref_slice %arg6[%dma_start3A_213, %dma_start3A_219] : memref<12x128xi32, #tpu.memory_space<vmem>> -> memref<1x128xi32, #tpu.memory_space<vmem>>
    %dma_start3A_221 = tpu.memref_squeeze %dma_start3A_220 : memref<1x128xi32, #tpu.memory_space<vmem>> -> memref<128xi32, #tpu.memory_space<vmem>>
    %dma_start3A_222 = arith.constant 0 : i32
    %dma_start3A_223 = arith.constant 0 : i32
    %dma_start3A_224 = tpu.memref_slice %arg4[%dma_start3A_222, %dma_start3A_223] : memref<100000x128xf32, #tpu.memory_space<hbm>> -> memref<100000x128xf32, #tpu.memory_space<hbm>>
    tpu.enqueue_indirect_dma source(%dma_start3A_224 : memref<100000x128xf32, #tpu.memory_space<hbm>>) target(%dma_start3A_218 : memref<128x128xf32, #tpu.memory_space<vmem>>) offsets(%dma_start3A_221 : memref<128xi32, #tpu.memory_space<vmem>>) semaphore(%arg13 : memref<!tpu.dma_semaphore, #tpu.memory_space<semaphore_mem>>)
    %dma_start3A_225 = arith.constant 2 : i32
    %dma_start3A_226 = arith.constant 2 : i32
    %dma_start3A_227 = arith.constant 0 : i32
    %dma_start3A_228 = arith.constant 0 : i32
    %dma_start3A_229 = tpu.memref_slice %arg7[%dma_start3A_226, %dma_start3A_227, %dma_start3A_228] : memref<3x128x128xf32, #tpu.memory_space<vmem>> -> memref<1x128x128xf32, #tpu.memory_space<vmem>>
    %dma_start3A_230 = tpu.memref_squeeze %dma_start3A_229 : memref<1x128x128xf32, #tpu.memory_space<vmem>> -> memref<128x128xf32, #tpu.memory_space<vmem>>
    %dma_start3A_231 = arith.constant 0 : i32
    %dma_start3A_232 = tpu.memref_slice %arg6[%dma_start3A_225, %dma_start3A_231] : memref<12x128xi32, #tpu.memory_space<vmem>> -> memref<1x128xi32, #tpu.memory_space<vmem>>
    %dma_start3A_233 = tpu.memref_squeeze %dma_start3A_232 : memref<1x128xi32, #tpu.memory_space<vmem>> -> memref<128xi32, #tpu.memory_space<vmem>>
    %dma_start3A_234 = arith.constant 0 : i32
    %dma_start3A_235 = arith.constant 0 : i32
    %dma_start3A_236 = tpu.memref_slice %arg4[%dma_start3A_234, %dma_start3A_235] : memref<100000x128xf32, #tpu.memory_space<hbm>> -> memref<100000x128xf32, #tpu.memory_space<hbm>>
    tpu.enqueue_indirect_dma source(%dma_start3A_236 : memref<100000x128xf32, #tpu.memory_space<hbm>>) target(%dma_start3A_230 : memref<128x128xf32, #tpu.memory_space<vmem>>) offsets(%dma_start3A_233 : memref<128xi32, #tpu.memory_space<vmem>>) semaphore(%arg13 : memref<!tpu.dma_semaphore, #tpu.memory_space<semaphore_mem>>)
    %dma_wait3A_237 = arith.constant 3 : i32
    %dma_wait3A_238 = arith.constant 0 : i32
    %dma_wait3A_239 = tpu.memref_slice %arg6[%dma_wait3A_237, %dma_wait3A_238] : memref<12x128xi32, #tpu.memory_space<vmem>> -> memref<1x128xi32, #tpu.memory_space<vmem>>
    %dma_wait3A_240 = arith.constant 0 : i32
    %dma_wait3A_241 = tpu.memref_slice %arg2[%dma_wait3A_240, %add3A_45] : memref<3x16384xi32, #tpu.memory_space<hbm>> -> memref<1x128xi32, #tpu.memory_space<hbm>>
    %dma_wait3A_242 = arith.constant 3 : i32
    %dma_wait3A_243 = arith.constant 0 : i32
    %dma_wait3A_244 = tpu.memref_slice %arg6[%dma_wait3A_242, %dma_wait3A_243] : memref<12x128xi32, #tpu.memory_space<vmem>> -> memref<1x128xi32, #tpu.memory_space<vmem>>
    %dma_wait3A_245 = arith.constant 0 : i32
    %dma_wait3A_246 = tpu.memref_slice %arg2[%dma_wait3A_245, %add3A_45] : memref<3x16384xi32, #tpu.memory_space<hbm>> -> memref<1x128xi32, #tpu.memory_space<hbm>>
    tpu.wait_dma2 semaphore(%arg12 : memref<!tpu.dma_semaphore, #tpu.memory_space<semaphore_mem>>) src(%dma_wait3A_246 : memref<1x128xi32, #tpu.memory_space<hbm>>) dst(%dma_wait3A_244 : memref<1x128xi32, #tpu.memory_space<vmem>>)
    %dma_wait3A_247 = arith.constant 4 : i32
    %dma_wait3A_248 = arith.constant 0 : i32
    %dma_wait3A_249 = tpu.memref_slice %arg6[%dma_wait3A_247, %dma_wait3A_248] : memref<12x128xi32, #tpu.memory_space<vmem>> -> memref<1x128xi32, #tpu.memory_space<vmem>>
    %dma_wait3A_250 = arith.constant 1 : i32
    %dma_wait3A_251 = tpu.memref_slice %arg2[%dma_wait3A_250, %add3A_59] : memref<3x16384xi32, #tpu.memory_space<hbm>> -> memref<1x128xi32, #tpu.memory_space<hbm>>
    %dma_wait3A_252 = arith.constant 4 : i32
    %dma_wait3A_253 = arith.constant 0 : i32
    %dma_wait3A_254 = tpu.memref_slice %arg6[%dma_wait3A_252, %dma_wait3A_253] : memref<12x128xi32, #tpu.memory_space<vmem>> -> memref<1x128xi32, #tpu.memory_space<vmem>>
    %dma_wait3A_255 = arith.constant 1 : i32
    %dma_wait3A_256 = tpu.memref_slice %arg2[%dma_wait3A_255, %add3A_59] : memref<3x16384xi32, #tpu.memory_space<hbm>> -> memref<1x128xi32, #tpu.memory_space<hbm>>
    tpu.wait_dma2 semaphore(%arg12 : memref<!tpu.dma_semaphore, #tpu.memory_space<semaphore_mem>>) src(%dma_wait3A_256 : memref<1x128xi32, #tpu.memory_space<hbm>>) dst(%dma_wait3A_254 : memref<1x128xi32, #tpu.memory_space<vmem>>)
    %dma_wait3A_257 = arith.constant 5 : i32
    %dma_wait3A_258 = arith.constant 0 : i32
    %dma_wait3A_259 = tpu.memref_slice %arg6[%dma_wait3A_257, %dma_wait3A_258] : memref<12x128xi32, #tpu.memory_space<vmem>> -> memref<1x128xi32, #tpu.memory_space<vmem>>
    %dma_wait3A_260 = arith.constant 2 : i32
    %dma_wait3A_261 = tpu.memref_slice %arg2[%dma_wait3A_260, %add3A_73] : memref<3x16384xi32, #tpu.memory_space<hbm>> -> memref<1x128xi32, #tpu.memory_space<hbm>>
    %dma_wait3A_262 = arith.constant 5 : i32
    %dma_wait3A_263 = arith.constant 0 : i32
    %dma_wait3A_264 = tpu.memref_slice %arg6[%dma_wait3A_262, %dma_wait3A_263] : memref<12x128xi32, #tpu.memory_space<vmem>> -> memref<1x128xi32, #tpu.memory_space<vmem>>
    %dma_wait3A_265 = arith.constant 2 : i32
    %dma_wait3A_266 = tpu.memref_slice %arg2[%dma_wait3A_265, %add3A_73] : memref<3x16384xi32, #tpu.memory_space<hbm>> -> memref<1x128xi32, #tpu.memory_space<hbm>>
    tpu.wait_dma2 semaphore(%arg12 : memref<!tpu.dma_semaphore, #tpu.memory_space<semaphore_mem>>) src(%dma_wait3A_266 : memref<1x128xi32, #tpu.memory_space<hbm>>) dst(%dma_wait3A_264 : memref<1x128xi32, #tpu.memory_space<vmem>>)
    %dma_wait3A_267 = arith.constant 6 : i32
    %dma_wait3A_268 = arith.constant 0 : i32
    %dma_wait3A_269 = tpu.memref_slice %arg6[%dma_wait3A_267, %dma_wait3A_268] : memref<12x128xi32, #tpu.memory_space<vmem>> -> memref<1x128xi32, #tpu.memory_space<vmem>>
    %dma_wait3A_270 = arith.constant 0 : i32
    %dma_wait3A_271 = tpu.memref_slice %arg2[%dma_wait3A_270, %add3A_87] : memref<3x16384xi32, #tpu.memory_space<hbm>> -> memref<1x128xi32, #tpu.memory_space<hbm>>
    %dma_wait3A_272 = arith.constant 6 : i32
    %dma_wait3A_273 = arith.constant 0 : i32
    %dma_wait3A_274 = tpu.memref_slice %arg6[%dma_wait3A_272, %dma_wait3A_273] : memref<12x128xi32, #tpu.memory_space<vmem>> -> memref<1x128xi32, #tpu.memory_space<vmem>>
    %dma_wait3A_275 = arith.constant 0 : i32
    %dma_wait3A_276 = tpu.memref_slice %arg2[%dma_wait3A_275, %add3A_87] : memref<3x16384xi32, #tpu.memory_space<hbm>> -> memref<1x128xi32, #tpu.memory_space<hbm>>
    tpu.wait_dma2 semaphore(%arg12 : memref<!tpu.dma_semaphore, #tpu.memory_space<semaphore_mem>>) src(%dma_wait3A_276 : memref<1x128xi32, #tpu.memory_space<hbm>>) dst(%dma_wait3A_274 : memref<1x128xi32, #tpu.memory_space<vmem>>)
    %dma_wait3A_277 = arith.constant 7 : i32
    %dma_wait3A_278 = arith.constant 0 : i32
    %dma_wait3A_279 = tpu.memref_slice %arg6[%dma_wait3A_277, %dma_wait3A_278] : memref<12x128xi32, #tpu.memory_space<vmem>> -> memref<1x128xi32, #tpu.memory_space<vmem>>
    %dma_wait3A_280 = arith.constant 1 : i32
    %dma_wait3A_281 = tpu.memref_slice %arg2[%dma_wait3A_280, %add3A_101] : memref<3x16384xi32, #tpu.memory_space<hbm>> -> memref<1x128xi32, #tpu.memory_space<hbm>>
    %dma_wait3A_282 = arith.constant 7 : i32
    %dma_wait3A_283 = arith.constant 0 : i32
    %dma_wait3A_284 = tpu.memref_slice %arg6[%dma_wait3A_282, %dma_wait3A_283] : memref<12x128xi32, #tpu.memory_space<vmem>> -> memref<1x128xi32, #tpu.memory_space<vmem>>
    %dma_wait3A_285 = arith.constant 1 : i32
    %dma_wait3A_286 = tpu.memref_slice %arg2[%dma_wait3A_285, %add3A_101] : memref<3x16384xi32, #tpu.memory_space<hbm>> -> memref<1x128xi32, #tpu.memory_space<hbm>>
    tpu.wait_dma2 semaphore(%arg12 : memref<!tpu.dma_semaphore, #tpu.memory_space<semaphore_mem>>) src(%dma_wait3A_286 : memref<1x128xi32, #tpu.memory_space<hbm>>) dst(%dma_wait3A_284 : memref<1x128xi32, #tpu.memory_space<vmem>>)
    %dma_wait3A_287 = arith.constant 8 : i32
    %dma_wait3A_288 = arith.constant 0 : i32
    %dma_wait3A_289 = tpu.memref_slice %arg6[%dma_wait3A_287, %dma_wait3A_288] : memref<12x128xi32, #tpu.memory_space<vmem>> -> memref<1x128xi32, #tpu.memory_space<vmem>>
    %dma_wait3A_290 = arith.constant 2 : i32
    %dma_wait3A_291 = tpu.memref_slice %arg2[%dma_wait3A_290, %add3A_115] : memref<3x16384xi32, #tpu.memory_space<hbm>> -> memref<1x128xi32, #tpu.memory_space<hbm>>
    %dma_wait3A_292 = arith.constant 8 : i32
    %dma_wait3A_293 = arith.constant 0 : i32
    %dma_wait3A_294 = tpu.memref_slice %arg6[%dma_wait3A_292, %dma_wait3A_293] : memref<12x128xi32, #tpu.memory_space<vmem>> -> memref<1x128xi32, #tpu.memory_space<vmem>>
    %dma_wait3A_295 = arith.constant 2 : i32
    %dma_wait3A_296 = tpu.memref_slice %arg2[%dma_wait3A_295, %add3A_115] : memref<3x16384xi32, #tpu.memory_space<hbm>> -> memref<1x128xi32, #tpu.memory_space<hbm>>
    tpu.wait_dma2 semaphore(%arg12 : memref<!tpu.dma_semaphore, #tpu.memory_space<semaphore_mem>>) src(%dma_wait3A_296 : memref<1x128xi32, #tpu.memory_space<hbm>>) dst(%dma_wait3A_294 : memref<1x128xi32, #tpu.memory_space<vmem>>)
    %dma_wait3A_297 = arith.constant 9 : i32
    %dma_wait3A_298 = arith.constant 0 : i32
    %dma_wait3A_299 = tpu.memref_slice %arg6[%dma_wait3A_297, %dma_wait3A_298] : memref<12x128xi32, #tpu.memory_space<vmem>> -> memref<1x128xi32, #tpu.memory_space<vmem>>
    %dma_wait3A_300 = arith.constant 0 : i32
    %dma_wait3A_301 = tpu.memref_slice %arg2[%dma_wait3A_300, %add3A_129] : memref<3x16384xi32, #tpu.memory_space<hbm>> -> memref<1x128xi32, #tpu.memory_space<hbm>>
    %dma_wait3A_302 = arith.constant 9 : i32
    %dma_wait3A_303 = arith.constant 0 : i32
    %dma_wait3A_304 = tpu.memref_slice %arg6[%dma_wait3A_302, %dma_wait3A_303] : memref<12x128xi32, #tpu.memory_space<vmem>> -> memref<1x128xi32, #tpu.memory_space<vmem>>
    %dma_wait3A_305 = arith.constant 0 : i32
    %dma_wait3A_306 = tpu.memref_slice %arg2[%dma_wait3A_305, %add3A_129] : memref<3x16384xi32, #tpu.memory_space<hbm>> -> memref<1x128xi32, #tpu.memory_space<hbm>>
    tpu.wait_dma2 semaphore(%arg12 : memref<!tpu.dma_semaphore, #tpu.memory_space<semaphore_mem>>) src(%dma_wait3A_306 : memref<1x128xi32, #tpu.memory_space<hbm>>) dst(%dma_wait3A_304 : memref<1x128xi32, #tpu.memory_space<vmem>>)
    %dma_wait3A_307 = arith.constant 10 : i32
    %dma_wait3A_308 = arith.constant 0 : i32
    %dma_wait3A_309 = tpu.memref_slice %arg6[%dma_wait3A_307, %dma_wait3A_308] : memref<12x128xi32, #tpu.memory_space<vmem>> -> memref<1x128xi32, #tpu.memory_space<vmem>>
    %dma_wait3A_310 = arith.constant 1 : i32
    %dma_wait3A_311 = tpu.memref_slice %arg2[%dma_wait3A_310, %add3A_143] : memref<3x16384xi32, #tpu.memory_space<hbm>> -> memref<1x128xi32, #tpu.memory_space<hbm>>
    %dma_wait3A_312 = arith.constant 10 : i32
    %dma_wait3A_313 = arith.constant 0 : i32
    %dma_wait3A_314 = tpu.memref_slice %arg6[%dma_wait3A_312, %dma_wait3A_313] : memref<12x128xi32, #tpu.memory_space<vmem>> -> memref<1x128xi32, #tpu.memory_space<vmem>>
    %dma_wait3A_315 = arith.constant 1 : i32
    %dma_wait3A_316 = tpu.memref_slice %arg2[%dma_wait3A_315, %add3A_143] : memref<3x16384xi32, #tpu.memory_space<hbm>> -> memref<1x128xi32, #tpu.memory_space<hbm>>
    tpu.wait_dma2 semaphore(%arg12 : memref<!tpu.dma_semaphore, #tpu.memory_space<semaphore_mem>>) src(%dma_wait3A_316 : memref<1x128xi32, #tpu.memory_space<hbm>>) dst(%dma_wait3A_314 : memref<1x128xi32, #tpu.memory_space<vmem>>)
    %dma_wait3A_317 = arith.constant 11 : i32
    %dma_wait3A_318 = arith.constant 0 : i32
    %dma_wait3A_319 = tpu.memref_slice %arg6[%dma_wait3A_317, %dma_wait3A_318] : memref<12x128xi32, #tpu.memory_space<vmem>> -> memref<1x128xi32, #tpu.memory_space<vmem>>
    %dma_wait3A_320 = arith.constant 2 : i32
    %dma_wait3A_321 = tpu.memref_slice %arg2[%dma_wait3A_320, %add3A_157] : memref<3x16384xi32, #tpu.memory_space<hbm>> -> memref<1x128xi32, #tpu.memory_space<hbm>>
    %dma_wait3A_322 = arith.constant 11 : i32
    %dma_wait3A_323 = arith.constant 0 : i32
    %dma_wait3A_324 = tpu.memref_slice %arg6[%dma_wait3A_322, %dma_wait3A_323] : memref<12x128xi32, #tpu.memory_space<vmem>> -> memref<1x128xi32, #tpu.memory_space<vmem>>
    %dma_wait3A_325 = arith.constant 2 : i32
    %dma_wait3A_326 = tpu.memref_slice %arg2[%dma_wait3A_325, %add3A_157] : memref<3x16384xi32, #tpu.memory_space<hbm>> -> memref<1x128xi32, #tpu.memory_space<hbm>>
    tpu.wait_dma2 semaphore(%arg12 : memref<!tpu.dma_semaphore, #tpu.memory_space<semaphore_mem>>) src(%dma_wait3A_326 : memref<1x128xi32, #tpu.memory_space<hbm>>) dst(%dma_wait3A_324 : memref<1x128xi32, #tpu.memory_space<vmem>>)
    %dma_wait3A_327 = tpu.memref_slice %arg3[%mul3A_169] : memref<16384xf32, #tpu.memory_space<hbm>> -> memref<512xf32, #tpu.memory_space<hbm>>
    %dma_wait3A_328 = tpu.memref_slice %arg3[%mul3A_169] : memref<16384xf32, #tpu.memory_space<hbm>> -> memref<512xf32, #tpu.memory_space<hbm>>
    tpu.wait_dma2 semaphore(%arg14 : memref<!tpu.dma_semaphore, #tpu.memory_space<semaphore_mem>>) src(%dma_wait3A_328 : memref<512xf32, #tpu.memory_space<hbm>>) dst(%arg9 : memref<512xf32, #tpu.memory_space<vmem>>)
    %broadcast_in_dim3A = arith.constant 0.000000e+00 : f32
    %broadcast_in_dim3A_329 = vector.broadcast %broadcast_in_dim3A : f32 to vector<16xf32>
    %dma_start3A_330 = arith.constant 3 : i32
    %dma_start3A_331 = arith.constant 0 : i32
    %dma_start3A_332 = arith.constant 0 : i32
    %dma_start3A_333 = arith.constant 0 : i32
    %dma_start3A_334 = tpu.memref_slice %arg8[%dma_start3A_331, %dma_start3A_332, %dma_start3A_333] : memref<3x128x128xf32, #tpu.memory_space<vmem>> -> memref<1x128x128xf32, #tpu.memory_space<vmem>>
    %dma_start3A_335 = tpu.memref_squeeze %dma_start3A_334 : memref<1x128x128xf32, #tpu.memory_space<vmem>> -> memref<128x128xf32, #tpu.memory_space<vmem>>
    %dma_start3A_336 = arith.constant 0 : i32
    %dma_start3A_337 = tpu.memref_slice %arg6[%dma_start3A_330, %dma_start3A_336] : memref<12x128xi32, #tpu.memory_space<vmem>> -> memref<1x128xi32, #tpu.memory_space<vmem>>
    %dma_start3A_338 = tpu.memref_squeeze %dma_start3A_337 : memref<1x128xi32, #tpu.memory_space<vmem>> -> memref<128xi32, #tpu.memory_space<vmem>>
    %dma_start3A_339 = arith.constant 0 : i32
    %dma_start3A_340 = arith.constant 0 : i32
    %dma_start3A_341 = tpu.memref_slice %arg4[%dma_start3A_339, %dma_start3A_340] : memref<100000x128xf32, #tpu.memory_space<hbm>> -> memref<100000x128xf32, #tpu.memory_space<hbm>>
    tpu.enqueue_indirect_dma source(%dma_start3A_341 : memref<100000x128xf32, #tpu.memory_space<hbm>>) target(%dma_start3A_335 : memref<128x128xf32, #tpu.memory_space<vmem>>) offsets(%dma_start3A_338 : memref<128xi32, #tpu.memory_space<vmem>>) semaphore(%arg14 : memref<!tpu.dma_semaphore, #tpu.memory_space<semaphore_mem>>)
    %dma_start3A_342 = arith.constant 4 : i32
    %dma_start3A_343 = arith.constant 1 : i32
    %dma_start3A_344 = arith.constant 0 : i32
    %dma_start3A_345 = arith.constant 0 : i32
    %dma_start3A_346 = tpu.memref_slice %arg8[%dma_start3A_343, %dma_start3A_344, %dma_start3A_345] : memref<3x128x128xf32, #tpu.memory_space<vmem>> -> memref<1x128x128xf32, #tpu.memory_space<vmem>>
    %dma_start3A_347 = tpu.memref_squeeze %dma_start3A_346 : memref<1x128x128xf32, #tpu.memory_space<vmem>> -> memref<128x128xf32, #tpu.memory_space<vmem>>
    %dma_start3A_348 = arith.constant 0 : i32
    %dma_start3A_349 = tpu.memref_slice %arg6[%dma_start3A_342, %dma_start3A_348] : memref<12x128xi32, #tpu.memory_space<vmem>> -> memref<1x128xi32, #tpu.memory_space<vmem>>
    %dma_start3A_350 = tpu.memref_squeeze %dma_start3A_349 : memref<1x128xi32, #tpu.memory_space<vmem>> -> memref<128xi32, #tpu.memory_space<vmem>>
    %dma_start3A_351 = arith.constant 0 : i32
    %dma_start3A_352 = arith.constant 0 : i32
    %dma_start3A_353 = tpu.memref_slice %arg4[%dma_start3A_351, %dma_start3A_352] : memref<100000x128xf32, #tpu.memory_space<hbm>> -> memref<100000x128xf32, #tpu.memory_space<hbm>>
    tpu.enqueue_indirect_dma source(%dma_start3A_353 : memref<100000x128xf32, #tpu.memory_space<hbm>>) target(%dma_start3A_347 : memref<128x128xf32, #tpu.memory_space<vmem>>) offsets(%dma_start3A_350 : memref<128xi32, #tpu.memory_space<vmem>>) semaphore(%arg14 : memref<!tpu.dma_semaphore, #tpu.memory_space<semaphore_mem>>)
    %dma_start3A_354 = arith.constant 5 : i32
    %dma_start3A_355 = arith.constant 2 : i32
    %dma_start3A_356 = arith.constant 0 : i32
    %dma_start3A_357 = arith.constant 0 : i32
    %dma_start3A_358 = tpu.memref_slice %arg8[%dma_start3A_355, %dma_start3A_356, %dma_start3A_357] : memref<3x128x128xf32, #tpu.memory_space<vmem>> -> memref<1x128x128xf32, #tpu.memory_space<vmem>>
    %dma_start3A_359 = tpu.memref_squeeze %dma_start3A_358 : memref<1x128x128xf32, #tpu.memory_space<vmem>> -> memref<128x128xf32, #tpu.memory_space<vmem>>
    %dma_start3A_360 = arith.constant 0 : i32
    %dma_start3A_361 = tpu.memref_slice %arg6[%dma_start3A_354, %dma_start3A_360] : memref<12x128xi32, #tpu.memory_space<vmem>> -> memref<1x128xi32, #tpu.memory_space<vmem>>
    %dma_start3A_362 = tpu.memref_squeeze %dma_start3A_361 : memref<1x128xi32, #tpu.memory_space<vmem>> -> memref<128xi32, #tpu.memory_space<vmem>>
    %dma_start3A_363 = arith.constant 0 : i32
    %dma_start3A_364 = arith.constant 0 : i32
    %dma_start3A_365 = tpu.memref_slice %arg4[%dma_start3A_363, %dma_start3A_364] : memref<100000x128xf32, #tpu.memory_space<hbm>> -> memref<100000x128xf32, #tpu.memory_space<hbm>>
    tpu.enqueue_indirect_dma source(%dma_start3A_365 : memref<100000x128xf32, #tpu.memory_space<hbm>>) target(%dma_start3A_359 : memref<128x128xf32, #tpu.memory_space<vmem>>) offsets(%dma_start3A_362 : memref<128xi32, #tpu.memory_space<vmem>>) semaphore(%arg14 : memref<!tpu.dma_semaphore, #tpu.memory_space<semaphore_mem>>)
    %dma_wait3A_366 = arith.constant 0 : i32
    %dma_wait3A_367 = arith.constant 0 : i32
    %dma_wait3A_368 = arith.constant 0 : i32
    %dma_wait3A_369 = arith.constant 0 : i32
    %dma_wait3A_370 = tpu.memref_slice %arg7[%dma_wait3A_367, %dma_wait3A_368, %dma_wait3A_369] : memref<3x128x128xf32, #tpu.memory_space<vmem>> -> memref<1x128x128xf32, #tpu.memory_space<vmem>>
    %dma_wait3A_371 = tpu.memref_squeeze %dma_wait3A_370 : memref<1x128x128xf32, #tpu.memory_space<vmem>> -> memref<128x128xf32, #tpu.memory_space<vmem>>
    %dma_wait3A_372 = arith.constant 0 : i32
    %dma_wait3A_373 = tpu.memref_slice %arg6[%dma_wait3A_366, %dma_wait3A_372] : memref<12x128xi32, #tpu.memory_space<vmem>> -> memref<1x128xi32, #tpu.memory_space<vmem>>
    %dma_wait3A_374 = tpu.memref_squeeze %dma_wait3A_373 : memref<1x128xi32, #tpu.memory_space<vmem>> -> memref<128xi32, #tpu.memory_space<vmem>>
    %dma_wait3A_375 = arith.constant 0 : i32
    %dma_wait3A_376 = arith.constant 0 : i32
    %dma_wait3A_377 = tpu.memref_slice %arg4[%dma_wait3A_375, %dma_wait3A_376] : memref<100000x128xf32, #tpu.memory_space<hbm>> -> memref<100000x128xf32, #tpu.memory_space<hbm>>
    tpu.wait_indirect_dma semaphore(%arg13 : memref<!tpu.dma_semaphore, #tpu.memory_space<semaphore_mem>>) src(%dma_wait3A_377 : memref<100000x128xf32, #tpu.memory_space<hbm>>) dst(%dma_wait3A_371 : memref<128x128xf32, #tpu.memory_space<vmem>>)
    %dma_wait3A_378 = arith.constant 1 : i32
    %dma_wait3A_379 = arith.constant 1 : i32
    %dma_wait3A_380 = arith.constant 0 : i32
    %dma_wait3A_381 = arith.constant 0 : i32
    %dma_wait3A_382 = tpu.memref_slice %arg7[%dma_wait3A_379, %dma_wait3A_380, %dma_wait3A_381] : memref<3x128x128xf32, #tpu.memory_space<vmem>> -> memref<1x128x128xf32, #tpu.memory_space<vmem>>
    %dma_wait3A_383 = tpu.memref_squeeze %dma_wait3A_382 : memref<1x128x128xf32, #tpu.memory_space<vmem>> -> memref<128x128xf32, #tpu.memory_space<vmem>>
    %dma_wait3A_384 = arith.constant 0 : i32
    %dma_wait3A_385 = tpu.memref_slice %arg6[%dma_wait3A_378, %dma_wait3A_384] : memref<12x128xi32, #tpu.memory_space<vmem>> -> memref<1x128xi32, #tpu.memory_space<vmem>>
    %dma_wait3A_386 = tpu.memref_squeeze %dma_wait3A_385 : memref<1x128xi32, #tpu.memory_space<vmem>> -> memref<128xi32, #tpu.memory_space<vmem>>
    %dma_wait3A_387 = arith.constant 0 : i32
    %dma_wait3A_388 = arith.constant 0 : i32
    %dma_wait3A_389 = tpu.memref_slice %arg4[%dma_wait3A_387, %dma_wait3A_388] : memref<100000x128xf32, #tpu.memory_space<hbm>> -> memref<100000x128xf32, #tpu.memory_space<hbm>>
    tpu.wait_indirect_dma semaphore(%arg13 : memref<!tpu.dma_semaphore, #tpu.memory_space<semaphore_mem>>) src(%dma_wait3A_389 : memref<100000x128xf32, #tpu.memory_space<hbm>>) dst(%dma_wait3A_383 : memref<128x128xf32, #tpu.memory_space<vmem>>)
    %dma_wait3A_390 = arith.constant 2 : i32
    %dma_wait3A_391 = arith.constant 2 : i32
    %dma_wait3A_392 = arith.constant 0 : i32
    %dma_wait3A_393 = arith.constant 0 : i32
    %dma_wait3A_394 = tpu.memref_slice %arg7[%dma_wait3A_391, %dma_wait3A_392, %dma_wait3A_393] : memref<3x128x128xf32, #tpu.memory_space<vmem>> -> memref<1x128x128xf32, #tpu.memory_space<vmem>>
    %dma_wait3A_395 = tpu.memref_squeeze %dma_wait3A_394 : memref<1x128x128xf32, #tpu.memory_space<vmem>> -> memref<128x128xf32, #tpu.memory_space<vmem>>
    %dma_wait3A_396 = arith.constant 0 : i32
    %dma_wait3A_397 = tpu.memref_slice %arg6[%dma_wait3A_390, %dma_wait3A_396] : memref<12x128xi32, #tpu.memory_space<vmem>> -> memref<1x128xi32, #tpu.memory_space<vmem>>
    %dma_wait3A_398 = tpu.memref_squeeze %dma_wait3A_397 : memref<1x128xi32, #tpu.memory_space<vmem>> -> memref<128xi32, #tpu.memory_space<vmem>>
    %dma_wait3A_399 = arith.constant 0 : i32
    %dma_wait3A_400 = arith.constant 0 : i32
    %dma_wait3A_401 = tpu.memref_slice %arg4[%dma_wait3A_399, %dma_wait3A_400] : memref<100000x128xf32, #tpu.memory_space<hbm>> -> memref<100000x128xf32, #tpu.memory_space<hbm>>
    tpu.wait_indirect_dma semaphore(%arg13 : memref<!tpu.dma_semaphore, #tpu.memory_space<semaphore_mem>>) src(%dma_wait3A_401 : memref<100000x128xf32, #tpu.memory_space<hbm>>) dst(%dma_wait3A_395 : memref<128x128xf32, #tpu.memory_space<vmem>>)
    %parallel_loop3A = arith.constant 0 : i32
    %parallel_loop3A_402 = arith.constant 128 : i32
    %parallel_loop3A_403 = arith.constant 1 : i32
    scf.for %parallel_loop3A_610 = %parallel_loop3A to %parallel_loop3A_402 step %parallel_loop3A_403  : i32 {
      %parallel_loop3A_611 = arith.constant 0.000000e+00 : f32
      %parallel_loop3A_612 = vector.broadcast %parallel_loop3A_611 : f32 to vector<16xf32>
      %parallel_loop3A_613 = arith.constant 0 : i32
      %parallel_loop3A_614 = arith.index_cast %parallel_loop3A_613 : i32 to index
      %parallel_loop3A_615 = arith.index_cast %parallel_loop3A_610 : i32 to index
      %parallel_loop3A_616 = arith.constant 0 : index
      %parallel_loop3A_617 = tpu.vector_load %arg7[%parallel_loop3A_614, %parallel_loop3A_615, %parallel_loop3A_616] {strides = array<i32>} : memref<3x128x128xf32, #tpu.memory_space<vmem>>, vector<16xf32>,
      %parallel_loop3A_618 = arith.constant 1 : i32
      %parallel_loop3A_619 = arith.index_cast %parallel_loop3A_618 : i32 to index
      %parallel_loop3A_620 = arith.index_cast %parallel_loop3A_610 : i32 to index
      %parallel_loop3A_621 = arith.constant 0 : index
      %parallel_loop3A_622 = tpu.vector_load %arg7[%parallel_loop3A_619, %parallel_loop3A_620, %parallel_loop3A_621] {strides = array<i32>} : memref<3x128x128xf32, #tpu.memory_space<vmem>>, vector<16xf32>,
      %parallel_loop3A_623 = arith.mulf %parallel_loop3A_617, %parallel_loop3A_622 : vector<16xf32>
      %parallel_loop3A_624 = arith.constant 2 : i32
      %parallel_loop3A_625 = arith.index_cast %parallel_loop3A_624 : i32 to index
      %parallel_loop3A_626 = arith.index_cast %parallel_loop3A_610 : i32 to index
      %parallel_loop3A_627 = arith.constant 0 : index
      %parallel_loop3A_628 = tpu.vector_load %arg7[%parallel_loop3A_625, %parallel_loop3A_626, %parallel_loop3A_627] {strides = array<i32>} : memref<3x128x128xf32, #tpu.memory_space<vmem>>, vector<16xf32>,
      %parallel_loop3A_629 = arith.mulf %parallel_loop3A_623, %parallel_loop3A_628 : vector<16xf32>
      %parallel_loop3A_630 = arith.addf %parallel_loop3A_612, %parallel_loop3A_629 : vector<16xf32>
      %parallel_loop3A_631 = arith.constant 0 : i32
      %parallel_loop3A_632 = arith.index_cast %parallel_loop3A_631 : i32 to index
      %parallel_loop3A_633 = arith.index_cast %parallel_loop3A_610 : i32 to index
      %parallel_loop3A_634 = arith.constant 16 : index
      %parallel_loop3A_635 = tpu.vector_load %arg7[%parallel_loop3A_632, %parallel_loop3A_633, %parallel_loop3A_634] {strides = array<i32>} : memref<3x128x128xf32, #tpu.memory_space<vmem>>, vector<16xf32>,
      %parallel_loop3A_636 = arith.constant 1 : i32
      %parallel_loop3A_637 = arith.index_cast %parallel_loop3A_636 : i32 to index
      %parallel_loop3A_638 = arith.index_cast %parallel_loop3A_610 : i32 to index
      %parallel_loop3A_639 = arith.constant 16 : index
      %parallel_loop3A_640 = tpu.vector_load %arg7[%parallel_loop3A_637, %parallel_loop3A_638, %parallel_loop3A_639] {strides = array<i32>} : memref<3x128x128xf32, #tpu.memory_space<vmem>>, vector<16xf32>,
      %parallel_loop3A_641 = arith.mulf %parallel_loop3A_635, %parallel_loop3A_640 : vector<16xf32>
      %parallel_loop3A_642 = arith.constant 2 : i32
      %parallel_loop3A_643 = arith.index_cast %parallel_loop3A_642 : i32 to index
      %parallel_loop3A_644 = arith.index_cast %parallel_loop3A_610 : i32 to index
      %parallel_loop3A_645 = arith.constant 16 : index
      %parallel_loop3A_646 = tpu.vector_load %arg7[%parallel_loop3A_643, %parallel_loop3A_644, %parallel_loop3A_645] {strides = array<i32>} : memref<3x128x128xf32, #tpu.memory_space<vmem>>, vector<16xf32>,
      %parallel_loop3A_647 = arith.mulf %parallel_loop3A_641, %parallel_loop3A_646 : vector<16xf32>
      %parallel_loop3A_648 = arith.addf %parallel_loop3A_630, %parallel_loop3A_647 : vector<16xf32>
      %parallel_loop3A_649 = arith.constant 0 : i32
      %parallel_loop3A_650 = arith.index_cast %parallel_loop3A_649 : i32 to index
      %parallel_loop3A_651 = arith.index_cast %parallel_loop3A_610 : i32 to index
      %parallel_loop3A_652 = arith.constant 32 : index
      %parallel_loop3A_653 = tpu.vector_load %arg7[%parallel_loop3A_650, %parallel_loop3A_651, %parallel_loop3A_652] {strides = array<i32>} : memref<3x128x128xf32, #tpu.memory_space<vmem>>, vector<16xf32>,
      %parallel_loop3A_654 = arith.constant 1 : i32
      %parallel_loop3A_655 = arith.index_cast %parallel_loop3A_654 : i32 to index
      %parallel_loop3A_656 = arith.index_cast %parallel_loop3A_610 : i32 to index
      %parallel_loop3A_657 = arith.constant 32 : index
      %parallel_loop3A_658 = tpu.vector_load %arg7[%parallel_loop3A_655, %parallel_loop3A_656, %parallel_loop3A_657] {strides = array<i32>} : memref<3x128x128xf32, #tpu.memory_space<vmem>>, vector<16xf32>,
      %parallel_loop3A_659 = arith.mulf %parallel_loop3A_653, %parallel_loop3A_658 : vector<16xf32>
      %parallel_loop3A_660 = arith.constant 2 : i32
      %parallel_loop3A_661 = arith.index_cast %parallel_loop3A_660 : i32 to index
      %parallel_loop3A_662 = arith.index_cast %parallel_loop3A_610 : i32 to index
      %parallel_loop3A_663 = arith.constant 32 : index
      %parallel_loop3A_664 = tpu.vector_load %arg7[%parallel_loop3A_661, %parallel_loop3A_662, %parallel_loop3A_663] {strides = array<i32>} : memref<3x128x128xf32, #tpu.memory_space<vmem>>, vector<16xf32>,
      %parallel_loop3A_665 = arith.mulf %parallel_loop3A_659, %parallel_loop3A_664 : vector<16xf32>
      %parallel_loop3A_666 = arith.addf %parallel_loop3A_648, %parallel_loop3A_665 : vector<16xf32>
      %parallel_loop3A_667 = arith.constant 0 : i32
      %parallel_loop3A_668 = arith.index_cast %parallel_loop3A_667 : i32 to index
      %parallel_loop3A_669 = arith.index_cast %parallel_loop3A_610 : i32 to index
      %parallel_loop3A_670 = arith.constant 48 : index
      %parallel_loop3A_671 = tpu.vector_load %arg7[%parallel_loop3A_668, %parallel_loop3A_669, %parallel_loop3A_670] {strides = array<i32>} : memref<3x128x128xf32, #tpu.memory_space<vmem>>, vector<16xf32>,
      %parallel_loop3A_672 = arith.constant 1 : i32
      %parallel_loop3A_673 = arith.index_cast %parallel_loop3A_672 : i32 to index
      %parallel_loop3A_674 = arith.index_cast %parallel_loop3A_610 : i32 to index
      %parallel_loop3A_675 = arith.constant 48 : index
      %parallel_loop3A_676 = tpu.vector_load %arg7[%parallel_loop3A_673, %parallel_loop3A_674, %parallel_loop3A_675] {strides = array<i32>} : memref<3x128x128xf32, #tpu.memory_space<vmem>>, vector<16xf32>,
      %parallel_loop3A_677 = arith.mulf %parallel_loop3A_671, %parallel_loop3A_676 : vector<16xf32>
      %parallel_loop3A_678 = arith.constant 2 : i32
      %parallel_loop3A_679 = arith.index_cast %parallel_loop3A_678 : i32 to index
      %parallel_loop3A_680 = arith.index_cast %parallel_loop3A_610 : i32 to index
      %parallel_loop3A_681 = arith.constant 48 : index
      %parallel_loop3A_682 = tpu.vector_load %arg7[%parallel_loop3A_679, %parallel_loop3A_680, %parallel_loop3A_681] {strides = array<i32>} : memref<3x128x128xf32, #tpu.memory_space<vmem>>, vector<16xf32>,
      %parallel_loop3A_683 = arith.mulf %parallel_loop3A_677, %parallel_loop3A_682 : vector<16xf32>
      %parallel_loop3A_684 = arith.addf %parallel_loop3A_666, %parallel_loop3A_683 : vector<16xf32>
      %parallel_loop3A_685 = arith.constant 0 : i32
      %parallel_loop3A_686 = arith.index_cast %parallel_loop3A_685 : i32 to index
      %parallel_loop3A_687 = arith.index_cast %parallel_loop3A_610 : i32 to index
      %parallel_loop3A_688 = arith.constant 64 : index
      %parallel_loop3A_689 = tpu.vector_load %arg7[%parallel_loop3A_686, %parallel_loop3A_687, %parallel_loop3A_688] {strides = array<i32>} : memref<3x128x128xf32, #tpu.memory_space<vmem>>, vector<16xf32>,
      %parallel_loop3A_690 = arith.constant 1 : i32
      %parallel_loop3A_691 = arith.index_cast %parallel_loop3A_690 : i32 to index
      %parallel_loop3A_692 = arith.index_cast %parallel_loop3A_610 : i32 to index
      %parallel_loop3A_693 = arith.constant 64 : index
      %parallel_loop3A_694 = tpu.vector_load %arg7[%parallel_loop3A_691, %parallel_loop3A_692, %parallel_loop3A_693] {strides = array<i32>} : memref<3x128x128xf32, #tpu.memory_space<vmem>>, vector<16xf32>,
      %parallel_loop3A_695 = arith.mulf %parallel_loop3A_689, %parallel_loop3A_694 : vector<16xf32>
      %parallel_loop3A_696 = arith.constant 2 : i32
      %parallel_loop3A_697 = arith.index_cast %parallel_loop3A_696 : i32 to index
      %parallel_loop3A_698 = arith.index_cast %parallel_loop3A_610 : i32 to index
      %parallel_loop3A_699 = arith.constant 64 : index
      %parallel_loop3A_700 = tpu.vector_load %arg7[%parallel_loop3A_697, %parallel_loop3A_698, %parallel_loop3A_699] {strides = array<i32>} : memref<3x128x128xf32, #tpu.memory_space<vmem>>, vector<16xf32>,
      %parallel_loop3A_701 = arith.mulf %parallel_loop3A_695, %parallel_loop3A_700 : vector<16xf32>
      %parallel_loop3A_702 = arith.addf %parallel_loop3A_684, %parallel_loop3A_701 : vector<16xf32>
      %parallel_loop3A_703 = arith.constant 0 : i32
      %parallel_loop3A_704 = arith.index_cast %parallel_loop3A_703 : i32 to index
      %parallel_loop3A_705 = arith.index_cast %parallel_loop3A_610 : i32 to index
      %parallel_loop3A_706 = arith.constant 80 : index
      %parallel_loop3A_707 = tpu.vector_load %arg7[%parallel_loop3A_704, %parallel_loop3A_705, %parallel_loop3A_706] {strides = array<i32>} : memref<3x128x128xf32, #tpu.memory_space<vmem>>, vector<16xf32>,
      %parallel_loop3A_708 = arith.constant 1 : i32
      %parallel_loop3A_709 = arith.index_cast %parallel_loop3A_708 : i32 to index
      %parallel_loop3A_710 = arith.index_cast %parallel_loop3A_610 : i32 to index
      %parallel_loop3A_711 = arith.constant 80 : index
      %parallel_loop3A_712 = tpu.vector_load %arg7[%parallel_loop3A_709, %parallel_loop3A_710, %parallel_loop3A_711] {strides = array<i32>} : memref<3x128x128xf32, #tpu.memory_space<vmem>>, vector<16xf32>,
      %parallel_loop3A_713 = arith.mulf %parallel_loop3A_707, %parallel_loop3A_712 : vector<16xf32>
      %parallel_loop3A_714 = arith.constant 2 : i32
      %parallel_loop3A_715 = arith.index_cast %parallel_loop3A_714 : i32 to index
      %parallel_loop3A_716 = arith.index_cast %parallel_loop3A_610 : i32 to index
      %parallel_loop3A_717 = arith.constant 80 : index
      %parallel_loop3A_718 = tpu.vector_load %arg7[%parallel_loop3A_715, %parallel_loop3A_716, %parallel_loop3A_717] {strides = array<i32>} : memref<3x128x128xf32, #tpu.memory_space<vmem>>, vector<16xf32>,
      %parallel_loop3A_719 = arith.mulf %parallel_loop3A_713, %parallel_loop3A_718 : vector<16xf32>
      %parallel_loop3A_720 = arith.addf %parallel_loop3A_702, %parallel_loop3A_719 : vector<16xf32>
      %parallel_loop3A_721 = arith.constant 0 : i32
      %parallel_loop3A_722 = arith.index_cast %parallel_loop3A_721 : i32 to index
      %parallel_loop3A_723 = arith.index_cast %parallel_loop3A_610 : i32 to index
      %parallel_loop3A_724 = arith.constant 96 : index
      %parallel_loop3A_725 = tpu.vector_load %arg7[%parallel_loop3A_722, %parallel_loop3A_723, %parallel_loop3A_724] {strides = array<i32>} : memref<3x128x128xf32, #tpu.memory_space<vmem>>, vector<16xf32>,
      %parallel_loop3A_726 = arith.constant 1 : i32
      %parallel_loop3A_727 = arith.index_cast %parallel_loop3A_726 : i32 to index
      %parallel_loop3A_728 = arith.index_cast %parallel_loop3A_610 : i32 to index
      %parallel_loop3A_729 = arith.constant 96 : index
      %parallel_loop3A_730 = tpu.vector_load %arg7[%parallel_loop3A_727, %parallel_loop3A_728, %parallel_loop3A_729] {strides = array<i32>} : memref<3x128x128xf32, #tpu.memory_space<vmem>>, vector<16xf32>,
      %parallel_loop3A_731 = arith.mulf %parallel_loop3A_725, %parallel_loop3A_730 : vector<16xf32>
      %parallel_loop3A_732 = arith.constant 2 : i32
      %parallel_loop3A_733 = arith.index_cast %parallel_loop3A_732 : i32 to index
      %parallel_loop3A_734 = arith.index_cast %parallel_loop3A_610 : i32 to index
      %parallel_loop3A_735 = arith.constant 96 : index
      %parallel_loop3A_736 = tpu.vector_load %arg7[%parallel_loop3A_733, %parallel_loop3A_734, %parallel_loop3A_735] {strides = array<i32>} : memref<3x128x128xf32, #tpu.memory_space<vmem>>, vector<16xf32>,
      %parallel_loop3A_737 = arith.mulf %parallel_loop3A_731, %parallel_loop3A_736 : vector<16xf32>
      %parallel_loop3A_738 = arith.addf %parallel_loop3A_720, %parallel_loop3A_737 : vector<16xf32>
      %parallel_loop3A_739 = arith.constant 0 : i32
      %parallel_loop3A_740 = arith.index_cast %parallel_loop3A_739 : i32 to index
      %parallel_loop3A_741 = arith.index_cast %parallel_loop3A_610 : i32 to index
      %parallel_loop3A_742 = arith.constant 112 : index
      %parallel_loop3A_743 = tpu.vector_load %arg7[%parallel_loop3A_740, %parallel_loop3A_741, %parallel_loop3A_742] {strides = array<i32>} : memref<3x128x128xf32, #tpu.memory_space<vmem>>, vector<16xf32>,
      %parallel_loop3A_744 = arith.constant 1 : i32
      %parallel_loop3A_745 = arith.index_cast %parallel_loop3A_744 : i32 to index
      %parallel_loop3A_746 = arith.index_cast %parallel_loop3A_610 : i32 to index
      %parallel_loop3A_747 = arith.constant 112 : index
      %parallel_loop3A_748 = tpu.vector_load %arg7[%parallel_loop3A_745, %parallel_loop3A_746, %parallel_loop3A_747] {strides = array<i32>} : memref<3x128x128xf32, #tpu.memory_space<vmem>>, vector<16xf32>,
      %parallel_loop3A_749 = arith.mulf %parallel_loop3A_743, %parallel_loop3A_748 : vector<16xf32>
      %parallel_loop3A_750 = arith.constant 2 : i32
      %parallel_loop3A_751 = arith.index_cast %parallel_loop3A_750 : i32 to index
      %parallel_loop3A_752 = arith.index_cast %parallel_loop3A_610 : i32 to index
      %parallel_loop3A_753 = arith.constant 112 : index
      %parallel_loop3A_754 = tpu.vector_load %arg7[%parallel_loop3A_751, %parallel_loop3A_752, %parallel_loop3A_753] {strides = array<i32>} : memref<3x128x128xf32, #tpu.memory_space<vmem>>, vector<16xf32>,
      %parallel_loop3A_755 = arith.mulf %parallel_loop3A_749, %parallel_loop3A_754 : vector<16xf32>
      %parallel_loop3A_756 = arith.addf %parallel_loop3A_738, %parallel_loop3A_755 : vector<16xf32>
      %parallel_loop3A_757 = arith.constant 16 : i32
      %parallel_loop3A_758 = arith.muli %parallel_loop3A_610, %parallel_loop3A_757 : i32
      %parallel_loop3A_759 = arith.index_cast %parallel_loop3A_758 : i32 to index
      %parallel_loop3A_760 = tpu.vector_load %arg10[%parallel_loop3A_759] {strides = array<i32>} : memref<2048xf32, #tpu.memory_space<vmem>>, vector<16xf32>,
      tpu.vector_store %arg10[%parallel_loop3A_759], %parallel_loop3A_756 {strides = array<i32>} : memref<2048xf32, #tpu.memory_space<vmem>>, vector<16xf32>,
    } {sc.loop_unroll_factor = 2 : i64, sc.parallel_access}
    %parallel_loop3A_404 = arith.constant 0 : i32
    %parallel_loop3A_405 = arith.constant 8 : i32
    %parallel_loop3A_406 = arith.constant 1 : i32
    %parallel_loop3A_407 = scf.for %parallel_loop3A_610 = %parallel_loop3A_404 to %parallel_loop3A_405 step %parallel_loop3A_406 iter_args(%parallel_loop3A_611 = %broadcast_in_dim3A_329) -> (vector<16xf32>)  : i32 {
      %parallel_loop3A_612 = arith.constant 16 : i32
      %parallel_loop3A_613 = arith.muli %parallel_loop3A_610, %parallel_loop3A_612 : i32
      %parallel_loop3A_614 = vector.broadcast %parallel_loop3A_613 : i32 to vector<16xi32>
      %parallel_loop3A_615 = arith.addi %parallel_loop3A_614, %iota3A : vector<16xi32>
      %parallel_loop3A_616 = arith.constant 16 : i32
      %parallel_loop3A_617 = vector.broadcast %parallel_loop3A_616 : i32 to vector<16xi32>
      %parallel_loop3A_618 = arith.muli %parallel_loop3A_615, %parallel_loop3A_617 : vector<16xi32>
      %parallel_loop3A_619 = arith.constant 0.000000e+00 : f32
      %parallel_loop3A_620 = vector.broadcast %parallel_loop3A_619 : f32 to vector<16xf32>
      %parallel_loop3A_621 = arith.constant 0 : i32
      %parallel_loop3A_622 = vector.broadcast %parallel_loop3A_621 : i32 to vector<16xi32>
      %parallel_loop3A_623 = arith.addi %parallel_loop3A_618, %parallel_loop3A_622 : vector<16xi32>
      %parallel_loop3A_624 = tpu.vector_load_idx %arg10[%parallel_loop3A_623] : memref<2048xf32, #tpu.memory_space<vmem>>[vector<16xi32>], vector<16xf32>,
      %parallel_loop3A_625 = arith.addf %parallel_loop3A_620, %parallel_loop3A_624 : vector<16xf32>
      %parallel_loop3A_626 = arith.constant 1 : i32
      %parallel_loop3A_627 = vector.broadcast %parallel_loop3A_626 : i32 to vector<16xi32>
      %parallel_loop3A_628 = arith.addi %parallel_loop3A_618, %parallel_loop3A_627 : vector<16xi32>
      %parallel_loop3A_629 = tpu.vector_load_idx %arg10[%parallel_loop3A_628] : memref<2048xf32, #tpu.memory_space<vmem>>[vector<16xi32>], vector<16xf32>,
      %parallel_loop3A_630 = arith.addf %parallel_loop3A_625, %parallel_loop3A_629 : vector<16xf32>
      %parallel_loop3A_631 = arith.constant 2 : i32
      %parallel_loop3A_632 = vector.broadcast %parallel_loop3A_631 : i32 to vector<16xi32>
      %parallel_loop3A_633 = arith.addi %parallel_loop3A_618, %parallel_loop3A_632 : vector<16xi32>
      %parallel_loop3A_634 = tpu.vector_load_idx %arg10[%parallel_loop3A_633] : memref<2048xf32, #tpu.memory_space<vmem>>[vector<16xi32>], vector<16xf32>,
      %parallel_loop3A_635 = arith.addf %parallel_loop3A_630, %parallel_loop3A_634 : vector<16xf32>
      %parallel_loop3A_636 = arith.constant 3 : i32
      %parallel_loop3A_637 = vector.broadcast %parallel_loop3A_636 : i32 to vector<16xi32>
      %parallel_loop3A_638 = arith.addi %parallel_loop3A_618, %parallel_loop3A_637 : vector<16xi32>
      %parallel_loop3A_639 = tpu.vector_load_idx %arg10[%parallel_loop3A_638] : memref<2048xf32, #tpu.memory_space<vmem>>[vector<16xi32>], vector<16xf32>,
      %parallel_loop3A_640 = arith.addf %parallel_loop3A_635, %parallel_loop3A_639 : vector<16xf32>
      %parallel_loop3A_641 = arith.constant 4 : i32
      %parallel_loop3A_642 = vector.broadcast %parallel_loop3A_641 : i32 to vector<16xi32>
      %parallel_loop3A_643 = arith.addi %parallel_loop3A_618, %parallel_loop3A_642 : vector<16xi32>
      %parallel_loop3A_644 = tpu.vector_load_idx %arg10[%parallel_loop3A_643] : memref<2048xf32, #tpu.memory_space<vmem>>[vector<16xi32>], vector<16xf32>,
      %parallel_loop3A_645 = arith.addf %parallel_loop3A_640, %parallel_loop3A_644 : vector<16xf32>
      %parallel_loop3A_646 = arith.constant 5 : i32
      %parallel_loop3A_647 = vector.broadcast %parallel_loop3A_646 : i32 to vector<16xi32>
      %parallel_loop3A_648 = arith.addi %parallel_loop3A_618, %parallel_loop3A_647 : vector<16xi32>
      %parallel_loop3A_649 = tpu.vector_load_idx %arg10[%parallel_loop3A_648] : memref<2048xf32, #tpu.memory_space<vmem>>[vector<16xi32>], vector<16xf32>,
      %parallel_loop3A_650 = arith.addf %parallel_loop3A_645, %parallel_loop3A_649 : vector<16xf32>
      %parallel_loop3A_651 = arith.constant 6 : i32
      %parallel_loop3A_652 = vector.broadcast %parallel_loop3A_651 : i32 to vector<16xi32>
      %parallel_loop3A_653 = arith.addi %parallel_loop3A_618, %parallel_loop3A_652 : vector<16xi32>
      %parallel_loop3A_654 = tpu.vector_load_idx %arg10[%parallel_loop3A_653] : memref<2048xf32, #tpu.memory_space<vmem>>[vector<16xi32>], vector<16xf32>,
      %parallel_loop3A_655 = arith.addf %parallel_loop3A_650, %parallel_loop3A_654 : vector<16xf32>
      %parallel_loop3A_656 = arith.constant 7 : i32
      %parallel_loop3A_657 = vector.broadcast %parallel_loop3A_656 : i32 to vector<16xi32>
      %parallel_loop3A_658 = arith.addi %parallel_loop3A_618, %parallel_loop3A_657 : vector<16xi32>
      %parallel_loop3A_659 = tpu.vector_load_idx %arg10[%parallel_loop3A_658] : memref<2048xf32, #tpu.memory_space<vmem>>[vector<16xi32>], vector<16xf32>,
      %parallel_loop3A_660 = arith.addf %parallel_loop3A_655, %parallel_loop3A_659 : vector<16xf32>
      %parallel_loop3A_661 = arith.constant 8 : i32
      %parallel_loop3A_662 = vector.broadcast %parallel_loop3A_661 : i32 to vector<16xi32>
      %parallel_loop3A_663 = arith.addi %parallel_loop3A_618, %parallel_loop3A_662 : vector<16xi32>
      %parallel_loop3A_664 = tpu.vector_load_idx %arg10[%parallel_loop3A_663] : memref<2048xf32, #tpu.memory_space<vmem>>[vector<16xi32>], vector<16xf32>,
      %parallel_loop3A_665 = arith.addf %parallel_loop3A_660, %parallel_loop3A_664 : vector<16xf32>
      %parallel_loop3A_666 = arith.constant 9 : i32
      %parallel_loop3A_667 = vector.broadcast %parallel_loop3A_666 : i32 to vector<16xi32>
      %parallel_loop3A_668 = arith.addi %parallel_loop3A_618, %parallel_loop3A_667 : vector<16xi32>
      %parallel_loop3A_669 = tpu.vector_load_idx %arg10[%parallel_loop3A_668] : memref<2048xf32, #tpu.memory_space<vmem>>[vector<16xi32>], vector<16xf32>,
      %parallel_loop3A_670 = arith.addf %parallel_loop3A_665, %parallel_loop3A_669 : vector<16xf32>
      %parallel_loop3A_671 = arith.constant 10 : i32
      %parallel_loop3A_672 = vector.broadcast %parallel_loop3A_671 : i32 to vector<16xi32>
      %parallel_loop3A_673 = arith.addi %parallel_loop3A_618, %parallel_loop3A_672 : vector<16xi32>
      %parallel_loop3A_674 = tpu.vector_load_idx %arg10[%parallel_loop3A_673] : memref<2048xf32, #tpu.memory_space<vmem>>[vector<16xi32>], vector<16xf32>,
      %parallel_loop3A_675 = arith.addf %parallel_loop3A_670, %parallel_loop3A_674 : vector<16xf32>
      %parallel_loop3A_676 = arith.constant 11 : i32
      %parallel_loop3A_677 = vector.broadcast %parallel_loop3A_676 : i32 to vector<16xi32>
      %parallel_loop3A_678 = arith.addi %parallel_loop3A_618, %parallel_loop3A_677 : vector<16xi32>
      %parallel_loop3A_679 = tpu.vector_load_idx %arg10[%parallel_loop3A_678] : memref<2048xf32, #tpu.memory_space<vmem>>[vector<16xi32>], vector<16xf32>,
      %parallel_loop3A_680 = arith.addf %parallel_loop3A_675, %parallel_loop3A_679 : vector<16xf32>
      %parallel_loop3A_681 = arith.constant 12 : i32
      %parallel_loop3A_682 = vector.broadcast %parallel_loop3A_681 : i32 to vector<16xi32>
      %parallel_loop3A_683 = arith.addi %parallel_loop3A_618, %parallel_loop3A_682 : vector<16xi32>
      %parallel_loop3A_684 = tpu.vector_load_idx %arg10[%parallel_loop3A_683] : memref<2048xf32, #tpu.memory_space<vmem>>[vector<16xi32>], vector<16xf32>,
      %parallel_loop3A_685 = arith.addf %parallel_loop3A_680, %parallel_loop3A_684 : vector<16xf32>
      %parallel_loop3A_686 = arith.constant 13 : i32
      %parallel_loop3A_687 = vector.broadcast %parallel_loop3A_686 : i32 to vector<16xi32>
      %parallel_loop3A_688 = arith.addi %parallel_loop3A_618, %parallel_loop3A_687 : vector<16xi32>
      %parallel_loop3A_689 = tpu.vector_load_idx %arg10[%parallel_loop3A_688] : memref<2048xf32, #tpu.memory_space<vmem>>[vector<16xi32>], vector<16xf32>,
      %parallel_loop3A_690 = arith.addf %parallel_loop3A_685, %parallel_loop3A_689 : vector<16xf32>
      %parallel_loop3A_691 = arith.constant 14 : i32
      %parallel_loop3A_692 = vector.broadcast %parallel_loop3A_691 : i32 to vector<16xi32>
      %parallel_loop3A_693 = arith.addi %parallel_loop3A_618, %parallel_loop3A_692 : vector<16xi32>
      %parallel_loop3A_694 = tpu.vector_load_idx %arg10[%parallel_loop3A_693] : memref<2048xf32, #tpu.memory_space<vmem>>[vector<16xi32>], vector<16xf32>,
      %parallel_loop3A_695 = arith.addf %parallel_loop3A_690, %parallel_loop3A_694 : vector<16xf32>
      %parallel_loop3A_696 = arith.constant 15 : i32
      %parallel_loop3A_697 = vector.broadcast %parallel_loop3A_696 : i32 to vector<16xi32>
      %parallel_loop3A_698 = arith.addi %parallel_loop3A_618, %parallel_loop3A_697 : vector<16xi32>
      %parallel_loop3A_699 = tpu.vector_load_idx %arg10[%parallel_loop3A_698] : memref<2048xf32, #tpu.memory_space<vmem>>[vector<16xi32>], vector<16xf32>,
      %parallel_loop3A_700 = arith.addf %parallel_loop3A_695, %parallel_loop3A_699 : vector<16xf32>
      %parallel_loop3A_701 = arith.constant 0.000000e+00 : f32
      %parallel_loop3A_702 = vector.broadcast %parallel_loop3A_701 : f32 to vector<16xf32>
      %parallel_loop3A_703 = arith.subf %parallel_loop3A_702, %parallel_loop3A_700 : vector<16xf32>
      %parallel_loop3A_704 = math.exp %parallel_loop3A_703 : vector<16xf32>
      %parallel_loop3A_705 = arith.constant 1.000000e+00 : f32
      %parallel_loop3A_706 = vector.broadcast %parallel_loop3A_705 : f32 to vector<16xf32>
      %parallel_loop3A_707 = arith.subf %parallel_loop3A_706, %parallel_loop3A_704 : vector<16xf32>
      %parallel_loop3A_708 = arith.constant 9.99999974E-6 : f32
      %parallel_loop3A_709 = arith.constant 1.000000e+00 : f32
      %parallel_loop3A_710 = vector.broadcast %parallel_loop3A_708 : f32 to vector<16xf32>
      %parallel_loop3A_711 = arith.maximumf %parallel_loop3A_710, %parallel_loop3A_707 : vector<16xf32>
      %parallel_loop3A_712 = vector.broadcast %parallel_loop3A_709 : f32 to vector<16xf32>
      %parallel_loop3A_713 = arith.minimumf %parallel_loop3A_712, %parallel_loop3A_711 : vector<16xf32>
      %parallel_loop3A_714 = arith.constant 16 : i32
      %parallel_loop3A_715 = arith.muli %parallel_loop3A_610, %parallel_loop3A_714 : i32
      %parallel_loop3A_716 = arith.constant 0 : i32
      %parallel_loop3A_717 = arith.addi %parallel_loop3A_716, %parallel_loop3A_715 : i32
      %parallel_loop3A_718 = arith.index_cast %parallel_loop3A_717 : i32 to index
      %parallel_loop3A_719 = tpu.vector_load %arg9[%parallel_loop3A_718] {strides = array<i32>} : memref<512xf32, #tpu.memory_space<vmem>>, vector<16xf32>,
      %parallel_loop3A_720 = arith.mulf %parallel_loop3A_713, %parallel_loop3A_719 : vector<16xf32>
      %parallel_loop3A_721 = arith.addf %parallel_loop3A_611, %parallel_loop3A_720 : vector<16xf32>
      scf.yield %parallel_loop3A_721 : vector<16xf32>
    } {sc.loop_unroll_factor = 1 : i64, sc.parallel_access}
    %dma_start3A_408 = arith.constant 6 : i32
    %dma_start3A_409 = arith.constant 0 : i32
    %dma_start3A_410 = arith.constant 0 : i32
    %dma_start3A_411 = arith.constant 0 : i32
    %dma_start3A_412 = tpu.memref_slice %arg7[%dma_start3A_409, %dma_start3A_410, %dma_start3A_411] : memref<3x128x128xf32, #tpu.memory_space<vmem>> -> memref<1x128x128xf32, #tpu.memory_space<vmem>>
    %dma_start3A_413 = tpu.memref_squeeze %dma_start3A_412 : memref<1x128x128xf32, #tpu.memory_space<vmem>> -> memref<128x128xf32, #tpu.memory_space<vmem>>
    %dma_start3A_414 = arith.constant 0 : i32
    %dma_start3A_415 = tpu.memref_slice %arg6[%dma_start3A_408, %dma_start3A_414] : memref<12x128xi32, #tpu.memory_space<vmem>> -> memref<1x128xi32, #tpu.memory_space<vmem>>
    %dma_start3A_416 = tpu.memref_squeeze %dma_start3A_415 : memref<1x128xi32, #tpu.memory_space<vmem>> -> memref<128xi32, #tpu.memory_space<vmem>>
    %dma_start3A_417 = arith.constant 0 : i32
    %dma_start3A_418 = arith.constant 0 : i32
    %dma_start3A_419 = tpu.memref_slice %arg4[%dma_start3A_417, %dma_start3A_418] : memref<100000x128xf32, #tpu.memory_space<hbm>> -> memref<100000x128xf32, #tpu.memory_space<hbm>>
    tpu.enqueue_indirect_dma source(%dma_start3A_419 : memref<100000x128xf32, #tpu.memory_space<hbm>>) target(%dma_start3A_413 : memref<128x128xf32, #tpu.memory_space<vmem>>) offsets(%dma_start3A_416 : memref<128xi32, #tpu.memory_space<vmem>>) semaphore(%arg13 : memref<!tpu.dma_semaphore, #tpu.memory_space<semaphore_mem>>)
    %dma_start3A_420 = arith.constant 7 : i32
    %dma_start3A_421 = arith.constant 1 : i32
    %dma_start3A_422 = arith.constant 0 : i32
    %dma_start3A_423 = arith.constant 0 : i32
    %dma_start3A_424 = tpu.memref_slice %arg7[%dma_start3A_421, %dma_start3A_422, %dma_start3A_423] : memref<3x128x128xf32, #tpu.memory_space<vmem>> -> memref<1x128x128xf32, #tpu.memory_space<vmem>>
    %dma_start3A_425 = tpu.memref_squeeze %dma_start3A_424 : memref<1x128x128xf32, #tpu.memory_space<vmem>> -> memref<128x128xf32, #tpu.memory_space<vmem>>
    %dma_start3A_426 = arith.constant 0 : i32
    %dma_start3A_427 = tpu.memref_slice %arg6[%dma_start3A_420, %dma_start3A_426] : memref<12x128xi32, #tpu.memory_space<vmem>> -> memref<1x128xi32, #tpu.memory_space<vmem>>
    %dma_start3A_428 = tpu.memref_squeeze %dma_start3A_427 : memref<1x128xi32, #tpu.memory_space<vmem>> -> memref<128xi32, #tpu.memory_space<vmem>>
    %dma_start3A_429 = arith.constant 0 : i32
    %dma_start3A_430 = arith.constant 0 : i32
    %dma_start3A_431 = tpu.memref_slice %arg4[%dma_start3A_429, %dma_start3A_430] : memref<100000x128xf32, #tpu.memory_space<hbm>> -> memref<100000x128xf32, #tpu.memory_space<hbm>>
    tpu.enqueue_indirect_dma source(%dma_start3A_431 : memref<100000x128xf32, #tpu.memory_space<hbm>>) target(%dma_start3A_425 : memref<128x128xf32, #tpu.memory_space<vmem>>) offsets(%dma_start3A_428 : memref<128xi32, #tpu.memory_space<vmem>>) semaphore(%arg13 : memref<!tpu.dma_semaphore, #tpu.memory_space<semaphore_mem>>)
    %dma_start3A_432 = arith.constant 8 : i32
    %dma_start3A_433 = arith.constant 2 : i32
    %dma_start3A_434 = arith.constant 0 : i32
    %dma_start3A_435 = arith.constant 0 : i32
    %dma_start3A_436 = tpu.memref_slice %arg7[%dma_start3A_433, %dma_start3A_434, %dma_start3A_435] : memref<3x128x128xf32, #tpu.memory_space<vmem>> -> memref<1x128x128xf32, #tpu.memory_space<vmem>>
    %dma_start3A_437 = tpu.memref_squeeze %dma_start3A_436 : memref<1x128x128xf32, #tpu.memory_space<vmem>> -> memref<128x128xf32, #tpu.memory_space<vmem>>
    %dma_start3A_438 = arith.constant 0 : i32
    %dma_start3A_439 = tpu.memref_slice %arg6[%dma_start3A_432, %dma_start3A_438] : memref<12x128xi32, #tpu.memory_space<vmem>> -> memref<1x128xi32, #tpu.memory_space<vmem>>
    %dma_start3A_440 = tpu.memref_squeeze %dma_start3A_439 : memref<1x128xi32, #tpu.memory_space<vmem>> -> memref<128xi32, #tpu.memory_space<vmem>>
    %dma_start3A_441 = arith.constant 0 : i32
    %dma_start3A_442 = arith.constant 0 : i32
    %dma_start3A_443 = tpu.memref_slice %arg4[%dma_start3A_441, %dma_start3A_442] : memref<100000x128xf32, #tpu.memory_space<hbm>> -> memref<100000x128xf32, #tpu.memory_space<hbm>>
    tpu.enqueue_indirect_dma source(%dma_start3A_443 : memref<100000x128xf32, #tpu.memory_space<hbm>>) target(%dma_start3A_437 : memref<128x128xf32, #tpu.memory_space<vmem>>) offsets(%dma_start3A_440 : memref<128xi32, #tpu.memory_space<vmem>>) semaphore(%arg13 : memref<!tpu.dma_semaphore, #tpu.memory_space<semaphore_mem>>)
    %dma_wait3A_444 = arith.constant 3 : i32
    %dma_wait3A_445 = arith.constant 0 : i32
    %dma_wait3A_446 = arith.constant 0 : i32
    %dma_wait3A_447 = arith.constant 0 : i32
    %dma_wait3A_448 = tpu.memref_slice %arg8[%dma_wait3A_445, %dma_wait3A_446, %dma_wait3A_447] : memref<3x128x128xf32, #tpu.memory_space<vmem>> -> memref<1x128x128xf32, #tpu.memory_space<vmem>>
    %dma_wait3A_449 = tpu.memref_squeeze %dma_wait3A_448 : memref<1x128x128xf32, #tpu.memory_space<vmem>> -> memref<128x128xf32, #tpu.memory_space<vmem>>
    %dma_wait3A_450 = arith.constant 0 : i32
    %dma_wait3A_451 = tpu.memref_slice %arg6[%dma_wait3A_444, %dma_wait3A_450] : memref<12x128xi32, #tpu.memory_space<vmem>> -> memref<1x128xi32, #tpu.memory_space<vmem>>
    %dma_wait3A_452 = tpu.memref_squeeze %dma_wait3A_451 : memref<1x128xi32, #tpu.memory_space<vmem>> -> memref<128xi32, #tpu.memory_space<vmem>>
    %dma_wait3A_453 = arith.constant 0 : i32
    %dma_wait3A_454 = arith.constant 0 : i32
    %dma_wait3A_455 = tpu.memref_slice %arg4[%dma_wait3A_453, %dma_wait3A_454] : memref<100000x128xf32, #tpu.memory_space<hbm>> -> memref<100000x128xf32, #tpu.memory_space<hbm>>
    tpu.wait_indirect_dma semaphore(%arg14 : memref<!tpu.dma_semaphore, #tpu.memory_space<semaphore_mem>>) src(%dma_wait3A_455 : memref<100000x128xf32, #tpu.memory_space<hbm>>) dst(%dma_wait3A_449 : memref<128x128xf32, #tpu.memory_space<vmem>>)
    %dma_wait3A_456 = arith.constant 4 : i32
    %dma_wait3A_457 = arith.constant 1 : i32
    %dma_wait3A_458 = arith.constant 0 : i32
    %dma_wait3A_459 = arith.constant 0 : i32
    %dma_wait3A_460 = tpu.memref_slice %arg8[%dma_wait3A_457, %dma_wait3A_458, %dma_wait3A_459] : memref<3x128x128xf32, #tpu.memory_space<vmem>> -> memref<1x128x128xf32, #tpu.memory_space<vmem>>
    %dma_wait3A_461 = tpu.memref_squeeze %dma_wait3A_460 : memref<1x128x128xf32, #tpu.memory_space<vmem>> -> memref<128x128xf32, #tpu.memory_space<vmem>>
    %dma_wait3A_462 = arith.constant 0 : i32
    %dma_wait3A_463 = tpu.memref_slice %arg6[%dma_wait3A_456, %dma_wait3A_462] : memref<12x128xi32, #tpu.memory_space<vmem>> -> memref<1x128xi32, #tpu.memory_space<vmem>>
    %dma_wait3A_464 = tpu.memref_squeeze %dma_wait3A_463 : memref<1x128xi32, #tpu.memory_space<vmem>> -> memref<128xi32, #tpu.memory_space<vmem>>
    %dma_wait3A_465 = arith.constant 0 : i32
    %dma_wait3A_466 = arith.constant 0 : i32
    %dma_wait3A_467 = tpu.memref_slice %arg4[%dma_wait3A_465, %dma_wait3A_466] : memref<100000x128xf32, #tpu.memory_space<hbm>> -> memref<100000x128xf32, #tpu.memory_space<hbm>>
    tpu.wait_indirect_dma semaphore(%arg14 : memref<!tpu.dma_semaphore, #tpu.memory_space<semaphore_mem>>) src(%dma_wait3A_467 : memref<100000x128xf32, #tpu.memory_space<hbm>>) dst(%dma_wait3A_461 : memref<128x128xf32, #tpu.memory_space<vmem>>)
    %dma_wait3A_468 = arith.constant 5 : i32
    %dma_wait3A_469 = arith.constant 2 : i32
    %dma_wait3A_470 = arith.constant 0 : i32
    %dma_wait3A_471 = arith.constant 0 : i32
    %dma_wait3A_472 = tpu.memref_slice %arg8[%dma_wait3A_469, %dma_wait3A_470, %dma_wait3A_471] : memref<3x128x128xf32, #tpu.memory_space<vmem>> -> memref<1x128x128xf32, #tpu.memory_space<vmem>>
    %dma_wait3A_473 = tpu.memref_squeeze %dma_wait3A_472 : memref<1x128x128xf32, #tpu.memory_space<vmem>> -> memref<128x128xf32, #tpu.memory_space<vmem>>
    %dma_wait3A_474 = arith.constant 0 : i32
    %dma_wait3A_475 = tpu.memref_slice %arg6[%dma_wait3A_468, %dma_wait3A_474] : memref<12x128xi32, #tpu.memory_space<vmem>> -> memref<1x128xi32, #tpu.memory_space<vmem>>
    %dma_wait3A_476 = tpu.memref_squeeze %dma_wait3A_475 : memref<1x128xi32, #tpu.memory_space<vmem>> -> memref<128xi32, #tpu.memory_space<vmem>>
    %dma_wait3A_477 = arith.constant 0 : i32
    %dma_wait3A_478 = arith.constant 0 : i32
    %dma_wait3A_479 = tpu.memref_slice %arg4[%dma_wait3A_477, %dma_wait3A_478] : memref<100000x128xf32, #tpu.memory_space<hbm>> -> memref<100000x128xf32, #tpu.memory_space<hbm>>
    tpu.wait_indirect_dma semaphore(%arg14 : memref<!tpu.dma_semaphore, #tpu.memory_space<semaphore_mem>>) src(%dma_wait3A_479 : memref<100000x128xf32, #tpu.memory_space<hbm>>) dst(%dma_wait3A_473 : memref<128x128xf32, #tpu.memory_space<vmem>>)
    %parallel_loop3A_480 = arith.constant 0 : i32
    %parallel_loop3A_481 = arith.constant 128 : i32
    %parallel_loop3A_482 = arith.constant 1 : i32
    scf.for %parallel_loop3A_610 = %parallel_loop3A_480 to %parallel_loop3A_481 step %parallel_loop3A_482  : i32 {
      %parallel_loop3A_611 = arith.constant 0.000000e+00 : f32
      %parallel_loop3A_612 = vector.broadcast %parallel_loop3A_611 : f32 to vector<16xf32>
      %parallel_loop3A_613 = arith.constant 0 : i32
      %parallel_loop3A_614 = arith.index_cast %parallel_loop3A_613 : i32 to index
      %parallel_loop3A_615 = arith.index_cast %parallel_loop3A_610 : i32 to index
      %parallel_loop3A_616 = arith.constant 0 : index
      %parallel_loop3A_617 = tpu.vector_load %arg8[%parallel_loop3A_614, %parallel_loop3A_615, %parallel_loop3A_616] {strides = array<i32>} : memref<3x128x128xf32, #tpu.memory_space<vmem>>, vector<16xf32>,
      %parallel_loop3A_618 = arith.constant 1 : i32
      %parallel_loop3A_619 = arith.index_cast %parallel_loop3A_618 : i32 to index
      %parallel_loop3A_620 = arith.index_cast %parallel_loop3A_610 : i32 to index
      %parallel_loop3A_621 = arith.constant 0 : index
      %parallel_loop3A_622 = tpu.vector_load %arg8[%parallel_loop3A_619, %parallel_loop3A_620, %parallel_loop3A_621] {strides = array<i32>} : memref<3x128x128xf32, #tpu.memory_space<vmem>>, vector<16xf32>,
      %parallel_loop3A_623 = arith.mulf %parallel_loop3A_617, %parallel_loop3A_622 : vector<16xf32>
      %parallel_loop3A_624 = arith.constant 2 : i32
      %parallel_loop3A_625 = arith.index_cast %parallel_loop3A_624 : i32 to index
      %parallel_loop3A_626 = arith.index_cast %parallel_loop3A_610 : i32 to index
      %parallel_loop3A_627 = arith.constant 0 : index
      %parallel_loop3A_628 = tpu.vector_load %arg8[%parallel_loop3A_625, %parallel_loop3A_626, %parallel_loop3A_627] {strides = array<i32>} : memref<3x128x128xf32, #tpu.memory_space<vmem>>, vector<16xf32>,
      %parallel_loop3A_629 = arith.mulf %parallel_loop3A_623, %parallel_loop3A_628 : vector<16xf32>
      %parallel_loop3A_630 = arith.addf %parallel_loop3A_612, %parallel_loop3A_629 : vector<16xf32>
      %parallel_loop3A_631 = arith.constant 0 : i32
      %parallel_loop3A_632 = arith.index_cast %parallel_loop3A_631 : i32 to index
      %parallel_loop3A_633 = arith.index_cast %parallel_loop3A_610 : i32 to index
      %parallel_loop3A_634 = arith.constant 16 : index
      %parallel_loop3A_635 = tpu.vector_load %arg8[%parallel_loop3A_632, %parallel_loop3A_633, %parallel_loop3A_634] {strides = array<i32>} : memref<3x128x128xf32, #tpu.memory_space<vmem>>, vector<16xf32>,
      %parallel_loop3A_636 = arith.constant 1 : i32
      %parallel_loop3A_637 = arith.index_cast %parallel_loop3A_636 : i32 to index
      %parallel_loop3A_638 = arith.index_cast %parallel_loop3A_610 : i32 to index
      %parallel_loop3A_639 = arith.constant 16 : index
      %parallel_loop3A_640 = tpu.vector_load %arg8[%parallel_loop3A_637, %parallel_loop3A_638, %parallel_loop3A_639] {strides = array<i32>} : memref<3x128x128xf32, #tpu.memory_space<vmem>>, vector<16xf32>,
      %parallel_loop3A_641 = arith.mulf %parallel_loop3A_635, %parallel_loop3A_640 : vector<16xf32>
      %parallel_loop3A_642 = arith.constant 2 : i32
      %parallel_loop3A_643 = arith.index_cast %parallel_loop3A_642 : i32 to index
      %parallel_loop3A_644 = arith.index_cast %parallel_loop3A_610 : i32 to index
      %parallel_loop3A_645 = arith.constant 16 : index
      %parallel_loop3A_646 = tpu.vector_load %arg8[%parallel_loop3A_643, %parallel_loop3A_644, %parallel_loop3A_645] {strides = array<i32>} : memref<3x128x128xf32, #tpu.memory_space<vmem>>, vector<16xf32>,
      %parallel_loop3A_647 = arith.mulf %parallel_loop3A_641, %parallel_loop3A_646 : vector<16xf32>
      %parallel_loop3A_648 = arith.addf %parallel_loop3A_630, %parallel_loop3A_647 : vector<16xf32>
      %parallel_loop3A_649 = arith.constant 0 : i32
      %parallel_loop3A_650 = arith.index_cast %parallel_loop3A_649 : i32 to index
      %parallel_loop3A_651 = arith.index_cast %parallel_loop3A_610 : i32 to index
      %parallel_loop3A_652 = arith.constant 32 : index
      %parallel_loop3A_653 = tpu.vector_load %arg8[%parallel_loop3A_650, %parallel_loop3A_651, %parallel_loop3A_652] {strides = array<i32>} : memref<3x128x128xf32, #tpu.memory_space<vmem>>, vector<16xf32>,
      %parallel_loop3A_654 = arith.constant 1 : i32
      %parallel_loop3A_655 = arith.index_cast %parallel_loop3A_654 : i32 to index
      %parallel_loop3A_656 = arith.index_cast %parallel_loop3A_610 : i32 to index
      %parallel_loop3A_657 = arith.constant 32 : index
      %parallel_loop3A_658 = tpu.vector_load %arg8[%parallel_loop3A_655, %parallel_loop3A_656, %parallel_loop3A_657] {strides = array<i32>} : memref<3x128x128xf32, #tpu.memory_space<vmem>>, vector<16xf32>,
      %parallel_loop3A_659 = arith.mulf %parallel_loop3A_653, %parallel_loop3A_658 : vector<16xf32>
      %parallel_loop3A_660 = arith.constant 2 : i32
      %parallel_loop3A_661 = arith.index_cast %parallel_loop3A_660 : i32 to index
      %parallel_loop3A_662 = arith.index_cast %parallel_loop3A_610 : i32 to index
      %parallel_loop3A_663 = arith.constant 32 : index
      %parallel_loop3A_664 = tpu.vector_load %arg8[%parallel_loop3A_661, %parallel_loop3A_662, %parallel_loop3A_663] {strides = array<i32>} : memref<3x128x128xf32, #tpu.memory_space<vmem>>, vector<16xf32>,
      %parallel_loop3A_665 = arith.mulf %parallel_loop3A_659, %parallel_loop3A_664 : vector<16xf32>
      %parallel_loop3A_666 = arith.addf %parallel_loop3A_648, %parallel_loop3A_665 : vector<16xf32>
      %parallel_loop3A_667 = arith.constant 0 : i32
      %parallel_loop3A_668 = arith.index_cast %parallel_loop3A_667 : i32 to index
      %parallel_loop3A_669 = arith.index_cast %parallel_loop3A_610 : i32 to index
      %parallel_loop3A_670 = arith.constant 48 : index
      %parallel_loop3A_671 = tpu.vector_load %arg8[%parallel_loop3A_668, %parallel_loop3A_669, %parallel_loop3A_670] {strides = array<i32>} : memref<3x128x128xf32, #tpu.memory_space<vmem>>, vector<16xf32>,
      %parallel_loop3A_672 = arith.constant 1 : i32
      %parallel_loop3A_673 = arith.index_cast %parallel_loop3A_672 : i32 to index
      %parallel_loop3A_674 = arith.index_cast %parallel_loop3A_610 : i32 to index
      %parallel_loop3A_675 = arith.constant 48 : index
      %parallel_loop3A_676 = tpu.vector_load %arg8[%parallel_loop3A_673, %parallel_loop3A_674, %parallel_loop3A_675] {strides = array<i32>} : memref<3x128x128xf32, #tpu.memory_space<vmem>>, vector<16xf32>,
      %parallel_loop3A_677 = arith.mulf %parallel_loop3A_671, %parallel_loop3A_676 : vector<16xf32>
      %parallel_loop3A_678 = arith.constant 2 : i32
      %parallel_loop3A_679 = arith.index_cast %parallel_loop3A_678 : i32 to index
      %parallel_loop3A_680 = arith.index_cast %parallel_loop3A_610 : i32 to index
      %parallel_loop3A_681 = arith.constant 48 : index
      %parallel_loop3A_682 = tpu.vector_load %arg8[%parallel_loop3A_679, %parallel_loop3A_680, %parallel_loop3A_681] {strides = array<i32>} : memref<3x128x128xf32, #tpu.memory_space<vmem>>, vector<16xf32>,
      %parallel_loop3A_683 = arith.mulf %parallel_loop3A_677, %parallel_loop3A_682 : vector<16xf32>
      %parallel_loop3A_684 = arith.addf %parallel_loop3A_666, %parallel_loop3A_683 : vector<16xf32>
      %parallel_loop3A_685 = arith.constant 0 : i32
      %parallel_loop3A_686 = arith.index_cast %parallel_loop3A_685 : i32 to index
      %parallel_loop3A_687 = arith.index_cast %parallel_loop3A_610 : i32 to index
      %parallel_loop3A_688 = arith.constant 64 : index
      %parallel_loop3A_689 = tpu.vector_load %arg8[%parallel_loop3A_686, %parallel_loop3A_687, %parallel_loop3A_688] {strides = array<i32>} : memref<3x128x128xf32, #tpu.memory_space<vmem>>, vector<16xf32>,
      %parallel_loop3A_690 = arith.constant 1 : i32
      %parallel_loop3A_691 = arith.index_cast %parallel_loop3A_690 : i32 to index
      %parallel_loop3A_692 = arith.index_cast %parallel_loop3A_610 : i32 to index
      %parallel_loop3A_693 = arith.constant 64 : index
      %parallel_loop3A_694 = tpu.vector_load %arg8[%parallel_loop3A_691, %parallel_loop3A_692, %parallel_loop3A_693] {strides = array<i32>} : memref<3x128x128xf32, #tpu.memory_space<vmem>>, vector<16xf32>,
      %parallel_loop3A_695 = arith.mulf %parallel_loop3A_689, %parallel_loop3A_694 : vector<16xf32>
      %parallel_loop3A_696 = arith.constant 2 : i32
      %parallel_loop3A_697 = arith.index_cast %parallel_loop3A_696 : i32 to index
      %parallel_loop3A_698 = arith.index_cast %parallel_loop3A_610 : i32 to index
      %parallel_loop3A_699 = arith.constant 64 : index
      %parallel_loop3A_700 = tpu.vector_load %arg8[%parallel_loop3A_697, %parallel_loop3A_698, %parallel_loop3A_699] {strides = array<i32>} : memref<3x128x128xf32, #tpu.memory_space<vmem>>, vector<16xf32>,
      %parallel_loop3A_701 = arith.mulf %parallel_loop3A_695, %parallel_loop3A_700 : vector<16xf32>
      %parallel_loop3A_702 = arith.addf %parallel_loop3A_684, %parallel_loop3A_701 : vector<16xf32>
      %parallel_loop3A_703 = arith.constant 0 : i32
      %parallel_loop3A_704 = arith.index_cast %parallel_loop3A_703 : i32 to index
      %parallel_loop3A_705 = arith.index_cast %parallel_loop3A_610 : i32 to index
      %parallel_loop3A_706 = arith.constant 80 : index
      %parallel_loop3A_707 = tpu.vector_load %arg8[%parallel_loop3A_704, %parallel_loop3A_705, %parallel_loop3A_706] {strides = array<i32>} : memref<3x128x128xf32, #tpu.memory_space<vmem>>, vector<16xf32>,
      %parallel_loop3A_708 = arith.constant 1 : i32
      %parallel_loop3A_709 = arith.index_cast %parallel_loop3A_708 : i32 to index
      %parallel_loop3A_710 = arith.index_cast %parallel_loop3A_610 : i32 to index
      %parallel_loop3A_711 = arith.constant 80 : index
      %parallel_loop3A_712 = tpu.vector_load %arg8[%parallel_loop3A_709, %parallel_loop3A_710, %parallel_loop3A_711] {strides = array<i32>} : memref<3x128x128xf32, #tpu.memory_space<vmem>>, vector<16xf32>,
      %parallel_loop3A_713 = arith.mulf %parallel_loop3A_707, %parallel_loop3A_712 : vector<16xf32>
      %parallel_loop3A_714 = arith.constant 2 : i32
      %parallel_loop3A_715 = arith.index_cast %parallel_loop3A_714 : i32 to index
      %parallel_loop3A_716 = arith.index_cast %parallel_loop3A_610 : i32 to index
      %parallel_loop3A_717 = arith.constant 80 : index
      %parallel_loop3A_718 = tpu.vector_load %arg8[%parallel_loop3A_715, %parallel_loop3A_716, %parallel_loop3A_717] {strides = array<i32>} : memref<3x128x128xf32, #tpu.memory_space<vmem>>, vector<16xf32>,
      %parallel_loop3A_719 = arith.mulf %parallel_loop3A_713, %parallel_loop3A_718 : vector<16xf32>
      %parallel_loop3A_720 = arith.addf %parallel_loop3A_702, %parallel_loop3A_719 : vector<16xf32>
      %parallel_loop3A_721 = arith.constant 0 : i32
      %parallel_loop3A_722 = arith.index_cast %parallel_loop3A_721 : i32 to index
      %parallel_loop3A_723 = arith.index_cast %parallel_loop3A_610 : i32 to index
      %parallel_loop3A_724 = arith.constant 96 : index
      %parallel_loop3A_725 = tpu.vector_load %arg8[%parallel_loop3A_722, %parallel_loop3A_723, %parallel_loop3A_724] {strides = array<i32>} : memref<3x128x128xf32, #tpu.memory_space<vmem>>, vector<16xf32>,
      %parallel_loop3A_726 = arith.constant 1 : i32
      %parallel_loop3A_727 = arith.index_cast %parallel_loop3A_726 : i32 to index
      %parallel_loop3A_728 = arith.index_cast %parallel_loop3A_610 : i32 to index
      %parallel_loop3A_729 = arith.constant 96 : index
      %parallel_loop3A_730 = tpu.vector_load %arg8[%parallel_loop3A_727, %parallel_loop3A_728, %parallel_loop3A_729] {strides = array<i32>} : memref<3x128x128xf32, #tpu.memory_space<vmem>>, vector<16xf32>,
      %parallel_loop3A_731 = arith.mulf %parallel_loop3A_725, %parallel_loop3A_730 : vector<16xf32>
      %parallel_loop3A_732 = arith.constant 2 : i32
      %parallel_loop3A_733 = arith.index_cast %parallel_loop3A_732 : i32 to index
      %parallel_loop3A_734 = arith.index_cast %parallel_loop3A_610 : i32 to index
      %parallel_loop3A_735 = arith.constant 96 : index
      %parallel_loop3A_736 = tpu.vector_load %arg8[%parallel_loop3A_733, %parallel_loop3A_734, %parallel_loop3A_735] {strides = array<i32>} : memref<3x128x128xf32, #tpu.memory_space<vmem>>, vector<16xf32>,
      %parallel_loop3A_737 = arith.mulf %parallel_loop3A_731, %parallel_loop3A_736 : vector<16xf32>
      %parallel_loop3A_738 = arith.addf %parallel_loop3A_720, %parallel_loop3A_737 : vector<16xf32>
      %parallel_loop3A_739 = arith.constant 0 : i32
      %parallel_loop3A_740 = arith.index_cast %parallel_loop3A_739 : i32 to index
      %parallel_loop3A_741 = arith.index_cast %parallel_loop3A_610 : i32 to index
      %parallel_loop3A_742 = arith.constant 112 : index
      %parallel_loop3A_743 = tpu.vector_load %arg8[%parallel_loop3A_740, %parallel_loop3A_741, %parallel_loop3A_742] {strides = array<i32>} : memref<3x128x128xf32, #tpu.memory_space<vmem>>, vector<16xf32>,
      %parallel_loop3A_744 = arith.constant 1 : i32
      %parallel_loop3A_745 = arith.index_cast %parallel_loop3A_744 : i32 to index
      %parallel_loop3A_746 = arith.index_cast %parallel_loop3A_610 : i32 to index
      %parallel_loop3A_747 = arith.constant 112 : index
      %parallel_loop3A_748 = tpu.vector_load %arg8[%parallel_loop3A_745, %parallel_loop3A_746, %parallel_loop3A_747] {strides = array<i32>} : memref<3x128x128xf32, #tpu.memory_space<vmem>>, vector<16xf32>,
      %parallel_loop3A_749 = arith.mulf %parallel_loop3A_743, %parallel_loop3A_748 : vector<16xf32>
      %parallel_loop3A_750 = arith.constant 2 : i32
      %parallel_loop3A_751 = arith.index_cast %parallel_loop3A_750 : i32 to index
      %parallel_loop3A_752 = arith.index_cast %parallel_loop3A_610 : i32 to index
      %parallel_loop3A_753 = arith.constant 112 : index
      %parallel_loop3A_754 = tpu.vector_load %arg8[%parallel_loop3A_751, %parallel_loop3A_752, %parallel_loop3A_753] {strides = array<i32>} : memref<3x128x128xf32, #tpu.memory_space<vmem>>, vector<16xf32>,
      %parallel_loop3A_755 = arith.mulf %parallel_loop3A_749, %parallel_loop3A_754 : vector<16xf32>
      %parallel_loop3A_756 = arith.addf %parallel_loop3A_738, %parallel_loop3A_755 : vector<16xf32>
      %parallel_loop3A_757 = arith.constant 16 : i32
      %parallel_loop3A_758 = arith.muli %parallel_loop3A_610, %parallel_loop3A_757 : i32
      %parallel_loop3A_759 = arith.index_cast %parallel_loop3A_758 : i32 to index
      %parallel_loop3A_760 = tpu.vector_load %arg10[%parallel_loop3A_759] {strides = array<i32>} : memref<2048xf32, #tpu.memory_space<vmem>>, vector<16xf32>,
      tpu.vector_store %arg10[%parallel_loop3A_759], %parallel_loop3A_756 {strides = array<i32>} : memref<2048xf32, #tpu.memory_space<vmem>>, vector<16xf32>,
    } {sc.loop_unroll_factor = 2 : i64, sc.parallel_access}
    %parallel_loop3A_483 = arith.constant 0 : i32
    %parallel_loop3A_484 = arith.constant 8 : i32
    %parallel_loop3A_485 = arith.constant 1 : i32
    %parallel_loop3A_486 = scf.for %parallel_loop3A_610 = %parallel_loop3A_483 to %parallel_loop3A_484 step %parallel_loop3A_485 iter_args(%parallel_loop3A_611 = %parallel_loop3A_407) -> (vector<16xf32>)  : i32 {
      %parallel_loop3A_612 = arith.constant 16 : i32
      %parallel_loop3A_613 = arith.muli %parallel_loop3A_610, %parallel_loop3A_612 : i32
      %parallel_loop3A_614 = vector.broadcast %parallel_loop3A_613 : i32 to vector<16xi32>
      %parallel_loop3A_615 = arith.addi %parallel_loop3A_614, %iota3A : vector<16xi32>
      %parallel_loop3A_616 = arith.constant 16 : i32
      %parallel_loop3A_617 = vector.broadcast %parallel_loop3A_616 : i32 to vector<16xi32>
      %parallel_loop3A_618 = arith.muli %parallel_loop3A_615, %parallel_loop3A_617 : vector<16xi32>
      %parallel_loop3A_619 = arith.constant 0.000000e+00 : f32
      %parallel_loop3A_620 = vector.broadcast %parallel_loop3A_619 : f32 to vector<16xf32>
      %parallel_loop3A_621 = arith.constant 0 : i32
      %parallel_loop3A_622 = vector.broadcast %parallel_loop3A_621 : i32 to vector<16xi32>
      %parallel_loop3A_623 = arith.addi %parallel_loop3A_618, %parallel_loop3A_622 : vector<16xi32>
      %parallel_loop3A_624 = tpu.vector_load_idx %arg10[%parallel_loop3A_623] : memref<2048xf32, #tpu.memory_space<vmem>>[vector<16xi32>], vector<16xf32>,
      %parallel_loop3A_625 = arith.addf %parallel_loop3A_620, %parallel_loop3A_624 : vector<16xf32>
      %parallel_loop3A_626 = arith.constant 1 : i32
      %parallel_loop3A_627 = vector.broadcast %parallel_loop3A_626 : i32 to vector<16xi32>
      %parallel_loop3A_628 = arith.addi %parallel_loop3A_618, %parallel_loop3A_627 : vector<16xi32>
      %parallel_loop3A_629 = tpu.vector_load_idx %arg10[%parallel_loop3A_628] : memref<2048xf32, #tpu.memory_space<vmem>>[vector<16xi32>], vector<16xf32>,
      %parallel_loop3A_630 = arith.addf %parallel_loop3A_625, %parallel_loop3A_629 : vector<16xf32>
      %parallel_loop3A_631 = arith.constant 2 : i32
      %parallel_loop3A_632 = vector.broadcast %parallel_loop3A_631 : i32 to vector<16xi32>
      %parallel_loop3A_633 = arith.addi %parallel_loop3A_618, %parallel_loop3A_632 : vector<16xi32>
      %parallel_loop3A_634 = tpu.vector_load_idx %arg10[%parallel_loop3A_633] : memref<2048xf32, #tpu.memory_space<vmem>>[vector<16xi32>], vector<16xf32>,
      %parallel_loop3A_635 = arith.addf %parallel_loop3A_630, %parallel_loop3A_634 : vector<16xf32>
      %parallel_loop3A_636 = arith.constant 3 : i32
      %parallel_loop3A_637 = vector.broadcast %parallel_loop3A_636 : i32 to vector<16xi32>
      %parallel_loop3A_638 = arith.addi %parallel_loop3A_618, %parallel_loop3A_637 : vector<16xi32>
      %parallel_loop3A_639 = tpu.vector_load_idx %arg10[%parallel_loop3A_638] : memref<2048xf32, #tpu.memory_space<vmem>>[vector<16xi32>], vector<16xf32>,
      %parallel_loop3A_640 = arith.addf %parallel_loop3A_635, %parallel_loop3A_639 : vector<16xf32>
      %parallel_loop3A_641 = arith.constant 4 : i32
      %parallel_loop3A_642 = vector.broadcast %parallel_loop3A_641 : i32 to vector<16xi32>
      %parallel_loop3A_643 = arith.addi %parallel_loop3A_618, %parallel_loop3A_642 : vector<16xi32>
      %parallel_loop3A_644 = tpu.vector_load_idx %arg10[%parallel_loop3A_643] : memref<2048xf32, #tpu.memory_space<vmem>>[vector<16xi32>], vector<16xf32>,
      %parallel_loop3A_645 = arith.addf %parallel_loop3A_640, %parallel_loop3A_644 : vector<16xf32>
      %parallel_loop3A_646 = arith.constant 5 : i32
      %parallel_loop3A_647 = vector.broadcast %parallel_loop3A_646 : i32 to vector<16xi32>
      %parallel_loop3A_648 = arith.addi %parallel_loop3A_618, %parallel_loop3A_647 : vector<16xi32>
      %parallel_loop3A_649 = tpu.vector_load_idx %arg10[%parallel_loop3A_648] : memref<2048xf32, #tpu.memory_space<vmem>>[vector<16xi32>], vector<16xf32>,
      %parallel_loop3A_650 = arith.addf %parallel_loop3A_645, %parallel_loop3A_649 : vector<16xf32>
      %parallel_loop3A_651 = arith.constant 6 : i32
      %parallel_loop3A_652 = vector.broadcast %parallel_loop3A_651 : i32 to vector<16xi32>
      %parallel_loop3A_653 = arith.addi %parallel_loop3A_618, %parallel_loop3A_652 : vector<16xi32>
      %parallel_loop3A_654 = tpu.vector_load_idx %arg10[%parallel_loop3A_653] : memref<2048xf32, #tpu.memory_space<vmem>>[vector<16xi32>], vector<16xf32>,
      %parallel_loop3A_655 = arith.addf %parallel_loop3A_650, %parallel_loop3A_654 : vector<16xf32>
      %parallel_loop3A_656 = arith.constant 7 : i32
      %parallel_loop3A_657 = vector.broadcast %parallel_loop3A_656 : i32 to vector<16xi32>
      %parallel_loop3A_658 = arith.addi %parallel_loop3A_618, %parallel_loop3A_657 : vector<16xi32>
      %parallel_loop3A_659 = tpu.vector_load_idx %arg10[%parallel_loop3A_658] : memref<2048xf32, #tpu.memory_space<vmem>>[vector<16xi32>], vector<16xf32>,
      %parallel_loop3A_660 = arith.addf %parallel_loop3A_655, %parallel_loop3A_659 : vector<16xf32>
      %parallel_loop3A_661 = arith.constant 8 : i32
      %parallel_loop3A_662 = vector.broadcast %parallel_loop3A_661 : i32 to vector<16xi32>
      %parallel_loop3A_663 = arith.addi %parallel_loop3A_618, %parallel_loop3A_662 : vector<16xi32>
      %parallel_loop3A_664 = tpu.vector_load_idx %arg10[%parallel_loop3A_663] : memref<2048xf32, #tpu.memory_space<vmem>>[vector<16xi32>], vector<16xf32>,
      %parallel_loop3A_665 = arith.addf %parallel_loop3A_660, %parallel_loop3A_664 : vector<16xf32>
      %parallel_loop3A_666 = arith.constant 9 : i32
      %parallel_loop3A_667 = vector.broadcast %parallel_loop3A_666 : i32 to vector<16xi32>
      %parallel_loop3A_668 = arith.addi %parallel_loop3A_618, %parallel_loop3A_667 : vector<16xi32>
      %parallel_loop3A_669 = tpu.vector_load_idx %arg10[%parallel_loop3A_668] : memref<2048xf32, #tpu.memory_space<vmem>>[vector<16xi32>], vector<16xf32>,
      %parallel_loop3A_670 = arith.addf %parallel_loop3A_665, %parallel_loop3A_669 : vector<16xf32>
      %parallel_loop3A_671 = arith.constant 10 : i32
      %parallel_loop3A_672 = vector.broadcast %parallel_loop3A_671 : i32 to vector<16xi32>
      %parallel_loop3A_673 = arith.addi %parallel_loop3A_618, %parallel_loop3A_672 : vector<16xi32>
      %parallel_loop3A_674 = tpu.vector_load_idx %arg10[%parallel_loop3A_673] : memref<2048xf32, #tpu.memory_space<vmem>>[vector<16xi32>], vector<16xf32>,
      %parallel_loop3A_675 = arith.addf %parallel_loop3A_670, %parallel_loop3A_674 : vector<16xf32>
      %parallel_loop3A_676 = arith.constant 11 : i32
      %parallel_loop3A_677 = vector.broadcast %parallel_loop3A_676 : i32 to vector<16xi32>
      %parallel_loop3A_678 = arith.addi %parallel_loop3A_618, %parallel_loop3A_677 : vector<16xi32>
      %parallel_loop3A_679 = tpu.vector_load_idx %arg10[%parallel_loop3A_678] : memref<2048xf32, #tpu.memory_space<vmem>>[vector<16xi32>], vector<16xf32>,
      %parallel_loop3A_680 = arith.addf %parallel_loop3A_675, %parallel_loop3A_679 : vector<16xf32>
      %parallel_loop3A_681 = arith.constant 12 : i32
      %parallel_loop3A_682 = vector.broadcast %parallel_loop3A_681 : i32 to vector<16xi32>
      %parallel_loop3A_683 = arith.addi %parallel_loop3A_618, %parallel_loop3A_682 : vector<16xi32>
      %parallel_loop3A_684 = tpu.vector_load_idx %arg10[%parallel_loop3A_683] : memref<2048xf32, #tpu.memory_space<vmem>>[vector<16xi32>], vector<16xf32>,
      %parallel_loop3A_685 = arith.addf %parallel_loop3A_680, %parallel_loop3A_684 : vector<16xf32>
      %parallel_loop3A_686 = arith.constant 13 : i32
      %parallel_loop3A_687 = vector.broadcast %parallel_loop3A_686 : i32 to vector<16xi32>
      %parallel_loop3A_688 = arith.addi %parallel_loop3A_618, %parallel_loop3A_687 : vector<16xi32>
      %parallel_loop3A_689 = tpu.vector_load_idx %arg10[%parallel_loop3A_688] : memref<2048xf32, #tpu.memory_space<vmem>>[vector<16xi32>], vector<16xf32>,
      %parallel_loop3A_690 = arith.addf %parallel_loop3A_685, %parallel_loop3A_689 : vector<16xf32>
      %parallel_loop3A_691 = arith.constant 14 : i32
      %parallel_loop3A_692 = vector.broadcast %parallel_loop3A_691 : i32 to vector<16xi32>
      %parallel_loop3A_693 = arith.addi %parallel_loop3A_618, %parallel_loop3A_692 : vector<16xi32>
      %parallel_loop3A_694 = tpu.vector_load_idx %arg10[%parallel_loop3A_693] : memref<2048xf32, #tpu.memory_space<vmem>>[vector<16xi32>], vector<16xf32>,
      %parallel_loop3A_695 = arith.addf %parallel_loop3A_690, %parallel_loop3A_694 : vector<16xf32>
      %parallel_loop3A_696 = arith.constant 15 : i32
      %parallel_loop3A_697 = vector.broadcast %parallel_loop3A_696 : i32 to vector<16xi32>
      %parallel_loop3A_698 = arith.addi %parallel_loop3A_618, %parallel_loop3A_697 : vector<16xi32>
      %parallel_loop3A_699 = tpu.vector_load_idx %arg10[%parallel_loop3A_698] : memref<2048xf32, #tpu.memory_space<vmem>>[vector<16xi32>], vector<16xf32>,
      %parallel_loop3A_700 = arith.addf %parallel_loop3A_695, %parallel_loop3A_699 : vector<16xf32>
      %parallel_loop3A_701 = arith.constant 0.000000e+00 : f32
      %parallel_loop3A_702 = vector.broadcast %parallel_loop3A_701 : f32 to vector<16xf32>
      %parallel_loop3A_703 = arith.subf %parallel_loop3A_702, %parallel_loop3A_700 : vector<16xf32>
      %parallel_loop3A_704 = math.exp %parallel_loop3A_703 : vector<16xf32>
      %parallel_loop3A_705 = arith.constant 1.000000e+00 : f32
      %parallel_loop3A_706 = vector.broadcast %parallel_loop3A_705 : f32 to vector<16xf32>
      %parallel_loop3A_707 = arith.subf %parallel_loop3A_706, %parallel_loop3A_704 : vector<16xf32>
      %parallel_loop3A_708 = arith.constant 9.99999974E-6 : f32
      %parallel_loop3A_709 = arith.constant 1.000000e+00 : f32
      %parallel_loop3A_710 = vector.broadcast %parallel_loop3A_708 : f32 to vector<16xf32>
      %parallel_loop3A_711 = arith.maximumf %parallel_loop3A_710, %parallel_loop3A_707 : vector<16xf32>
      %parallel_loop3A_712 = vector.broadcast %parallel_loop3A_709 : f32 to vector<16xf32>
      %parallel_loop3A_713 = arith.minimumf %parallel_loop3A_712, %parallel_loop3A_711 : vector<16xf32>
      %parallel_loop3A_714 = arith.constant 16 : i32
      %parallel_loop3A_715 = arith.muli %parallel_loop3A_610, %parallel_loop3A_714 : i32
      %parallel_loop3A_716 = arith.constant 128 : i32
      %parallel_loop3A_717 = arith.addi %parallel_loop3A_716, %parallel_loop3A_715 : i32
      %parallel_loop3A_718 = arith.index_cast %parallel_loop3A_717 : i32 to index
      %parallel_loop3A_719 = tpu.vector_load %arg9[%parallel_loop3A_718] {strides = array<i32>} : memref<512xf32, #tpu.memory_space<vmem>>, vector<16xf32>,
      %parallel_loop3A_720 = arith.mulf %parallel_loop3A_713, %parallel_loop3A_719 : vector<16xf32>
      %parallel_loop3A_721 = arith.addf %parallel_loop3A_611, %parallel_loop3A_720 : vector<16xf32>
      scf.yield %parallel_loop3A_721 : vector<16xf32>
    } {sc.loop_unroll_factor = 1 : i64, sc.parallel_access}
    %dma_start3A_487 = arith.constant 9 : i32
    %dma_start3A_488 = arith.constant 0 : i32
    %dma_start3A_489 = arith.constant 0 : i32
    %dma_start3A_490 = arith.constant 0 : i32
    %dma_start3A_491 = tpu.memref_slice %arg8[%dma_start3A_488, %dma_start3A_489, %dma_start3A_490] : memref<3x128x128xf32, #tpu.memory_space<vmem>> -> memref<1x128x128xf32, #tpu.memory_space<vmem>>
    %dma_start3A_492 = tpu.memref_squeeze %dma_start3A_491 : memref<1x128x128xf32, #tpu.memory_space<vmem>> -> memref<128x128xf32, #tpu.memory_space<vmem>>
    %dma_start3A_493 = arith.constant 0 : i32
    %dma_start3A_494 = tpu.memref_slice %arg6[%dma_start3A_487, %dma_start3A_493] : memref<12x128xi32, #tpu.memory_space<vmem>> -> memref<1x128xi32, #tpu.memory_space<vmem>>
    %dma_start3A_495 = tpu.memref_squeeze %dma_start3A_494 : memref<1x128xi32, #tpu.memory_space<vmem>> -> memref<128xi32, #tpu.memory_space<vmem>>
    %dma_start3A_496 = arith.constant 0 : i32
    %dma_start3A_497 = arith.constant 0 : i32
    %dma_start3A_498 = tpu.memref_slice %arg4[%dma_start3A_496, %dma_start3A_497] : memref<100000x128xf32, #tpu.memory_space<hbm>> -> memref<100000x128xf32, #tpu.memory_space<hbm>>
    tpu.enqueue_indirect_dma source(%dma_start3A_498 : memref<100000x128xf32, #tpu.memory_space<hbm>>) target(%dma_start3A_492 : memref<128x128xf32, #tpu.memory_space<vmem>>) offsets(%dma_start3A_495 : memref<128xi32, #tpu.memory_space<vmem>>) semaphore(%arg14 : memref<!tpu.dma_semaphore, #tpu.memory_space<semaphore_mem>>)
    %dma_start3A_499 = arith.constant 10 : i32
    %dma_start3A_500 = arith.constant 1 : i32
    %dma_start3A_501 = arith.constant 0 : i32
    %dma_start3A_502 = arith.constant 0 : i32
    %dma_start3A_503 = tpu.memref_slice %arg8[%dma_start3A_500, %dma_start3A_501, %dma_start3A_502] : memref<3x128x128xf32, #tpu.memory_space<vmem>> -> memref<1x128x128xf32, #tpu.memory_space<vmem>>
    %dma_start3A_504 = tpu.memref_squeeze %dma_start3A_503 : memref<1x128x128xf32, #tpu.memory_space<vmem>> -> memref<128x128xf32, #tpu.memory_space<vmem>>
    %dma_start3A_505 = arith.constant 0 : i32
    %dma_start3A_506 = tpu.memref_slice %arg6[%dma_start3A_499, %dma_start3A_505] : memref<12x128xi32, #tpu.memory_space<vmem>> -> memref<1x128xi32, #tpu.memory_space<vmem>>
    %dma_start3A_507 = tpu.memref_squeeze %dma_start3A_506 : memref<1x128xi32, #tpu.memory_space<vmem>> -> memref<128xi32, #tpu.memory_space<vmem>>
    %dma_start3A_508 = arith.constant 0 : i32
    %dma_start3A_509 = arith.constant 0 : i32
    %dma_start3A_510 = tpu.memref_slice %arg4[%dma_start3A_508, %dma_start3A_509] : memref<100000x128xf32, #tpu.memory_space<hbm>> -> memref<100000x128xf32, #tpu.memory_space<hbm>>
    tpu.enqueue_indirect_dma source(%dma_start3A_510 : memref<100000x128xf32, #tpu.memory_space<hbm>>) target(%dma_start3A_504 : memref<128x128xf32, #tpu.memory_space<vmem>>) offsets(%dma_start3A_507 : memref<128xi32, #tpu.memory_space<vmem>>) semaphore(%arg14 : memref<!tpu.dma_semaphore, #tpu.memory_space<semaphore_mem>>)
    %dma_start3A_511 = arith.constant 11 : i32
    %dma_start3A_512 = arith.constant 2 : i32
    %dma_start3A_513 = arith.constant 0 : i32
    %dma_start3A_514 = arith.constant 0 : i32
    %dma_start3A_515 = tpu.memref_slice %arg8[%dma_start3A_512, %dma_start3A_513, %dma_start3A_514] : memref<3x128x128xf32, #tpu.memory_space<vmem>> -> memref<1x128x128xf32, #tpu.memory_space<vmem>>
    %dma_start3A_516 = tpu.memref_squeeze %dma_start3A_515 : memref<1x128x128xf32, #tpu.memory_space<vmem>> -> memref<128x128xf32, #tpu.memory_space<vmem>>
    %dma_start3A_517 = arith.constant 0 : i32
    %dma_start3A_518 = tpu.memref_slice %arg6[%dma_start3A_511, %dma_start3A_517] : memref<12x128xi32, #tpu.memory_space<vmem>> -> memref<1x128xi32, #tpu.memory_space<vmem>>
    %dma_start3A_519 = tpu.memref_squeeze %dma_start3A_518 : memref<1x128xi32, #tpu.memory_space<vmem>> -> memref<128xi32, #tpu.memory_space<vmem>>
    %dma_start3A_520 = arith.constant 0 : i32
    %dma_start3A_521 = arith.constant 0 : i32
    %dma_start3A_522 = tpu.memref_slice %arg4[%dma_start3A_520, %dma_start3A_521] : memref<100000x128xf32, #tpu.memory_space<hbm>> -> memref<100000x128xf32, #tpu.memory_space<hbm>>
    tpu.enqueue_indirect_dma source(%dma_start3A_522 : memref<100000x128xf32, #tpu.memory_space<hbm>>) target(%dma_start3A_516 : memref<128x128xf32, #tpu.memory_space<vmem>>) offsets(%dma_start3A_519 : memref<128xi32, #tpu.memory_space<vmem>>) semaphore(%arg14 : memref<!tpu.dma_semaphore, #tpu.memory_space<semaphore_mem>>)
    %dma_wait3A_523 = arith.constant 6 : i32
    %dma_wait3A_524 = arith.constant 0 : i32
    %dma_wait3A_525 = arith.constant 0 : i32
    %dma_wait3A_526 = arith.constant 0 : i32
    %dma_wait3A_527 = tpu.memref_slice %arg7[%dma_wait3A_524, %dma_wait3A_525, %dma_wait3A_526] : memref<3x128x128xf32, #tpu.memory_space<vmem>> -> memref<1x128x128xf32, #tpu.memory_space<vmem>>
    %dma_wait3A_528 = tpu.memref_squeeze %dma_wait3A_527 : memref<1x128x128xf32, #tpu.memory_space<vmem>> -> memref<128x128xf32, #tpu.memory_space<vmem>>
    %dma_wait3A_529 = arith.constant 0 : i32
    %dma_wait3A_530 = tpu.memref_slice %arg6[%dma_wait3A_523, %dma_wait3A_529] : memref<12x128xi32, #tpu.memory_space<vmem>> -> memref<1x128xi32, #tpu.memory_space<vmem>>
    %dma_wait3A_531 = tpu.memref_squeeze %dma_wait3A_530 : memref<1x128xi32, #tpu.memory_space<vmem>> -> memref<128xi32, #tpu.memory_space<vmem>>
    %dma_wait3A_532 = arith.constant 0 : i32
    %dma_wait3A_533 = arith.constant 0 : i32
    %dma_wait3A_534 = tpu.memref_slice %arg4[%dma_wait3A_532, %dma_wait3A_533] : memref<100000x128xf32, #tpu.memory_space<hbm>> -> memref<100000x128xf32, #tpu.memory_space<hbm>>
    tpu.wait_indirect_dma semaphore(%arg13 : memref<!tpu.dma_semaphore, #tpu.memory_space<semaphore_mem>>) src(%dma_wait3A_534 : memref<100000x128xf32, #tpu.memory_space<hbm>>) dst(%dma_wait3A_528 : memref<128x128xf32, #tpu.memory_space<vmem>>)
    %dma_wait3A_535 = arith.constant 7 : i32
    %dma_wait3A_536 = arith.constant 1 : i32
    %dma_wait3A_537 = arith.constant 0 : i32
    %dma_wait3A_538 = arith.constant 0 : i32
    %dma_wait3A_539 = tpu.memref_slice %arg7[%dma_wait3A_536, %dma_wait3A_537, %dma_wait3A_538] : memref<3x128x128xf32, #tpu.memory_space<vmem>> -> memref<1x128x128xf32, #tpu.memory_space<vmem>>
    %dma_wait3A_540 = tpu.memref_squeeze %dma_wait3A_539 : memref<1x128x128xf32, #tpu.memory_space<vmem>> -> memref<128x128xf32, #tpu.memory_space<vmem>>
    %dma_wait3A_541 = arith.constant 0 : i32
    %dma_wait3A_542 = tpu.memref_slice %arg6[%dma_wait3A_535, %dma_wait3A_541] : memref<12x128xi32, #tpu.memory_space<vmem>> -> memref<1x128xi32, #tpu.memory_space<vmem>>
    %dma_wait3A_543 = tpu.memref_squeeze %dma_wait3A_542 : memref<1x128xi32, #tpu.memory_space<vmem>> -> memref<128xi32, #tpu.memory_space<vmem>>
    %dma_wait3A_544 = arith.constant 0 : i32
    %dma_wait3A_545 = arith.constant 0 : i32
    %dma_wait3A_546 = tpu.memref_slice %arg4[%dma_wait3A_544, %dma_wait3A_545] : memref<100000x128xf32, #tpu.memory_space<hbm>> -> memref<100000x128xf32, #tpu.memory_space<hbm>>
    tpu.wait_indirect_dma semaphore(%arg13 : memref<!tpu.dma_semaphore, #tpu.memory_space<semaphore_mem>>) src(%dma_wait3A_546 : memref<100000x128xf32, #tpu.memory_space<hbm>>) dst(%dma_wait3A_540 : memref<128x128xf32, #tpu.memory_space<vmem>>)
    %dma_wait3A_547 = arith.constant 8 : i32
    %dma_wait3A_548 = arith.constant 2 : i32
    %dma_wait3A_549 = arith.constant 0 : i32
    %dma_wait3A_550 = arith.constant 0 : i32
    %dma_wait3A_551 = tpu.memref_slice %arg7[%dma_wait3A_548, %dma_wait3A_549, %dma_wait3A_550] : memref<3x128x128xf32, #tpu.memory_space<vmem>> -> memref<1x128x128xf32, #tpu.memory_space<vmem>>
    %dma_wait3A_552 = tpu.memref_squeeze %dma_wait3A_551 : memref<1x128x128xf32, #tpu.memory_space<vmem>> -> memref<128x128xf32, #tpu.memory_space<vmem>>
    %dma_wait3A_553 = arith.constant 0 : i32
    %dma_wait3A_554 = tpu.memref_slice %arg6[%dma_wait3A_547, %dma_wait3A_553] : memref<12x128xi32, #tpu.memory_space<vmem>> -> memref<1x128xi32, #tpu.memory_space<vmem>>
    %dma_wait3A_555 = tpu.memref_squeeze %dma_wait3A_554 : memref<1x128xi32, #tpu.memory_space<vmem>> -> memref<128xi32, #tpu.memory_space<vmem>>
    %dma_wait3A_556 = arith.constant 0 : i32
    %dma_wait3A_557 = arith.constant 0 : i32
    %dma_wait3A_558 = tpu.memref_slice %arg4[%dma_wait3A_556, %dma_wait3A_557] : memref<100000x128xf32, #tpu.memory_space<hbm>> -> memref<100000x128xf32, #tpu.memory_space<hbm>>
    tpu.wait_indirect_dma semaphore(%arg13 : memref<!tpu.dma_semaphore, #tpu.memory_space<semaphore_mem>>) src(%dma_wait3A_558 : memref<100000x128xf32, #tpu.memory_space<hbm>>) dst(%dma_wait3A_552 : memref<128x128xf32, #tpu.memory_space<vmem>>)
    %parallel_loop3A_559 = arith.constant 0 : i32
    %parallel_loop3A_560 = arith.constant 128 : i32
    %parallel_loop3A_561 = arith.constant 1 : i32
    scf.for %parallel_loop3A_610 = %parallel_loop3A_559 to %parallel_loop3A_560 step %parallel_loop3A_561  : i32 {
      %parallel_loop3A_611 = arith.constant 0.000000e+00 : f32
      %parallel_loop3A_612 = vector.broadcast %parallel_loop3A_611 : f32 to vector<16xf32>
      %parallel_loop3A_613 = arith.constant 0 : i32
      %parallel_loop3A_614 = arith.index_cast %parallel_loop3A_613 : i32 to index
      %parallel_loop3A_615 = arith.index_cast %parallel_loop3A_610 : i32 to index
      %parallel_loop3A_616 = arith.constant 0 : index
      %parallel_loop3A_617 = tpu.vector_load %arg7[%parallel_loop3A_614, %parallel_loop3A_615, %parallel_loop3A_616] {strides = array<i32>} : memref<3x128x128xf32, #tpu.memory_space<vmem>>, vector<16xf32>,
      %parallel_loop3A_618 = arith.constant 1 : i32
      %parallel_loop3A_619 = arith.index_cast %parallel_loop3A_618 : i32 to index
      %parallel_loop3A_620 = arith.index_cast %parallel_loop3A_610 : i32 to index
      %parallel_loop3A_621 = arith.constant 0 : index
      %parallel_loop3A_622 = tpu.vector_load %arg7[%parallel_loop3A_619, %parallel_loop3A_620, %parallel_loop3A_621] {strides = array<i32>} : memref<3x128x128xf32, #tpu.memory_space<vmem>>, vector<16xf32>,
      %parallel_loop3A_623 = arith.mulf %parallel_loop3A_617, %parallel_loop3A_622 : vector<16xf32>
      %parallel_loop3A_624 = arith.constant 2 : i32
      %parallel_loop3A_625 = arith.index_cast %parallel_loop3A_624 : i32 to index
      %parallel_loop3A_626 = arith.index_cast %parallel_loop3A_610 : i32 to index
      %parallel_loop3A_627 = arith.constant 0 : index
      %parallel_loop3A_628 = tpu.vector_load %arg7[%parallel_loop3A_625, %parallel_loop3A_626, %parallel_loop3A_627] {strides = array<i32>} : memref<3x128x128xf32, #tpu.memory_space<vmem>>, vector<16xf32>,
      %parallel_loop3A_629 = arith.mulf %parallel_loop3A_623, %parallel_loop3A_628 : vector<16xf32>
      %parallel_loop3A_630 = arith.addf %parallel_loop3A_612, %parallel_loop3A_629 : vector<16xf32>
      %parallel_loop3A_631 = arith.constant 0 : i32
      %parallel_loop3A_632 = arith.index_cast %parallel_loop3A_631 : i32 to index
      %parallel_loop3A_633 = arith.index_cast %parallel_loop3A_610 : i32 to index
      %parallel_loop3A_634 = arith.constant 16 : index
      %parallel_loop3A_635 = tpu.vector_load %arg7[%parallel_loop3A_632, %parallel_loop3A_633, %parallel_loop3A_634] {strides = array<i32>} : memref<3x128x128xf32, #tpu.memory_space<vmem>>, vector<16xf32>,
      %parallel_loop3A_636 = arith.constant 1 : i32
      %parallel_loop3A_637 = arith.index_cast %parallel_loop3A_636 : i32 to index
      %parallel_loop3A_638 = arith.index_cast %parallel_loop3A_610 : i32 to index
      %parallel_loop3A_639 = arith.constant 16 : index
      %parallel_loop3A_640 = tpu.vector_load %arg7[%parallel_loop3A_637, %parallel_loop3A_638, %parallel_loop3A_639] {strides = array<i32>} : memref<3x128x128xf32, #tpu.memory_space<vmem>>, vector<16xf32>,
      %parallel_loop3A_641 = arith.mulf %parallel_loop3A_635, %parallel_loop3A_640 : vector<16xf32>
      %parallel_loop3A_642 = arith.constant 2 : i32
      %parallel_loop3A_643 = arith.index_cast %parallel_loop3A_642 : i32 to index
      %parallel_loop3A_644 = arith.index_cast %parallel_loop3A_610 : i32 to index
      %parallel_loop3A_645 = arith.constant 16 : index
      %parallel_loop3A_646 = tpu.vector_load %arg7[%parallel_loop3A_643, %parallel_loop3A_644, %parallel_loop3A_645] {strides = array<i32>} : memref<3x128x128xf32, #tpu.memory_space<vmem>>, vector<16xf32>,
      %parallel_loop3A_647 = arith.mulf %parallel_loop3A_641, %parallel_loop3A_646 : vector<16xf32>
      %parallel_loop3A_648 = arith.addf %parallel_loop3A_630, %parallel_loop3A_647 : vector<16xf32>
      %parallel_loop3A_649 = arith.constant 0 : i32
      %parallel_loop3A_650 = arith.index_cast %parallel_loop3A_649 : i32 to index
      %parallel_loop3A_651 = arith.index_cast %parallel_loop3A_610 : i32 to index
      %parallel_loop3A_652 = arith.constant 32 : index
      %parallel_loop3A_653 = tpu.vector_load %arg7[%parallel_loop3A_650, %parallel_loop3A_651, %parallel_loop3A_652] {strides = array<i32>} : memref<3x128x128xf32, #tpu.memory_space<vmem>>, vector<16xf32>,
      %parallel_loop3A_654 = arith.constant 1 : i32
      %parallel_loop3A_655 = arith.index_cast %parallel_loop3A_654 : i32 to index
      %parallel_loop3A_656 = arith.index_cast %parallel_loop3A_610 : i32 to index
      %parallel_loop3A_657 = arith.constant 32 : index
      %parallel_loop3A_658 = tpu.vector_load %arg7[%parallel_loop3A_655, %parallel_loop3A_656, %parallel_loop3A_657] {strides = array<i32>} : memref<3x128x128xf32, #tpu.memory_space<vmem>>, vector<16xf32>,
      %parallel_loop3A_659 = arith.mulf %parallel_loop3A_653, %parallel_loop3A_658 : vector<16xf32>
      %parallel_loop3A_660 = arith.constant 2 : i32
      %parallel_loop3A_661 = arith.index_cast %parallel_loop3A_660 : i32 to index
      %parallel_loop3A_662 = arith.index_cast %parallel_loop3A_610 : i32 to index
      %parallel_loop3A_663 = arith.constant 32 : index
      %parallel_loop3A_664 = tpu.vector_load %arg7[%parallel_loop3A_661, %parallel_loop3A_662, %parallel_loop3A_663] {strides = array<i32>} : memref<3x128x128xf32, #tpu.memory_space<vmem>>, vector<16xf32>,
      %parallel_loop3A_665 = arith.mulf %parallel_loop3A_659, %parallel_loop3A_664 : vector<16xf32>
      %parallel_loop3A_666 = arith.addf %parallel_loop3A_648, %parallel_loop3A_665 : vector<16xf32>
      %parallel_loop3A_667 = arith.constant 0 : i32
      %parallel_loop3A_668 = arith.index_cast %parallel_loop3A_667 : i32 to index
      %parallel_loop3A_669 = arith.index_cast %parallel_loop3A_610 : i32 to index
      %parallel_loop3A_670 = arith.constant 48 : index
      %parallel_loop3A_671 = tpu.vector_load %arg7[%parallel_loop3A_668, %parallel_loop3A_669, %parallel_loop3A_670] {strides = array<i32>} : memref<3x128x128xf32, #tpu.memory_space<vmem>>, vector<16xf32>,
      %parallel_loop3A_672 = arith.constant 1 : i32
      %parallel_loop3A_673 = arith.index_cast %parallel_loop3A_672 : i32 to index
      %parallel_loop3A_674 = arith.index_cast %parallel_loop3A_610 : i32 to index
      %parallel_loop3A_675 = arith.constant 48 : index
      %parallel_loop3A_676 = tpu.vector_load %arg7[%parallel_loop3A_673, %parallel_loop3A_674, %parallel_loop3A_675] {strides = array<i32>} : memref<3x128x128xf32, #tpu.memory_space<vmem>>, vector<16xf32>,
      %parallel_loop3A_677 = arith.mulf %parallel_loop3A_671, %parallel_loop3A_676 : vector<16xf32>
      %parallel_loop3A_678 = arith.constant 2 : i32
      %parallel_loop3A_679 = arith.index_cast %parallel_loop3A_678 : i32 to index
      %parallel_loop3A_680 = arith.index_cast %parallel_loop3A_610 : i32 to index
      %parallel_loop3A_681 = arith.constant 48 : index
      %parallel_loop3A_682 = tpu.vector_load %arg7[%parallel_loop3A_679, %parallel_loop3A_680, %parallel_loop3A_681] {strides = array<i32>} : memref<3x128x128xf32, #tpu.memory_space<vmem>>, vector<16xf32>,
      %parallel_loop3A_683 = arith.mulf %parallel_loop3A_677, %parallel_loop3A_682 : vector<16xf32>
      %parallel_loop3A_684 = arith.addf %parallel_loop3A_666, %parallel_loop3A_683 : vector<16xf32>
      %parallel_loop3A_685 = arith.constant 0 : i32
      %parallel_loop3A_686 = arith.index_cast %parallel_loop3A_685 : i32 to index
      %parallel_loop3A_687 = arith.index_cast %parallel_loop3A_610 : i32 to index
      %parallel_loop3A_688 = arith.constant 64 : index
      %parallel_loop3A_689 = tpu.vector_load %arg7[%parallel_loop3A_686, %parallel_loop3A_687, %parallel_loop3A_688] {strides = array<i32>} : memref<3x128x128xf32, #tpu.memory_space<vmem>>, vector<16xf32>,
      %parallel_loop3A_690 = arith.constant 1 : i32
      %parallel_loop3A_691 = arith.index_cast %parallel_loop3A_690 : i32 to index
      %parallel_loop3A_692 = arith.index_cast %parallel_loop3A_610 : i32 to index
      %parallel_loop3A_693 = arith.constant 64 : index
      %parallel_loop3A_694 = tpu.vector_load %arg7[%parallel_loop3A_691, %parallel_loop3A_692, %parallel_loop3A_693] {strides = array<i32>} : memref<3x128x128xf32, #tpu.memory_space<vmem>>, vector<16xf32>,
      %parallel_loop3A_695 = arith.mulf %parallel_loop3A_689, %parallel_loop3A_694 : vector<16xf32>
      %parallel_loop3A_696 = arith.constant 2 : i32
      %parallel_loop3A_697 = arith.index_cast %parallel_loop3A_696 : i32 to index
      %parallel_loop3A_698 = arith.index_cast %parallel_loop3A_610 : i32 to index
      %parallel_loop3A_699 = arith.constant 64 : index
      %parallel_loop3A_700 = tpu.vector_load %arg7[%parallel_loop3A_697, %parallel_loop3A_698, %parallel_loop3A_699] {strides = array<i32>} : memref<3x128x128xf32, #tpu.memory_space<vmem>>, vector<16xf32>,
      %parallel_loop3A_701 = arith.mulf %parallel_loop3A_695, %parallel_loop3A_700 : vector<16xf32>
      %parallel_loop3A_702 = arith.addf %parallel_loop3A_684, %parallel_loop3A_701 : vector<16xf32>
      %parallel_loop3A_703 = arith.constant 0 : i32
      %parallel_loop3A_704 = arith.index_cast %parallel_loop3A_703 : i32 to index
      %parallel_loop3A_705 = arith.index_cast %parallel_loop3A_610 : i32 to index
      %parallel_loop3A_706 = arith.constant 80 : index
      %parallel_loop3A_707 = tpu.vector_load %arg7[%parallel_loop3A_704, %parallel_loop3A_705, %parallel_loop3A_706] {strides = array<i32>} : memref<3x128x128xf32, #tpu.memory_space<vmem>>, vector<16xf32>,
      %parallel_loop3A_708 = arith.constant 1 : i32
      %parallel_loop3A_709 = arith.index_cast %parallel_loop3A_708 : i32 to index
      %parallel_loop3A_710 = arith.index_cast %parallel_loop3A_610 : i32 to index
      %parallel_loop3A_711 = arith.constant 80 : index
      %parallel_loop3A_712 = tpu.vector_load %arg7[%parallel_loop3A_709, %parallel_loop3A_710, %parallel_loop3A_711] {strides = array<i32>} : memref<3x128x128xf32, #tpu.memory_space<vmem>>, vector<16xf32>,
      %parallel_loop3A_713 = arith.mulf %parallel_loop3A_707, %parallel_loop3A_712 : vector<16xf32>
      %parallel_loop3A_714 = arith.constant 2 : i32
      %parallel_loop3A_715 = arith.index_cast %parallel_loop3A_714 : i32 to index
      %parallel_loop3A_716 = arith.index_cast %parallel_loop3A_610 : i32 to index
      %parallel_loop3A_717 = arith.constant 80 : index
      %parallel_loop3A_718 = tpu.vector_load %arg7[%parallel_loop3A_715, %parallel_loop3A_716, %parallel_loop3A_717] {strides = array<i32>} : memref<3x128x128xf32, #tpu.memory_space<vmem>>, vector<16xf32>,
      %parallel_loop3A_719 = arith.mulf %parallel_loop3A_713, %parallel_loop3A_718 : vector<16xf32>
      %parallel_loop3A_720 = arith.addf %parallel_loop3A_702, %parallel_loop3A_719 : vector<16xf32>
      %parallel_loop3A_721 = arith.constant 0 : i32
      %parallel_loop3A_722 = arith.index_cast %parallel_loop3A_721 : i32 to index
      %parallel_loop3A_723 = arith.index_cast %parallel_loop3A_610 : i32 to index
      %parallel_loop3A_724 = arith.constant 96 : index
      %parallel_loop3A_725 = tpu.vector_load %arg7[%parallel_loop3A_722, %parallel_loop3A_723, %parallel_loop3A_724] {strides = array<i32>} : memref<3x128x128xf32, #tpu.memory_space<vmem>>, vector<16xf32>,
      %parallel_loop3A_726 = arith.constant 1 : i32
      %parallel_loop3A_727 = arith.index_cast %parallel_loop3A_726 : i32 to index
      %parallel_loop3A_728 = arith.index_cast %parallel_loop3A_610 : i32 to index
      %parallel_loop3A_729 = arith.constant 96 : index
      %parallel_loop3A_730 = tpu.vector_load %arg7[%parallel_loop3A_727, %parallel_loop3A_728, %parallel_loop3A_729] {strides = array<i32>} : memref<3x128x128xf32, #tpu.memory_space<vmem>>, vector<16xf32>,
      %parallel_loop3A_731 = arith.mulf %parallel_loop3A_725, %parallel_loop3A_730 : vector<16xf32>
      %parallel_loop3A_732 = arith.constant 2 : i32
      %parallel_loop3A_733 = arith.index_cast %parallel_loop3A_732 : i32 to index
      %parallel_loop3A_734 = arith.index_cast %parallel_loop3A_610 : i32 to index
      %parallel_loop3A_735 = arith.constant 96 : index
      %parallel_loop3A_736 = tpu.vector_load %arg7[%parallel_loop3A_733, %parallel_loop3A_734, %parallel_loop3A_735] {strides = array<i32>} : memref<3x128x128xf32, #tpu.memory_space<vmem>>, vector<16xf32>,
      %parallel_loop3A_737 = arith.mulf %parallel_loop3A_731, %parallel_loop3A_736 : vector<16xf32>
      %parallel_loop3A_738 = arith.addf %parallel_loop3A_720, %parallel_loop3A_737 : vector<16xf32>
      %parallel_loop3A_739 = arith.constant 0 : i32
      %parallel_loop3A_740 = arith.index_cast %parallel_loop3A_739 : i32 to index
      %parallel_loop3A_741 = arith.index_cast %parallel_loop3A_610 : i32 to index
      %parallel_loop3A_742 = arith.constant 112 : index
      %parallel_loop3A_743 = tpu.vector_load %arg7[%parallel_loop3A_740, %parallel_loop3A_741, %parallel_loop3A_742] {strides = array<i32>} : memref<3x128x128xf32, #tpu.memory_space<vmem>>, vector<16xf32>,
      %parallel_loop3A_744 = arith.constant 1 : i32
      %parallel_loop3A_745 = arith.index_cast %parallel_loop3A_744 : i32 to index
      %parallel_loop3A_746 = arith.index_cast %parallel_loop3A_610 : i32 to index
      %parallel_loop3A_747 = arith.constant 112 : index
      %parallel_loop3A_748 = tpu.vector_load %arg7[%parallel_loop3A_745, %parallel_loop3A_746, %parallel_loop3A_747] {strides = array<i32>} : memref<3x128x128xf32, #tpu.memory_space<vmem>>, vector<16xf32>,
      %parallel_loop3A_749 = arith.mulf %parallel_loop3A_743, %parallel_loop3A_748 : vector<16xf32>
      %parallel_loop3A_750 = arith.constant 2 : i32
      %parallel_loop3A_751 = arith.index_cast %parallel_loop3A_750 : i32 to index
      %parallel_loop3A_752 = arith.index_cast %parallel_loop3A_610 : i32 to index
      %parallel_loop3A_753 = arith.constant 112 : index
      %parallel_loop3A_754 = tpu.vector_load %arg7[%parallel_loop3A_751, %parallel_loop3A_752, %parallel_loop3A_753] {strides = array<i32>} : memref<3x128x128xf32, #tpu.memory_space<vmem>>, vector<16xf32>,
      %parallel_loop3A_755 = arith.mulf %parallel_loop3A_749, %parallel_loop3A_754 : vector<16xf32>
      %parallel_loop3A_756 = arith.addf %parallel_loop3A_738, %parallel_loop3A_755 : vector<16xf32>
      %parallel_loop3A_757 = arith.constant 16 : i32
      %parallel_loop3A_758 = arith.muli %parallel_loop3A_610, %parallel_loop3A_757 : i32
      %parallel_loop3A_759 = arith.index_cast %parallel_loop3A_758 : i32 to index
      %parallel_loop3A_760 = tpu.vector_load %arg10[%parallel_loop3A_759] {strides = array<i32>} : memref<2048xf32, #tpu.memory_space<vmem>>, vector<16xf32>,
      tpu.vector_store %arg10[%parallel_loop3A_759], %parallel_loop3A_756 {strides = array<i32>} : memref<2048xf32, #tpu.memory_space<vmem>>, vector<16xf32>,
    } {sc.loop_unroll_factor = 2 : i64, sc.parallel_access}
    %parallel_loop3A_562 = arith.constant 0 : i32
    %parallel_loop3A_563 = arith.constant 8 : i32
    %parallel_loop3A_564 = arith.constant 1 : i32
    %parallel_loop3A_565 = scf.for %parallel_loop3A_610 = %parallel_loop3A_562 to %parallel_loop3A_563 step %parallel_loop3A_564 iter_args(%parallel_loop3A_611 = %parallel_loop3A_486) -> (vector<16xf32>)  : i32 {
      %parallel_loop3A_612 = arith.constant 16 : i32
      %parallel_loop3A_613 = arith.muli %parallel_loop3A_610, %parallel_loop3A_612 : i32
      %parallel_loop3A_614 = vector.broadcast %parallel_loop3A_613 : i32 to vector<16xi32>
      %parallel_loop3A_615 = arith.addi %parallel_loop3A_614, %iota3A : vector<16xi32>
      %parallel_loop3A_616 = arith.constant 16 : i32
      %parallel_loop3A_617 = vector.broadcast %parallel_loop3A_616 : i32 to vector<16xi32>
      %parallel_loop3A_618 = arith.muli %parallel_loop3A_615, %parallel_loop3A_617 : vector<16xi32>
      %parallel_loop3A_619 = arith.constant 0.000000e+00 : f32
      %parallel_loop3A_620 = vector.broadcast %parallel_loop3A_619 : f32 to vector<16xf32>
      %parallel_loop3A_621 = arith.constant 0 : i32
      %parallel_loop3A_622 = vector.broadcast %parallel_loop3A_621 : i32 to vector<16xi32>
      %parallel_loop3A_623 = arith.addi %parallel_loop3A_618, %parallel_loop3A_622 : vector<16xi32>
      %parallel_loop3A_624 = tpu.vector_load_idx %arg10[%parallel_loop3A_623] : memref<2048xf32, #tpu.memory_space<vmem>>[vector<16xi32>], vector<16xf32>,
      %parallel_loop3A_625 = arith.addf %parallel_loop3A_620, %parallel_loop3A_624 : vector<16xf32>
      %parallel_loop3A_626 = arith.constant 1 : i32
      %parallel_loop3A_627 = vector.broadcast %parallel_loop3A_626 : i32 to vector<16xi32>
      %parallel_loop3A_628 = arith.addi %parallel_loop3A_618, %parallel_loop3A_627 : vector<16xi32>
      %parallel_loop3A_629 = tpu.vector_load_idx %arg10[%parallel_loop3A_628] : memref<2048xf32, #tpu.memory_space<vmem>>[vector<16xi32>], vector<16xf32>,
      %parallel_loop3A_630 = arith.addf %parallel_loop3A_625, %parallel_loop3A_629 : vector<16xf32>
      %parallel_loop3A_631 = arith.constant 2 : i32
      %parallel_loop3A_632 = vector.broadcast %parallel_loop3A_631 : i32 to vector<16xi32>
      %parallel_loop3A_633 = arith.addi %parallel_loop3A_618, %parallel_loop3A_632 : vector<16xi32>
      %parallel_loop3A_634 = tpu.vector_load_idx %arg10[%parallel_loop3A_633] : memref<2048xf32, #tpu.memory_space<vmem>>[vector<16xi32>], vector<16xf32>,
      %parallel_loop3A_635 = arith.addf %parallel_loop3A_630, %parallel_loop3A_634 : vector<16xf32>
      %parallel_loop3A_636 = arith.constant 3 : i32
      %parallel_loop3A_637 = vector.broadcast %parallel_loop3A_636 : i32 to vector<16xi32>
      %parallel_loop3A_638 = arith.addi %parallel_loop3A_618, %parallel_loop3A_637 : vector<16xi32>
      %parallel_loop3A_639 = tpu.vector_load_idx %arg10[%parallel_loop3A_638] : memref<2048xf32, #tpu.memory_space<vmem>>[vector<16xi32>], vector<16xf32>,
      %parallel_loop3A_640 = arith.addf %parallel_loop3A_635, %parallel_loop3A_639 : vector<16xf32>
      %parallel_loop3A_641 = arith.constant 4 : i32
      %parallel_loop3A_642 = vector.broadcast %parallel_loop3A_641 : i32 to vector<16xi32>
      %parallel_loop3A_643 = arith.addi %parallel_loop3A_618, %parallel_loop3A_642 : vector<16xi32>
      %parallel_loop3A_644 = tpu.vector_load_idx %arg10[%parallel_loop3A_643] : memref<2048xf32, #tpu.memory_space<vmem>>[vector<16xi32>], vector<16xf32>,
      %parallel_loop3A_645 = arith.addf %parallel_loop3A_640, %parallel_loop3A_644 : vector<16xf32>
      %parallel_loop3A_646 = arith.constant 5 : i32
      %parallel_loop3A_647 = vector.broadcast %parallel_loop3A_646 : i32 to vector<16xi32>
      %parallel_loop3A_648 = arith.addi %parallel_loop3A_618, %parallel_loop3A_647 : vector<16xi32>
      %parallel_loop3A_649 = tpu.vector_load_idx %arg10[%parallel_loop3A_648] : memref<2048xf32, #tpu.memory_space<vmem>>[vector<16xi32>], vector<16xf32>,
      %parallel_loop3A_650 = arith.addf %parallel_loop3A_645, %parallel_loop3A_649 : vector<16xf32>
      %parallel_loop3A_651 = arith.constant 6 : i32
      %parallel_loop3A_652 = vector.broadcast %parallel_loop3A_651 : i32 to vector<16xi32>
      %parallel_loop3A_653 = arith.addi %parallel_loop3A_618, %parallel_loop3A_652 : vector<16xi32>
      %parallel_loop3A_654 = tpu.vector_load_idx %arg10[%parallel_loop3A_653] : memref<2048xf32, #tpu.memory_space<vmem>>[vector<16xi32>], vector<16xf32>,
      %parallel_loop3A_655 = arith.addf %parallel_loop3A_650, %parallel_loop3A_654 : vector<16xf32>
      %parallel_loop3A_656 = arith.constant 7 : i32
      %parallel_loop3A_657 = vector.broadcast %parallel_loop3A_656 : i32 to vector<16xi32>
      %parallel_loop3A_658 = arith.addi %parallel_loop3A_618, %parallel_loop3A_657 : vector<16xi32>
      %parallel_loop3A_659 = tpu.vector_load_idx %arg10[%parallel_loop3A_658] : memref<2048xf32, #tpu.memory_space<vmem>>[vector<16xi32>], vector<16xf32>,
      %parallel_loop3A_660 = arith.addf %parallel_loop3A_655, %parallel_loop3A_659 : vector<16xf32>
      %parallel_loop3A_661 = arith.constant 8 : i32
      %parallel_loop3A_662 = vector.broadcast %parallel_loop3A_661 : i32 to vector<16xi32>
      %parallel_loop3A_663 = arith.addi %parallel_loop3A_618, %parallel_loop3A_662 : vector<16xi32>
      %parallel_loop3A_664 = tpu.vector_load_idx %arg10[%parallel_loop3A_663] : memref<2048xf32, #tpu.memory_space<vmem>>[vector<16xi32>], vector<16xf32>,
      %parallel_loop3A_665 = arith.addf %parallel_loop3A_660, %parallel_loop3A_664 : vector<16xf32>
      %parallel_loop3A_666 = arith.constant 9 : i32
      %parallel_loop3A_667 = vector.broadcast %parallel_loop3A_666 : i32 to vector<16xi32>
      %parallel_loop3A_668 = arith.addi %parallel_loop3A_618, %parallel_loop3A_667 : vector<16xi32>
      %parallel_loop3A_669 = tpu.vector_load_idx %arg10[%parallel_loop3A_668] : memref<2048xf32, #tpu.memory_space<vmem>>[vector<16xi32>], vector<16xf32>,
      %parallel_loop3A_670 = arith.addf %parallel_loop3A_665, %parallel_loop3A_669 : vector<16xf32>
      %parallel_loop3A_671 = arith.constant 10 : i32
      %parallel_loop3A_672 = vector.broadcast %parallel_loop3A_671 : i32 to vector<16xi32>
      %parallel_loop3A_673 = arith.addi %parallel_loop3A_618, %parallel_loop3A_672 : vector<16xi32>
      %parallel_loop3A_674 = tpu.vector_load_idx %arg10[%parallel_loop3A_673] : memref<2048xf32, #tpu.memory_space<vmem>>[vector<16xi32>], vector<16xf32>,
      %parallel_loop3A_675 = arith.addf %parallel_loop3A_670, %parallel_loop3A_674 : vector<16xf32>
      %parallel_loop3A_676 = arith.constant 11 : i32
      %parallel_loop3A_677 = vector.broadcast %parallel_loop3A_676 : i32 to vector<16xi32>
      %parallel_loop3A_678 = arith.addi %parallel_loop3A_618, %parallel_loop3A_677 : vector<16xi32>
      %parallel_loop3A_679 = tpu.vector_load_idx %arg10[%parallel_loop3A_678] : memref<2048xf32, #tpu.memory_space<vmem>>[vector<16xi32>], vector<16xf32>,
      %parallel_loop3A_680 = arith.addf %parallel_loop3A_675, %parallel_loop3A_679 : vector<16xf32>
      %parallel_loop3A_681 = arith.constant 12 : i32
      %parallel_loop3A_682 = vector.broadcast %parallel_loop3A_681 : i32 to vector<16xi32>
      %parallel_loop3A_683 = arith.addi %parallel_loop3A_618, %parallel_loop3A_682 : vector<16xi32>
      %parallel_loop3A_684 = tpu.vector_load_idx %arg10[%parallel_loop3A_683] : memref<2048xf32, #tpu.memory_space<vmem>>[vector<16xi32>], vector<16xf32>,
      %parallel_loop3A_685 = arith.addf %parallel_loop3A_680, %parallel_loop3A_684 : vector<16xf32>
      %parallel_loop3A_686 = arith.constant 13 : i32
      %parallel_loop3A_687 = vector.broadcast %parallel_loop3A_686 : i32 to vector<16xi32>
      %parallel_loop3A_688 = arith.addi %parallel_loop3A_618, %parallel_loop3A_687 : vector<16xi32>
      %parallel_loop3A_689 = tpu.vector_load_idx %arg10[%parallel_loop3A_688] : memref<2048xf32, #tpu.memory_space<vmem>>[vector<16xi32>], vector<16xf32>,
      %parallel_loop3A_690 = arith.addf %parallel_loop3A_685, %parallel_loop3A_689 : vector<16xf32>
      %parallel_loop3A_691 = arith.constant 14 : i32
      %parallel_loop3A_692 = vector.broadcast %parallel_loop3A_691 : i32 to vector<16xi32>
      %parallel_loop3A_693 = arith.addi %parallel_loop3A_618, %parallel_loop3A_692 : vector<16xi32>
      %parallel_loop3A_694 = tpu.vector_load_idx %arg10[%parallel_loop3A_693] : memref<2048xf32, #tpu.memory_space<vmem>>[vector<16xi32>], vector<16xf32>,
      %parallel_loop3A_695 = arith.addf %parallel_loop3A_690, %parallel_loop3A_694 : vector<16xf32>
      %parallel_loop3A_696 = arith.constant 15 : i32
      %parallel_loop3A_697 = vector.broadcast %parallel_loop3A_696 : i32 to vector<16xi32>
      %parallel_loop3A_698 = arith.addi %parallel_loop3A_618, %parallel_loop3A_697 : vector<16xi32>
      %parallel_loop3A_699 = tpu.vector_load_idx %arg10[%parallel_loop3A_698] : memref<2048xf32, #tpu.memory_space<vmem>>[vector<16xi32>], vector<16xf32>,
      %parallel_loop3A_700 = arith.addf %parallel_loop3A_695, %parallel_loop3A_699 : vector<16xf32>
      %parallel_loop3A_701 = arith.constant 0.000000e+00 : f32
      %parallel_loop3A_702 = vector.broadcast %parallel_loop3A_701 : f32 to vector<16xf32>
      %parallel_loop3A_703 = arith.subf %parallel_loop3A_702, %parallel_loop3A_700 : vector<16xf32>
      %parallel_loop3A_704 = math.exp %parallel_loop3A_703 : vector<16xf32>
      %parallel_loop3A_705 = arith.constant 1.000000e+00 : f32
      %parallel_loop3A_706 = vector.broadcast %parallel_loop3A_705 : f32 to vector<16xf32>
      %parallel_loop3A_707 = arith.subf %parallel_loop3A_706, %parallel_loop3A_704 : vector<16xf32>
      %parallel_loop3A_708 = arith.constant 9.99999974E-6 : f32
      %parallel_loop3A_709 = arith.constant 1.000000e+00 : f32
      %parallel_loop3A_710 = vector.broadcast %parallel_loop3A_708 : f32 to vector<16xf32>
      %parallel_loop3A_711 = arith.maximumf %parallel_loop3A_710, %parallel_loop3A_707 : vector<16xf32>
      %parallel_loop3A_712 = vector.broadcast %parallel_loop3A_709 : f32 to vector<16xf32>
      %parallel_loop3A_713 = arith.minimumf %parallel_loop3A_712, %parallel_loop3A_711 : vector<16xf32>
      %parallel_loop3A_714 = arith.constant 16 : i32
      %parallel_loop3A_715 = arith.muli %parallel_loop3A_610, %parallel_loop3A_714 : i32
      %parallel_loop3A_716 = arith.constant 256 : i32
      %parallel_loop3A_717 = arith.addi %parallel_loop3A_716, %parallel_loop3A_715 : i32
      %parallel_loop3A_718 = arith.index_cast %parallel_loop3A_717 : i32 to index
      %parallel_loop3A_719 = tpu.vector_load %arg9[%parallel_loop3A_718] {strides = array<i32>} : memref<512xf32, #tpu.memory_space<vmem>>, vector<16xf32>,
      %parallel_loop3A_720 = arith.mulf %parallel_loop3A_713, %parallel_loop3A_719 : vector<16xf32>
      %parallel_loop3A_721 = arith.addf %parallel_loop3A_611, %parallel_loop3A_720 : vector<16xf32>
      scf.yield %parallel_loop3A_721 : vector<16xf32>
    } {sc.loop_unroll_factor = 1 : i64, sc.parallel_access}
    %dma_wait3A_566 = arith.constant 9 : i32
    %dma_wait3A_567 = arith.constant 0 : i32
    %dma_wait3A_568 = arith.constant 0 : i32
    %dma_wait3A_569 = arith.constant 0 : i32
    %dma_wait3A_570 = tpu.memref_slice %arg8[%dma_wait3A_567, %dma_wait3A_568, %dma_wait3A_569] : memref<3x128x128xf32, #tpu.memory_space<vmem>> -> memref<1x128x128xf32, #tpu.memory_space<vmem>>
    %dma_wait3A_571 = tpu.memref_squeeze %dma_wait3A_570 : memref<1x128x128xf32, #tpu.memory_space<vmem>> -> memref<128x128xf32, #tpu.memory_space<vmem>>
    %dma_wait3A_572 = arith.constant 0 : i32
    %dma_wait3A_573 = tpu.memref_slice %arg6[%dma_wait3A_566, %dma_wait3A_572] : memref<12x128xi32, #tpu.memory_space<vmem>> -> memref<1x128xi32, #tpu.memory_space<vmem>>
    %dma_wait3A_574 = tpu.memref_squeeze %dma_wait3A_573 : memref<1x128xi32, #tpu.memory_space<vmem>> -> memref<128xi32, #tpu.memory_space<vmem>>
    %dma_wait3A_575 = arith.constant 0 : i32
    %dma_wait3A_576 = arith.constant 0 : i32
    %dma_wait3A_577 = tpu.memref_slice %arg4[%dma_wait3A_575, %dma_wait3A_576] : memref<100000x128xf32, #tpu.memory_space<hbm>> -> memref<100000x128xf32, #tpu.memory_space<hbm>>
    tpu.wait_indirect_dma semaphore(%arg14 : memref<!tpu.dma_semaphore, #tpu.memory_space<semaphore_mem>>) src(%dma_wait3A_577 : memref<100000x128xf32, #tpu.memory_space<hbm>>) dst(%dma_wait3A_571 : memref<128x128xf32, #tpu.memory_space<vmem>>)
    %dma_wait3A_578 = arith.constant 10 : i32
    %dma_wait3A_579 = arith.constant 1 : i32
    %dma_wait3A_580 = arith.constant 0 : i32
    %dma_wait3A_581 = arith.constant 0 : i32
    %dma_wait3A_582 = tpu.memref_slice %arg8[%dma_wait3A_579, %dma_wait3A_580, %dma_wait3A_581] : memref<3x128x128xf32, #tpu.memory_space<vmem>> -> memref<1x128x128xf32, #tpu.memory_space<vmem>>
    %dma_wait3A_583 = tpu.memref_squeeze %dma_wait3A_582 : memref<1x128x128xf32, #tpu.memory_space<vmem>> -> memref<128x128xf32, #tpu.memory_space<vmem>>
    %dma_wait3A_584 = arith.constant 0 : i32
    %dma_wait3A_585 = tpu.memref_slice %arg6[%dma_wait3A_578, %dma_wait3A_584] : memref<12x128xi32, #tpu.memory_space<vmem>> -> memref<1x128xi32, #tpu.memory_space<vmem>>
    %dma_wait3A_586 = tpu.memref_squeeze %dma_wait3A_585 : memref<1x128xi32, #tpu.memory_space<vmem>> -> memref<128xi32, #tpu.memory_space<vmem>>
    %dma_wait3A_587 = arith.constant 0 : i32
    %dma_wait3A_588 = arith.constant 0 : i32
    %dma_wait3A_589 = tpu.memref_slice %arg4[%dma_wait3A_587, %dma_wait3A_588] : memref<100000x128xf32, #tpu.memory_space<hbm>> -> memref<100000x128xf32, #tpu.memory_space<hbm>>
    tpu.wait_indirect_dma semaphore(%arg14 : memref<!tpu.dma_semaphore, #tpu.memory_space<semaphore_mem>>) src(%dma_wait3A_589 : memref<100000x128xf32, #tpu.memory_space<hbm>>) dst(%dma_wait3A_583 : memref<128x128xf32, #tpu.memory_space<vmem>>)
    %dma_wait3A_590 = arith.constant 11 : i32
    %dma_wait3A_591 = arith.constant 2 : i32
    %dma_wait3A_592 = arith.constant 0 : i32
    %dma_wait3A_593 = arith.constant 0 : i32
    %dma_wait3A_594 = tpu.memref_slice %arg8[%dma_wait3A_591, %dma_wait3A_592, %dma_wait3A_593] : memref<3x128x128xf32, #tpu.memory_space<vmem>> -> memref<1x128x128xf32, #tpu.memory_space<vmem>>
    %dma_wait3A_595 = tpu.memref_squeeze %dma_wait3A_594 : memref<1x128x128xf32, #tpu.memory_space<vmem>> -> memref<128x128xf32, #tpu.memory_space<vmem>>
    %dma_wait3A_596 = arith.constant 0 : i32
    %dma_wait3A_597 = tpu.memref_slice %arg6[%dma_wait3A_590, %dma_wait3A_596] : memref<12x128xi32, #tpu.memory_space<vmem>> -> memref<1x128xi32, #tpu.memory_space<vmem>>
    %dma_wait3A_598 = tpu.memref_squeeze %dma_wait3A_597 : memref<1x128xi32, #tpu.memory_space<vmem>> -> memref<128xi32, #tpu.memory_space<vmem>>
    %dma_wait3A_599 = arith.constant 0 : i32
    %dma_wait3A_600 = arith.constant 0 : i32
    %dma_wait3A_601 = tpu.memref_slice %arg4[%dma_wait3A_599, %dma_wait3A_600] : memref<100000x128xf32, #tpu.memory_space<hbm>> -> memref<100000x128xf32, #tpu.memory_space<hbm>>
    tpu.wait_indirect_dma semaphore(%arg14 : memref<!tpu.dma_semaphore, #tpu.memory_space<semaphore_mem>>) src(%dma_wait3A_601 : memref<100000x128xf32, #tpu.memory_space<hbm>>) dst(%dma_wait3A_595 : memref<128x128xf32, #tpu.memory_space<vmem>>)
    %parallel_loop3A_602 = arith.constant 0 : i32
    %parallel_loop3A_603 = arith.constant 128 : i32
    %parallel_loop3A_604 = arith.constant 1 : i32
    scf.for %parallel_loop3A_610 = %parallel_loop3A_602 to %parallel_loop3A_603 step %parallel_loop3A_604  : i32 {
      %parallel_loop3A_611 = arith.constant 0.000000e+00 : f32
      %parallel_loop3A_612 = vector.broadcast %parallel_loop3A_611 : f32 to vector<16xf32>
      %parallel_loop3A_613 = arith.constant 0 : i32
      %parallel_loop3A_614 = arith.index_cast %parallel_loop3A_613 : i32 to index
      %parallel_loop3A_615 = arith.index_cast %parallel_loop3A_610 : i32 to index
      %parallel_loop3A_616 = arith.constant 0 : index
      %parallel_loop3A_617 = tpu.vector_load %arg8[%parallel_loop3A_614, %parallel_loop3A_615, %parallel_loop3A_616] {strides = array<i32>} : memref<3x128x128xf32, #tpu.memory_space<vmem>>, vector<16xf32>,
      %parallel_loop3A_618 = arith.constant 1 : i32
      %parallel_loop3A_619 = arith.index_cast %parallel_loop3A_618 : i32 to index
      %parallel_loop3A_620 = arith.index_cast %parallel_loop3A_610 : i32 to index
      %parallel_loop3A_621 = arith.constant 0 : index
      %parallel_loop3A_622 = tpu.vector_load %arg8[%parallel_loop3A_619, %parallel_loop3A_620, %parallel_loop3A_621] {strides = array<i32>} : memref<3x128x128xf32, #tpu.memory_space<vmem>>, vector<16xf32>,
      %parallel_loop3A_623 = arith.mulf %parallel_loop3A_617, %parallel_loop3A_622 : vector<16xf32>
      %parallel_loop3A_624 = arith.constant 2 : i32
      %parallel_loop3A_625 = arith.index_cast %parallel_loop3A_624 : i32 to index
      %parallel_loop3A_626 = arith.index_cast %parallel_loop3A_610 : i32 to index
      %parallel_loop3A_627 = arith.constant 0 : index
      %parallel_loop3A_628 = tpu.vector_load %arg8[%parallel_loop3A_625, %parallel_loop3A_626, %parallel_loop3A_627] {strides = array<i32>} : memref<3x128x128xf32, #tpu.memory_space<vmem>>, vector<16xf32>,
      %parallel_loop3A_629 = arith.mulf %parallel_loop3A_623, %parallel_loop3A_628 : vector<16xf32>
      %parallel_loop3A_630 = arith.addf %parallel_loop3A_612, %parallel_loop3A_629 : vector<16xf32>
      %parallel_loop3A_631 = arith.constant 0 : i32
      %parallel_loop3A_632 = arith.index_cast %parallel_loop3A_631 : i32 to index
      %parallel_loop3A_633 = arith.index_cast %parallel_loop3A_610 : i32 to index
      %parallel_loop3A_634 = arith.constant 16 : index
      %parallel_loop3A_635 = tpu.vector_load %arg8[%parallel_loop3A_632, %parallel_loop3A_633, %parallel_loop3A_634] {strides = array<i32>} : memref<3x128x128xf32, #tpu.memory_space<vmem>>, vector<16xf32>,
      %parallel_loop3A_636 = arith.constant 1 : i32
      %parallel_loop3A_637 = arith.index_cast %parallel_loop3A_636 : i32 to index
      %parallel_loop3A_638 = arith.index_cast %parallel_loop3A_610 : i32 to index
      %parallel_loop3A_639 = arith.constant 16 : index
      %parallel_loop3A_640 = tpu.vector_load %arg8[%parallel_loop3A_637, %parallel_loop3A_638, %parallel_loop3A_639] {strides = array<i32>} : memref<3x128x128xf32, #tpu.memory_space<vmem>>, vector<16xf32>,
      %parallel_loop3A_641 = arith.mulf %parallel_loop3A_635, %parallel_loop3A_640 : vector<16xf32>
      %parallel_loop3A_642 = arith.constant 2 : i32
      %parallel_loop3A_643 = arith.index_cast %parallel_loop3A_642 : i32 to index
      %parallel_loop3A_644 = arith.index_cast %parallel_loop3A_610 : i32 to index
      %parallel_loop3A_645 = arith.constant 16 : index
      %parallel_loop3A_646 = tpu.vector_load %arg8[%parallel_loop3A_643, %parallel_loop3A_644, %parallel_loop3A_645] {strides = array<i32>} : memref<3x128x128xf32, #tpu.memory_space<vmem>>, vector<16xf32>,
      %parallel_loop3A_647 = arith.mulf %parallel_loop3A_641, %parallel_loop3A_646 : vector<16xf32>
      %parallel_loop3A_648 = arith.addf %parallel_loop3A_630, %parallel_loop3A_647 : vector<16xf32>
      %parallel_loop3A_649 = arith.constant 0 : i32
      %parallel_loop3A_650 = arith.index_cast %parallel_loop3A_649 : i32 to index
      %parallel_loop3A_651 = arith.index_cast %parallel_loop3A_610 : i32 to index
      %parallel_loop3A_652 = arith.constant 32 : index
      %parallel_loop3A_653 = tpu.vector_load %arg8[%parallel_loop3A_650, %parallel_loop3A_651, %parallel_loop3A_652] {strides = array<i32>} : memref<3x128x128xf32, #tpu.memory_space<vmem>>, vector<16xf32>,
      %parallel_loop3A_654 = arith.constant 1 : i32
      %parallel_loop3A_655 = arith.index_cast %parallel_loop3A_654 : i32 to index
      %parallel_loop3A_656 = arith.index_cast %parallel_loop3A_610 : i32 to index
      %parallel_loop3A_657 = arith.constant 32 : index
      %parallel_loop3A_658 = tpu.vector_load %arg8[%parallel_loop3A_655, %parallel_loop3A_656, %parallel_loop3A_657] {strides = array<i32>} : memref<3x128x128xf32, #tpu.memory_space<vmem>>, vector<16xf32>,
      %parallel_loop3A_659 = arith.mulf %parallel_loop3A_653, %parallel_loop3A_658 : vector<16xf32>
      %parallel_loop3A_660 = arith.constant 2 : i32
      %parallel_loop3A_661 = arith.index_cast %parallel_loop3A_660 : i32 to index
      %parallel_loop3A_662 = arith.index_cast %parallel_loop3A_610 : i32 to index
      %parallel_loop3A_663 = arith.constant 32 : index
      %parallel_loop3A_664 = tpu.vector_load %arg8[%parallel_loop3A_661, %parallel_loop3A_662, %parallel_loop3A_663] {strides = array<i32>} : memref<3x128x128xf32, #tpu.memory_space<vmem>>, vector<16xf32>,
      %parallel_loop3A_665 = arith.mulf %parallel_loop3A_659, %parallel_loop3A_664 : vector<16xf32>
      %parallel_loop3A_666 = arith.addf %parallel_loop3A_648, %parallel_loop3A_665 : vector<16xf32>
      %parallel_loop3A_667 = arith.constant 0 : i32
      %parallel_loop3A_668 = arith.index_cast %parallel_loop3A_667 : i32 to index
      %parallel_loop3A_669 = arith.index_cast %parallel_loop3A_610 : i32 to index
      %parallel_loop3A_670 = arith.constant 48 : index
      %parallel_loop3A_671 = tpu.vector_load %arg8[%parallel_loop3A_668, %parallel_loop3A_669, %parallel_loop3A_670] {strides = array<i32>} : memref<3x128x128xf32, #tpu.memory_space<vmem>>, vector<16xf32>,
      %parallel_loop3A_672 = arith.constant 1 : i32
      %parallel_loop3A_673 = arith.index_cast %parallel_loop3A_672 : i32 to index
      %parallel_loop3A_674 = arith.index_cast %parallel_loop3A_610 : i32 to index
      %parallel_loop3A_675 = arith.constant 48 : index
      %parallel_loop3A_676 = tpu.vector_load %arg8[%parallel_loop3A_673, %parallel_loop3A_674, %parallel_loop3A_675] {strides = array<i32>} : memref<3x128x128xf32, #tpu.memory_space<vmem>>, vector<16xf32>,
      %parallel_loop3A_677 = arith.mulf %parallel_loop3A_671, %parallel_loop3A_676 : vector<16xf32>
      %parallel_loop3A_678 = arith.constant 2 : i32
      %parallel_loop3A_679 = arith.index_cast %parallel_loop3A_678 : i32 to index
      %parallel_loop3A_680 = arith.index_cast %parallel_loop3A_610 : i32 to index
      %parallel_loop3A_681 = arith.constant 48 : index
      %parallel_loop3A_682 = tpu.vector_load %arg8[%parallel_loop3A_679, %parallel_loop3A_680, %parallel_loop3A_681] {strides = array<i32>} : memref<3x128x128xf32, #tpu.memory_space<vmem>>, vector<16xf32>,
      %parallel_loop3A_683 = arith.mulf %parallel_loop3A_677, %parallel_loop3A_682 : vector<16xf32>
      %parallel_loop3A_684 = arith.addf %parallel_loop3A_666, %parallel_loop3A_683 : vector<16xf32>
      %parallel_loop3A_685 = arith.constant 0 : i32
      %parallel_loop3A_686 = arith.index_cast %parallel_loop3A_685 : i32 to index
      %parallel_loop3A_687 = arith.index_cast %parallel_loop3A_610 : i32 to index
      %parallel_loop3A_688 = arith.constant 64 : index
      %parallel_loop3A_689 = tpu.vector_load %arg8[%parallel_loop3A_686, %parallel_loop3A_687, %parallel_loop3A_688] {strides = array<i32>} : memref<3x128x128xf32, #tpu.memory_space<vmem>>, vector<16xf32>,
      %parallel_loop3A_690 = arith.constant 1 : i32
      %parallel_loop3A_691 = arith.index_cast %parallel_loop3A_690 : i32 to index
      %parallel_loop3A_692 = arith.index_cast %parallel_loop3A_610 : i32 to index
      %parallel_loop3A_693 = arith.constant 64 : index
      %parallel_loop3A_694 = tpu.vector_load %arg8[%parallel_loop3A_691, %parallel_loop3A_692, %parallel_loop3A_693] {strides = array<i32>} : memref<3x128x128xf32, #tpu.memory_space<vmem>>, vector<16xf32>,
      %parallel_loop3A_695 = arith.mulf %parallel_loop3A_689, %parallel_loop3A_694 : vector<16xf32>
      %parallel_loop3A_696 = arith.constant 2 : i32
      %parallel_loop3A_697 = arith.index_cast %parallel_loop3A_696 : i32 to index
      %parallel_loop3A_698 = arith.index_cast %parallel_loop3A_610 : i32 to index
      %parallel_loop3A_699 = arith.constant 64 : index
      %parallel_loop3A_700 = tpu.vector_load %arg8[%parallel_loop3A_697, %parallel_loop3A_698, %parallel_loop3A_699] {strides = array<i32>} : memref<3x128x128xf32, #tpu.memory_space<vmem>>, vector<16xf32>,
      %parallel_loop3A_701 = arith.mulf %parallel_loop3A_695, %parallel_loop3A_700 : vector<16xf32>
      %parallel_loop3A_702 = arith.addf %parallel_loop3A_684, %parallel_loop3A_701 : vector<16xf32>
      %parallel_loop3A_703 = arith.constant 0 : i32
      %parallel_loop3A_704 = arith.index_cast %parallel_loop3A_703 : i32 to index
      %parallel_loop3A_705 = arith.index_cast %parallel_loop3A_610 : i32 to index
      %parallel_loop3A_706 = arith.constant 80 : index
      %parallel_loop3A_707 = tpu.vector_load %arg8[%parallel_loop3A_704, %parallel_loop3A_705, %parallel_loop3A_706] {strides = array<i32>} : memref<3x128x128xf32, #tpu.memory_space<vmem>>, vector<16xf32>,
      %parallel_loop3A_708 = arith.constant 1 : i32
      %parallel_loop3A_709 = arith.index_cast %parallel_loop3A_708 : i32 to index
      %parallel_loop3A_710 = arith.index_cast %parallel_loop3A_610 : i32 to index
      %parallel_loop3A_711 = arith.constant 80 : index
      %parallel_loop3A_712 = tpu.vector_load %arg8[%parallel_loop3A_709, %parallel_loop3A_710, %parallel_loop3A_711] {strides = array<i32>} : memref<3x128x128xf32, #tpu.memory_space<vmem>>, vector<16xf32>,
      %parallel_loop3A_713 = arith.mulf %parallel_loop3A_707, %parallel_loop3A_712 : vector<16xf32>
      %parallel_loop3A_714 = arith.constant 2 : i32
      %parallel_loop3A_715 = arith.index_cast %parallel_loop3A_714 : i32 to index
      %parallel_loop3A_716 = arith.index_cast %parallel_loop3A_610 : i32 to index
      %parallel_loop3A_717 = arith.constant 80 : index
      %parallel_loop3A_718 = tpu.vector_load %arg8[%parallel_loop3A_715, %parallel_loop3A_716, %parallel_loop3A_717] {strides = array<i32>} : memref<3x128x128xf32, #tpu.memory_space<vmem>>, vector<16xf32>,
      %parallel_loop3A_719 = arith.mulf %parallel_loop3A_713, %parallel_loop3A_718 : vector<16xf32>
      %parallel_loop3A_720 = arith.addf %parallel_loop3A_702, %parallel_loop3A_719 : vector<16xf32>
      %parallel_loop3A_721 = arith.constant 0 : i32
      %parallel_loop3A_722 = arith.index_cast %parallel_loop3A_721 : i32 to index
      %parallel_loop3A_723 = arith.index_cast %parallel_loop3A_610 : i32 to index
      %parallel_loop3A_724 = arith.constant 96 : index
      %parallel_loop3A_725 = tpu.vector_load %arg8[%parallel_loop3A_722, %parallel_loop3A_723, %parallel_loop3A_724] {strides = array<i32>} : memref<3x128x128xf32, #tpu.memory_space<vmem>>, vector<16xf32>,
      %parallel_loop3A_726 = arith.constant 1 : i32
      %parallel_loop3A_727 = arith.index_cast %parallel_loop3A_726 : i32 to index
      %parallel_loop3A_728 = arith.index_cast %parallel_loop3A_610 : i32 to index
      %parallel_loop3A_729 = arith.constant 96 : index
      %parallel_loop3A_730 = tpu.vector_load %arg8[%parallel_loop3A_727, %parallel_loop3A_728, %parallel_loop3A_729] {strides = array<i32>} : memref<3x128x128xf32, #tpu.memory_space<vmem>>, vector<16xf32>,
      %parallel_loop3A_731 = arith.mulf %parallel_loop3A_725, %parallel_loop3A_730 : vector<16xf32>
      %parallel_loop3A_732 = arith.constant 2 : i32
      %parallel_loop3A_733 = arith.index_cast %parallel_loop3A_732 : i32 to index
      %parallel_loop3A_734 = arith.index_cast %parallel_loop3A_610 : i32 to index
      %parallel_loop3A_735 = arith.constant 96 : index
      %parallel_loop3A_736 = tpu.vector_load %arg8[%parallel_loop3A_733, %parallel_loop3A_734, %parallel_loop3A_735] {strides = array<i32>} : memref<3x128x128xf32, #tpu.memory_space<vmem>>, vector<16xf32>,
      %parallel_loop3A_737 = arith.mulf %parallel_loop3A_731, %parallel_loop3A_736 : vector<16xf32>
      %parallel_loop3A_738 = arith.addf %parallel_loop3A_720, %parallel_loop3A_737 : vector<16xf32>
      %parallel_loop3A_739 = arith.constant 0 : i32
      %parallel_loop3A_740 = arith.index_cast %parallel_loop3A_739 : i32 to index
      %parallel_loop3A_741 = arith.index_cast %parallel_loop3A_610 : i32 to index
      %parallel_loop3A_742 = arith.constant 112 : index
      %parallel_loop3A_743 = tpu.vector_load %arg8[%parallel_loop3A_740, %parallel_loop3A_741, %parallel_loop3A_742] {strides = array<i32>} : memref<3x128x128xf32, #tpu.memory_space<vmem>>, vector<16xf32>,
      %parallel_loop3A_744 = arith.constant 1 : i32
      %parallel_loop3A_745 = arith.index_cast %parallel_loop3A_744 : i32 to index
      %parallel_loop3A_746 = arith.index_cast %parallel_loop3A_610 : i32 to index
      %parallel_loop3A_747 = arith.constant 112 : index
      %parallel_loop3A_748 = tpu.vector_load %arg8[%parallel_loop3A_745, %parallel_loop3A_746, %parallel_loop3A_747] {strides = array<i32>} : memref<3x128x128xf32, #tpu.memory_space<vmem>>, vector<16xf32>,
      %parallel_loop3A_749 = arith.mulf %parallel_loop3A_743, %parallel_loop3A_748 : vector<16xf32>
      %parallel_loop3A_750 = arith.constant 2 : i32
      %parallel_loop3A_751 = arith.index_cast %parallel_loop3A_750 : i32 to index
      %parallel_loop3A_752 = arith.index_cast %parallel_loop3A_610 : i32 to index
      %parallel_loop3A_753 = arith.constant 112 : index
      %parallel_loop3A_754 = tpu.vector_load %arg8[%parallel_loop3A_751, %parallel_loop3A_752, %parallel_loop3A_753] {strides = array<i32>} : memref<3x128x128xf32, #tpu.memory_space<vmem>>, vector<16xf32>,
      %parallel_loop3A_755 = arith.mulf %parallel_loop3A_749, %parallel_loop3A_754 : vector<16xf32>
      %parallel_loop3A_756 = arith.addf %parallel_loop3A_738, %parallel_loop3A_755 : vector<16xf32>
      %parallel_loop3A_757 = arith.constant 16 : i32
      %parallel_loop3A_758 = arith.muli %parallel_loop3A_610, %parallel_loop3A_757 : i32
      %parallel_loop3A_759 = arith.index_cast %parallel_loop3A_758 : i32 to index
      %parallel_loop3A_760 = tpu.vector_load %arg10[%parallel_loop3A_759] {strides = array<i32>} : memref<2048xf32, #tpu.memory_space<vmem>>, vector<16xf32>,
      tpu.vector_store %arg10[%parallel_loop3A_759], %parallel_loop3A_756 {strides = array<i32>} : memref<2048xf32, #tpu.memory_space<vmem>>, vector<16xf32>,
    } {sc.loop_unroll_factor = 2 : i64, sc.parallel_access}
    %parallel_loop3A_605 = arith.constant 0 : i32
    %parallel_loop3A_606 = arith.constant 8 : i32
    %parallel_loop3A_607 = arith.constant 1 : i32
    %parallel_loop3A_608 = scf.for %parallel_loop3A_610 = %parallel_loop3A_605 to %parallel_loop3A_606 step %parallel_loop3A_607 iter_args(%parallel_loop3A_611 = %parallel_loop3A_565) -> (vector<16xf32>)  : i32 {
      %parallel_loop3A_612 = arith.constant 16 : i32
      %parallel_loop3A_613 = arith.muli %parallel_loop3A_610, %parallel_loop3A_612 : i32
      %parallel_loop3A_614 = vector.broadcast %parallel_loop3A_613 : i32 to vector<16xi32>
      %parallel_loop3A_615 = arith.addi %parallel_loop3A_614, %iota3A : vector<16xi32>
      %parallel_loop3A_616 = arith.constant 16 : i32
      %parallel_loop3A_617 = vector.broadcast %parallel_loop3A_616 : i32 to vector<16xi32>
      %parallel_loop3A_618 = arith.muli %parallel_loop3A_615, %parallel_loop3A_617 : vector<16xi32>
      %parallel_loop3A_619 = arith.constant 0.000000e+00 : f32
      %parallel_loop3A_620 = vector.broadcast %parallel_loop3A_619 : f32 to vector<16xf32>
      %parallel_loop3A_621 = arith.constant 0 : i32
      %parallel_loop3A_622 = vector.broadcast %parallel_loop3A_621 : i32 to vector<16xi32>
      %parallel_loop3A_623 = arith.addi %parallel_loop3A_618, %parallel_loop3A_622 : vector<16xi32>
      %parallel_loop3A_624 = tpu.vector_load_idx %arg10[%parallel_loop3A_623] : memref<2048xf32, #tpu.memory_space<vmem>>[vector<16xi32>], vector<16xf32>,
      %parallel_loop3A_625 = arith.addf %parallel_loop3A_620, %parallel_loop3A_624 : vector<16xf32>
      %parallel_loop3A_626 = arith.constant 1 : i32
      %parallel_loop3A_627 = vector.broadcast %parallel_loop3A_626 : i32 to vector<16xi32>
      %parallel_loop3A_628 = arith.addi %parallel_loop3A_618, %parallel_loop3A_627 : vector<16xi32>
      %parallel_loop3A_629 = tpu.vector_load_idx %arg10[%parallel_loop3A_628] : memref<2048xf32, #tpu.memory_space<vmem>>[vector<16xi32>], vector<16xf32>,
      %parallel_loop3A_630 = arith.addf %parallel_loop3A_625, %parallel_loop3A_629 : vector<16xf32>
      %parallel_loop3A_631 = arith.constant 2 : i32
      %parallel_loop3A_632 = vector.broadcast %parallel_loop3A_631 : i32 to vector<16xi32>
      %parallel_loop3A_633 = arith.addi %parallel_loop3A_618, %parallel_loop3A_632 : vector<16xi32>
      %parallel_loop3A_634 = tpu.vector_load_idx %arg10[%parallel_loop3A_633] : memref<2048xf32, #tpu.memory_space<vmem>>[vector<16xi32>], vector<16xf32>,
      %parallel_loop3A_635 = arith.addf %parallel_loop3A_630, %parallel_loop3A_634 : vector<16xf32>
      %parallel_loop3A_636 = arith.constant 3 : i32
      %parallel_loop3A_637 = vector.broadcast %parallel_loop3A_636 : i32 to vector<16xi32>
      %parallel_loop3A_638 = arith.addi %parallel_loop3A_618, %parallel_loop3A_637 : vector<16xi32>
      %parallel_loop3A_639 = tpu.vector_load_idx %arg10[%parallel_loop3A_638] : memref<2048xf32, #tpu.memory_space<vmem>>[vector<16xi32>], vector<16xf32>,
      %parallel_loop3A_640 = arith.addf %parallel_loop3A_635, %parallel_loop3A_639 : vector<16xf32>
      %parallel_loop3A_641 = arith.constant 4 : i32
      %parallel_loop3A_642 = vector.broadcast %parallel_loop3A_641 : i32 to vector<16xi32>
      %parallel_loop3A_643 = arith.addi %parallel_loop3A_618, %parallel_loop3A_642 : vector<16xi32>
      %parallel_loop3A_644 = tpu.vector_load_idx %arg10[%parallel_loop3A_643] : memref<2048xf32, #tpu.memory_space<vmem>>[vector<16xi32>], vector<16xf32>,
      %parallel_loop3A_645 = arith.addf %parallel_loop3A_640, %parallel_loop3A_644 : vector<16xf32>
      %parallel_loop3A_646 = arith.constant 5 : i32
      %parallel_loop3A_647 = vector.broadcast %parallel_loop3A_646 : i32 to vector<16xi32>
      %parallel_loop3A_648 = arith.addi %parallel_loop3A_618, %parallel_loop3A_647 : vector<16xi32>
      %parallel_loop3A_649 = tpu.vector_load_idx %arg10[%parallel_loop3A_648] : memref<2048xf32, #tpu.memory_space<vmem>>[vector<16xi32>], vector<16xf32>,
      %parallel_loop3A_650 = arith.addf %parallel_loop3A_645, %parallel_loop3A_649 : vector<16xf32>
      %parallel_loop3A_651 = arith.constant 6 : i32
      %parallel_loop3A_652 = vector.broadcast %parallel_loop3A_651 : i32 to vector<16xi32>
      %parallel_loop3A_653 = arith.addi %parallel_loop3A_618, %parallel_loop3A_652 : vector<16xi32>
      %parallel_loop3A_654 = tpu.vector_load_idx %arg10[%parallel_loop3A_653] : memref<2048xf32, #tpu.memory_space<vmem>>[vector<16xi32>], vector<16xf32>,
      %parallel_loop3A_655 = arith.addf %parallel_loop3A_650, %parallel_loop3A_654 : vector<16xf32>
      %parallel_loop3A_656 = arith.constant 7 : i32
      %parallel_loop3A_657 = vector.broadcast %parallel_loop3A_656 : i32 to vector<16xi32>
      %parallel_loop3A_658 = arith.addi %parallel_loop3A_618, %parallel_loop3A_657 : vector<16xi32>
      %parallel_loop3A_659 = tpu.vector_load_idx %arg10[%parallel_loop3A_658] : memref<2048xf32, #tpu.memory_space<vmem>>[vector<16xi32>], vector<16xf32>,
      %parallel_loop3A_660 = arith.addf %parallel_loop3A_655, %parallel_loop3A_659 : vector<16xf32>
      %parallel_loop3A_661 = arith.constant 8 : i32
      %parallel_loop3A_662 = vector.broadcast %parallel_loop3A_661 : i32 to vector<16xi32>
      %parallel_loop3A_663 = arith.addi %parallel_loop3A_618, %parallel_loop3A_662 : vector<16xi32>
      %parallel_loop3A_664 = tpu.vector_load_idx %arg10[%parallel_loop3A_663] : memref<2048xf32, #tpu.memory_space<vmem>>[vector<16xi32>], vector<16xf32>,
      %parallel_loop3A_665 = arith.addf %parallel_loop3A_660, %parallel_loop3A_664 : vector<16xf32>
      %parallel_loop3A_666 = arith.constant 9 : i32
      %parallel_loop3A_667 = vector.broadcast %parallel_loop3A_666 : i32 to vector<16xi32>
      %parallel_loop3A_668 = arith.addi %parallel_loop3A_618, %parallel_loop3A_667 : vector<16xi32>
      %parallel_loop3A_669 = tpu.vector_load_idx %arg10[%parallel_loop3A_668] : memref<2048xf32, #tpu.memory_space<vmem>>[vector<16xi32>], vector<16xf32>,
      %parallel_loop3A_670 = arith.addf %parallel_loop3A_665, %parallel_loop3A_669 : vector<16xf32>
      %parallel_loop3A_671 = arith.constant 10 : i32
      %parallel_loop3A_672 = vector.broadcast %parallel_loop3A_671 : i32 to vector<16xi32>
      %parallel_loop3A_673 = arith.addi %parallel_loop3A_618, %parallel_loop3A_672 : vector<16xi32>
      %parallel_loop3A_674 = tpu.vector_load_idx %arg10[%parallel_loop3A_673] : memref<2048xf32, #tpu.memory_space<vmem>>[vector<16xi32>], vector<16xf32>,
      %parallel_loop3A_675 = arith.addf %parallel_loop3A_670, %parallel_loop3A_674 : vector<16xf32>
      %parallel_loop3A_676 = arith.constant 11 : i32
      %parallel_loop3A_677 = vector.broadcast %parallel_loop3A_676 : i32 to vector<16xi32>
      %parallel_loop3A_678 = arith.addi %parallel_loop3A_618, %parallel_loop3A_677 : vector<16xi32>
      %parallel_loop3A_679 = tpu.vector_load_idx %arg10[%parallel_loop3A_678] : memref<2048xf32, #tpu.memory_space<vmem>>[vector<16xi32>], vector<16xf32>,
      %parallel_loop3A_680 = arith.addf %parallel_loop3A_675, %parallel_loop3A_679 : vector<16xf32>
      %parallel_loop3A_681 = arith.constant 12 : i32
      %parallel_loop3A_682 = vector.broadcast %parallel_loop3A_681 : i32 to vector<16xi32>
      %parallel_loop3A_683 = arith.addi %parallel_loop3A_618, %parallel_loop3A_682 : vector<16xi32>
      %parallel_loop3A_684 = tpu.vector_load_idx %arg10[%parallel_loop3A_683] : memref<2048xf32, #tpu.memory_space<vmem>>[vector<16xi32>], vector<16xf32>,
      %parallel_loop3A_685 = arith.addf %parallel_loop3A_680, %parallel_loop3A_684 : vector<16xf32>
      %parallel_loop3A_686 = arith.constant 13 : i32
      %parallel_loop3A_687 = vector.broadcast %parallel_loop3A_686 : i32 to vector<16xi32>
      %parallel_loop3A_688 = arith.addi %parallel_loop3A_618, %parallel_loop3A_687 : vector<16xi32>
      %parallel_loop3A_689 = tpu.vector_load_idx %arg10[%parallel_loop3A_688] : memref<2048xf32, #tpu.memory_space<vmem>>[vector<16xi32>], vector<16xf32>,
      %parallel_loop3A_690 = arith.addf %parallel_loop3A_685, %parallel_loop3A_689 : vector<16xf32>
      %parallel_loop3A_691 = arith.constant 14 : i32
      %parallel_loop3A_692 = vector.broadcast %parallel_loop3A_691 : i32 to vector<16xi32>
      %parallel_loop3A_693 = arith.addi %parallel_loop3A_618, %parallel_loop3A_692 : vector<16xi32>
      %parallel_loop3A_694 = tpu.vector_load_idx %arg10[%parallel_loop3A_693] : memref<2048xf32, #tpu.memory_space<vmem>>[vector<16xi32>], vector<16xf32>,
      %parallel_loop3A_695 = arith.addf %parallel_loop3A_690, %parallel_loop3A_694 : vector<16xf32>
      %parallel_loop3A_696 = arith.constant 15 : i32
      %parallel_loop3A_697 = vector.broadcast %parallel_loop3A_696 : i32 to vector<16xi32>
      %parallel_loop3A_698 = arith.addi %parallel_loop3A_618, %parallel_loop3A_697 : vector<16xi32>
      %parallel_loop3A_699 = tpu.vector_load_idx %arg10[%parallel_loop3A_698] : memref<2048xf32, #tpu.memory_space<vmem>>[vector<16xi32>], vector<16xf32>,
      %parallel_loop3A_700 = arith.addf %parallel_loop3A_695, %parallel_loop3A_699 : vector<16xf32>
      %parallel_loop3A_701 = arith.constant 0.000000e+00 : f32
      %parallel_loop3A_702 = vector.broadcast %parallel_loop3A_701 : f32 to vector<16xf32>
      %parallel_loop3A_703 = arith.subf %parallel_loop3A_702, %parallel_loop3A_700 : vector<16xf32>
      %parallel_loop3A_704 = math.exp %parallel_loop3A_703 : vector<16xf32>
      %parallel_loop3A_705 = arith.constant 1.000000e+00 : f32
      %parallel_loop3A_706 = vector.broadcast %parallel_loop3A_705 : f32 to vector<16xf32>
      %parallel_loop3A_707 = arith.subf %parallel_loop3A_706, %parallel_loop3A_704 : vector<16xf32>
      %parallel_loop3A_708 = arith.constant 9.99999974E-6 : f32
      %parallel_loop3A_709 = arith.constant 1.000000e+00 : f32
      %parallel_loop3A_710 = vector.broadcast %parallel_loop3A_708 : f32 to vector<16xf32>
      %parallel_loop3A_711 = arith.maximumf %parallel_loop3A_710, %parallel_loop3A_707 : vector<16xf32>
      %parallel_loop3A_712 = vector.broadcast %parallel_loop3A_709 : f32 to vector<16xf32>
      %parallel_loop3A_713 = arith.minimumf %parallel_loop3A_712, %parallel_loop3A_711 : vector<16xf32>
      %parallel_loop3A_714 = arith.constant 16 : i32
      %parallel_loop3A_715 = arith.muli %parallel_loop3A_610, %parallel_loop3A_714 : i32
      %parallel_loop3A_716 = arith.constant 384 : i32
      %parallel_loop3A_717 = arith.addi %parallel_loop3A_716, %parallel_loop3A_715 : i32
      %parallel_loop3A_718 = arith.index_cast %parallel_loop3A_717 : i32 to index
      %parallel_loop3A_719 = tpu.vector_load %arg9[%parallel_loop3A_718] {strides = array<i32>} : memref<512xf32, #tpu.memory_space<vmem>>, vector<16xf32>,
      %parallel_loop3A_720 = arith.mulf %parallel_loop3A_713, %parallel_loop3A_719 : vector<16xf32>
      %parallel_loop3A_721 = arith.addf %parallel_loop3A_611, %parallel_loop3A_720 : vector<16xf32>
      scf.yield %parallel_loop3A_721 : vector<16xf32>
    } {sc.loop_unroll_factor = 1 : i64, sc.parallel_access}
    %swap3A = arith.constant 0 : index
    %swap3A_609 = tpu.vector_load %arg11[%swap3A] {strides = array<i32>} : memref<16xf32, #tpu.memory_space<vmem>>, vector<16xf32>,
    tpu.vector_store %arg11[%swap3A], %parallel_loop3A_608 {strides = array<i32>} : memref<16xf32, #tpu.memory_space<vmem>>, vector<16xf32>,
    "tpu.region"() ({
      %run_scoped3A = tpu.sem_alloc : memref<!tpu.dma_semaphore, #tpu.memory_space<semaphore_mem>>
      %dma_start3A_610 = arith.constant 0 : i32
      %dma_start3A_611 = tpu.memref_slice %arg5[%add3A, %dma_start3A_610] : memref<32x16xf32, #tpu.memory_space<hbm>> -> memref<1x16xf32, #tpu.memory_space<hbm>>
      %dma_start3A_612 = tpu.memref_squeeze %dma_start3A_611 : memref<1x16xf32, #tpu.memory_space<hbm>> -> memref<16xf32, #tpu.memory_space<hbm>>
      %dma_start3A_613 = arith.constant 0 : i32
      %dma_start3A_614 = tpu.memref_slice %arg5[%add3A, %dma_start3A_613] : memref<32x16xf32, #tpu.memory_space<hbm>> -> memref<1x16xf32, #tpu.memory_space<hbm>>
      %dma_start3A_615 = tpu.memref_squeeze %dma_start3A_614 : memref<1x16xf32, #tpu.memory_space<hbm>> -> memref<16xf32, #tpu.memory_space<hbm>>
      tpu.enqueue_dma source(%arg11 : memref<16xf32, #tpu.memory_space<vmem>>) target(%dma_start3A_615 : memref<16xf32, #tpu.memory_space<hbm>>) target_semaphore(%run_scoped3A : memref<!tpu.dma_semaphore, #tpu.memory_space<semaphore_mem>>)
      %dma_wait3A_616 = arith.constant 0 : i32
      %dma_wait3A_617 = tpu.memref_slice %arg5[%add3A, %dma_wait3A_616] : memref<32x16xf32, #tpu.memory_space<hbm>> -> memref<1x16xf32, #tpu.memory_space<hbm>>
      %dma_wait3A_618 = tpu.memref_squeeze %dma_wait3A_617 : memref<1x16xf32, #tpu.memory_space<hbm>> -> memref<16xf32, #tpu.memory_space<hbm>>
      %dma_wait3A_619 = arith.constant 0 : i32
      %dma_wait3A_620 = tpu.memref_slice %arg5[%add3A, %dma_wait3A_619] : memref<32x16xf32, #tpu.memory_space<hbm>> -> memref<1x16xf32, #tpu.memory_space<hbm>>
      %dma_wait3A_621 = tpu.memref_squeeze %dma_wait3A_620 : memref<1x16xf32, #tpu.memory_space<hbm>> -> memref<16xf32, #tpu.memory_space<hbm>>
      tpu.wait_dma2 semaphore(%run_scoped3A : memref<!tpu.dma_semaphore, #tpu.memory_space<semaphore_mem>>) src(%arg11 : memref<16xf32, #tpu.memory_space<vmem>>) dst(%dma_wait3A_621 : memref<16xf32, #tpu.memory_space<hbm>>)
      tpu.yield
    }) : () -> ()
    return
  }
}

</mosaic_0001>

<sc_bundles>
// kernel: _run_sc.3.cloned.1.call-start
scs
__scs_entry_jumppad:
0x0: {  	(pc) =	sbr.rel $0x88, $3  }
0x1: {  	(tag) =	ssettag $0x0;
	lr =	simm.s32 $0x1  }
0x2: {  	[smem:$0x3F9E] =	sst lr;
	_ =	strace $0xD0000000  }
0x3: {  	_ = 	snop  }
0x4: {  	_ = 	snop  }
0x5: {  	_ = 	snop  }
0x6: {  	_ = 	snop  }
0x7: {  	_ = 	snop  }
__scs_overlays_trampoline_lowered:
0x8: {  	[smem:$0x3FAD] =	sst s0  }
0x9: {  	[smem:$0x3FAE] =	sst s1  }
0xa: {  	[smem:$0x3FAF] =	sst s2  }
0xb: {  	[smem:$0x3FB0] =	sst s3  }
0xc: {  	[smem:$0x3FB1] =	sst s4  }
0xd: {  	[smem:$0x3FB2] =	sst s5  }
0xe: {  	[smem:$0x3FB3] =	sst s6  }
0xf: {  	[smem:$0x3FB4] =	sst s7  }
0x10: {  	[smem:$0x3FB5] =	sst s8  }
0x11: {  	[smem:$0x3FB6] =	sst s9;
	s0 =	simm.s32 @!p0 $0x0  }
0x12: {  	s1 =	sld [smem:$0x3F9C];
	s0 =	simm.s32 @p0 $0x1  }
0x13: {  	[smem:$0x3FB7] =	sst s0;
	s0 =	simm.s32 @!p1 $0x0  }
0x14: {  	s2 =	sld [smem:$0x3F9B];
	s0 =	simm.s32 @p1 $0x1  }
0x15: {  	[smem:$0x3FB8] =	sst s0;
	s0 =	simm.s32 @!p2 $0x0  }
0x16: {  	s3 =	sld [smem:$0x3FDB];
	s0 =	simm.s32 @p2 $0x1  }
0x17: {  	s4 =	simm.s32 $0x1BF5;
	[smem:$0x3FBA] =	sst s0  }
0x18: {  	s0 =	sld [smem:$0x3F9D];
	_ =	swait.ge [sflag:s4], $0x0  }
0x19: {  	s7 =	sld [smem:$0x3F9E]  }
0x1a: {  	s8 =	sadd.s32 $0xFFFFE003, lr  }
0x1b: {  	s9 =	sadd.s32 $0xFFFFFEF7, lr;
	s5 =	simm.s32 $0xFFFFFFFF;
	p2 =	slt.u32 s8, $0xFFFFF086  }
0x1c: {  	p1 =	slt.u32 s9, $0xF7A;
	s5 =	simm.s32 @!p2 $0x0  }
0x1d: {  	s5 =	simm.s32 @p1 $0x1;
	p0 =	seq.s32 s7, s2  }
0x1e: {  	s7 =	smul.u32 @!p0 $0xF7A, s2;
	p2 =	seq.s32 @!p0 s5, $0x0  }
0x1f: {  	s9 =	smul.u32 $0xF7A, s1;
	s8 =	simm.s32 @!p0 $0x1BF5;
	p2 =	por !p2, p0  }
0x20: {  	[sflag:s8] =	ssyncset.s32 @!p0 $0xFFFFF086;
	s6 =	sadd.s32 @!p0 s3, s7;
	s7 =	simm.s32 @!p0 $0x108  }
0x21: {  	s3 =	sadd.s32 s3, s9;
	s6 =	sadd.s32 @!p0 $0x88, s6;
	s7 =	simm.s32 @p2 $0x1082  }
0x22: {  	[simem:s7], [sflag:s8] =	dma.local @!p0 [hbm:s6], $0xF7A  }
0x23: {  	s9 =	sor.u32 $0xD0000000, s2;
	s6 =	simm.s32 $0x108;
	_ =	swait.ge @!p0 [sflag:s8], $0x0  }
0x24: {  	s3 =	sadd.s32 $0x88, s3;
	s6 =	simm.s32 @!p1 $0x1082;
	[sflag:s4] =	ssyncset.s32 $0xFFFFF086  }
0x25: {  	[simem:s6], [sflag:s4] =	dma.local [hbm:s3], $0xF7A  }
0x26: {  	[smem:$0x3F9E] =	sst s1;
	(tag) =	ssettag s2;
	_ =	strace s9  }
0x27: {  	s1 =	sld [smem:$0x3FAE]  }
0x28: {  	s2 =	sld [smem:$0x3FAF]  }
0x29: {  	s4 =	sld [smem:$0x3FB1]  }
0x2a: {  	p0 =	seq.s32 s5, $0x0;
	s5 =	sld [smem:$0x3FB2]  }
0x2b: {  	s6 =	sld [smem:$0x3FB3]  }
0x2c: {  	s7 =	sld [smem:$0x3FB4]  }
0x2d: {  	s3 =	simm.s32 $0x108;
	s8 =	sld [smem:$0x3FB5]  }
0x2e: {  	s3 =	simm.s32 @!p0 $0x1082;
	s9 =	sld [smem:$0x3FB6]  }
0x2f: {  	lr =	sadd.s32 s0, s3;
	s0 =	sld [smem:$0x3FAD]  }
0x30: {  	s3 =	sld [smem:$0x3FB0]  }
0x31: {  	[smem:$0x3FB9] =	sst s10  }
0x32: {  	s10 =	sld [smem:$0x3FB7];
	_ =	sdelay $0x3  }
0x33: {  	p0 =	seq.s32 s10, $0x1;
	s10 =	sld [smem:$0x3FB9];
	_ =	sdelay $0x3  }
0x34: {  	[smem:$0x3FB9] =	sst s10  }
0x35: {  	s10 =	sld [smem:$0x3FB8];
	_ =	sdelay $0x3  }
0x36: {  	p1 =	seq.s32 s10, $0x1;
	s10 =	sld [smem:$0x3FB9];
	_ =	sdelay $0x3  }
0x37: {  	[smem:$0x3FB9] =	sst s10  }
0x38: {  	s10 =	sld [smem:$0x3FBA]  }
0x39: {  	_ = 	snop;
	(pc) =	sbr.ind lr, $3  }
0x3a: {  	_ = 	snop  }
0x3b: {  	_ = 	snop  }
0x3c: {  	p2 =	seq.s32 s10, $0x1;
	s10 =	sld [smem:$0x3FB9]  }
0x3d: {  	_ =	shalt  }
0x3e: {  	_ =	shalt  }
0x3f: {  	_ =	shalt  }
0x40: {  	_ =	shalt  }
0x41: {  	_ =	shalt  }
0x42: {  	_ =	shalt  }
0x43: {  	_ =	shalt  }
0x44: {  	_ =	shalt  }
0x45: {  	_ =	shalt  }
0x46: {  	_ =	shalt  }
0x47: {  	_ =	shalt  }
0x48: {  	_ =	shalt  }
0x49: {  	_ =	shalt  }
0x4a: {  	_ =	shalt  }
0x4b: {  	_ =	shalt  }
0x4c: {  	_ =	shalt  }
0x4d: {  	_ =	shalt  }
0x4e: {  	_ =	shalt  }
0x4f: {  	_ =	shalt  }
0x50: {  	_ =	shalt  }
0x51: {  	_ =	shalt  }
0x52: {  	_ =	shalt  }
0x53: {  	_ =	shalt  }
0x54: {  	_ =	shalt  }
0x55: {  	_ =	shalt  }
0x56: {  	_ =	shalt  }
0x57: {  	_ =	shalt  }
0x58: {  	_ =	shalt  }
0x59: {  	_ =	shalt  }
0x5a: {  	_ =	shalt  }
0x5b: {  	_ =	shalt  }
0x5c: {  	_ =	shalt  }
0x5d: {  	_ =	shalt  }
0x5e: {  	_ =	shalt  }
0x5f: {  	_ =	shalt  }
0x60: {  	_ =	shalt  }
0x61: {  	_ =	shalt  }
0x62: {  	_ =	shalt  }
0x63: {  	_ =	shalt  }
0x64: {  	_ =	shalt  }
0x65: {  	_ =	shalt  }
0x66: {  	_ =	shalt  }
0x67: {  	_ =	shalt  }
0x68: {  	_ =	shalt  }
0x69: {  	_ =	shalt  }
0x6a: {  	_ =	shalt  }
0x6b: {  	_ =	shalt  }
0x6c: {  	_ =	shalt  }
0x6d: {  	_ =	shalt  }
0x6e: {  	_ =	shalt  }
0x6f: {  	_ =	shalt  }
0x70: {  	_ =	shalt  }
0x71: {  	_ =	shalt  }
0x72: {  	_ =	shalt  }
0x73: {  	_ =	shalt  }
0x74: {  	_ =	shalt  }
0x75: {  	_ =	shalt  }
0x76: {  	_ =	shalt  }
0x77: {  	_ =	shalt  }
0x78: {  	_ =	shalt  }
0x79: {  	_ =	shalt  }
0x7a: {  	_ =	shalt  }
0x7b: {  	_ =	shalt  }
0x7c: {  	_ =	shalt  }
0x7d: {  	_ =	shalt  }
0x7e: {  	_ =	shalt  }
0x7f: {  	_ =	shalt  }
0x80: {  	_ =	shalt  }
0x81: {  	_ =	shalt  }
0x82: {  	_ =	shalt  }
0x83: {  	_ =	shalt  }
0x84: {  	_ =	shalt  }
0x85: {  	_ =	shalt  }
0x86: {  	_ =	shalt  }
0x87: {  	_ =	shalt  }
.Lfunc_end0:
.L_simem_size_0:
called_computation_lowered:
.L_overlay_start_0:
0x88: {  	s2 =	sld [smem:$0x3FD9]  }
0x89: {  	s3 =	sld [smem:$0x3FFE];
	_ =	sdelay $0x1  }
0x8a: {  	s1 =	srdreg.scid  }
0x8b: {  	s0 =	sand.u32 $0x1, s1  }
0x8c: {  	s17 =	sshll.u32 s0, $0xA;
	s2 =	sadd.s32 s3, s2  }
0x8d: {  	s2 =	sadd.s32 s2, s17  }
0x8e: {  	[smem:$0x3FC5] =	sst s2  }
0x8f: {  	_ = 	snop  }
0x90: {  	s2 =	sld [smem:$0x3FC9]  }
0x91: {  	s18 =	sld [smem:$0x3FC8]  }
0x92: {  	s4 =	sld [smem:$0x3FC7];
	(tm) =	ssettm $0x1  }
0x93: {  	s5 =	sld [smem:$0x3FFB];
	_ =	sdelay $0x3  }
0x94: {  	_ =	strace s5  }
0x95: {  	s5 =	sld [smem:$0x3FFC];
	_ =	sdelay $0x3  }
0x96: {  	_ =	strace s5  }
0x97: {  	s5 =	sld [smem:$0x3FFD];
	_ =	sdelay $0x3  }
0x98: {  	_ =	strace s5  }
0x99: {  	_ =	strace $0x8FFFFFFF  }
0x9a: {  	s19 =	sld [smem:$0x3FDB];
	_ =	sdelay $0x1  }
0x9b: {  	s6 =	simm.s32 $_scs_section_size  }
0x9c: {  	s7 =	simm.s32 $_size__tile_overlayer_lowered;
	s8 =	simm.s32 $_tile_overlayer_lowered  }
0x9d: {  	s22 =	simm.s32 $0x1BFF;
	s21 =	sshll.u32 s8, $0x1;
	s5 =	sadd.s32 s6, s19  }
0x9e: {  	s9 =	simm.s32 $0x0;
	s20 =	sshll.u32 s7, $0x1;
	s7 =	sadd.s32 s21, s5  }
0x9f: {  	[timem:s9], [sflag:s22] =	dma.local [hbm:s7], s20  }
0xa0: {  	_ =	swait.ge [sflag:s22], s20  }
0xa1: {  	s6 =	ssub.s32 $0x0, s20;
	[sflag:s22] =	ssyncset.done $0x0  }
0xa2: {  	[sflag:s22] =	ssyncadd.s32 s6;
	_ =	sdelay $0x1  }
0xa3: {  	s23 =	simm.s32 $0x1B8B  }
0xa4: {  	_ =	swait.ge [sflag:s23], $0x1  }
0xa5: {  	[sflag:s23] =	ssyncset.done $0x0  }
0xa6: {  	s25 =	simm.s32 $0x1B8E;
	s24 =	sld [smem:$0x3FFE];
	[sflag:s23] =	ssyncadd.s32 $0xFFFFFFFF  }
0xa7: {  	s26 =	simm.s32 $execute0_lowered;
	[smem:$0x3FD2] =	sst s25  }
0xa8: {  	s7 =	sshll.u32 s26, $0x1;
	_ =	strace $0x80000046;
	[dreg:$0x1] =	wrdreg $0xFFFFFFFF  }
0xa9: {  	s28 =	simm.s32 $_size_execute0_lowered;
	s5 =	sadd.s32 s5, s7;
	[dreg:$0x0] =	wrdreg $0x0  }
0xaa: {  	s7 =	sshll.u32 s28, $0x1;
	[dreg:$0x2] =	wrdreg s5  }
0xab: {  	[dreg:$0x3] =	wrdreg s7  }
0xac: {  	[dreg:$0x4] =	wrdreg $0xC0  }
0xad: {  	_ =	task [dreg:s9], $0x5FFFF  }
0xae: {  	[dreg:$0x1] =	wrdreg $0xFFFFFFFF  }
0xaf: {  	[dreg:$0x0] =	wrdreg $0x60  }
0xb0: {  	[dreg:$0x2] =	wrdreg s2  }
0xb1: {  	[dreg:$0x3] =	wrdreg s18  }
0xb2: {  	[dreg:$0x4] =	wrdreg s4  }
0xb3: {  	[dreg:$0x5] =	wrdreg s24  }
0xb4: {  	[dreg:$0x6] =	wrdreg $0x9  }
0xb5: {  	_ =	task.clear_ibuf [dreg:s9], $0x7FFFF;
	_ =	strace $0x90000046  }
0xb6: {  	s29 =	simm.s32 $0x9;
	_ =	strace $0x80000048  }
0xb7: {  	_ =	swait.ge [sflag:s29], $0x1  }
0xb8: {  	[sflag:s29] =	ssyncadd.s32 $0xFFFFFFFF  }
0xb9: {  	_ =	strace $0x90000048  }
0xba: {  	_ =	sfence  }
0xbb: {  	s30 =	sld [smem:$0x0];
	_ =	sdelay $0x2  }
0xbc: {  	s31 =	sshll.u32 s1, $0xD;
	s1 =	sshrl.u32 s1, $0x2  }
0xbd: {  	s3 =	sand.u32 $0x4000, s31;
	s1 =	sadd.s32 s1, s30  }
0xbe: {  	s0 =	sor.u32 s3, s0;
	s1 =	sshll.u32 s1, $0x11  }
0xbf: {  	s0 =	sor.u32 s1, s0  }
0xc0: {  	s0 =	sadd.s32 $0x8F2B, s0  }
0xc1: {  	[sflag:s0] =	ssyncadd.remote.s32 $0x1  }
0xc2: {  	_ =	sfence.sel $0xFFFF  }
0xc3: {  	[dreg:$0x0] =	wrdreg $0xFFFFFFFF;
	(pc) =	sbr.abs _section_cstart, $3  }
0xc4: {  	[dreg:$0x1] =	wrdreg $0xFFFFFFFF  }
0xc5: {  	_ =	task.clear_ibuf [dreg:s9], $0x2FFFF;
	_ =	strace $0x9FFFFFFF  }
0xc6: {  	(tm) =	ssettm $0x7FFFFFFF  }
0xc7: {  	_ =	shalt  }
tec
execute0_lowered:
.L_overlay_start_1:
0x0: {  	(tag) =	ssettag $0x1  }
0x1: {  	s0 =	rddreg [dreg:$0x0]  }
0x2: {  	s1 =	rddreg [dreg:$0x1]  }
0x3: {  	s2 =	rddreg [dreg:$0x2]  }
0x4: {  	s5 =	rddreg [dreg:$0x3]  }
0x5: {  	s4 =	srdreg.scid;
	s6 =	stileid.u32;
	s3 =	simm.s32 $0x0  }
0x6: {  	s19 =	simm.s32 $0x80;
	s21 =	simm.s32 $0x1;
	s22 =	simm.s32 $0x3  }
0x7: {  	s24 =	simm.s32 $0x10800;
	s25 =	simm.s32 $0x14800;
	s28 =	simm.s32 $0x4  }
0x8: {  	s4 =	sand.u32 $0x1, s4;
	s6 =	sshll.u32 s6, $0x1;
	[smem:$0x7FF] =	sst s3  }
0x9: {  	s29 =	simm.s32 $0x0;
	s14 =	sor.u32 s4, s6;
	_ =	strace $0x80000047  }
0xa: {  	s26 =	ssub.s32 $0x2, s4;
	s30 =	sshll.u32 s14, $0x8;
	s7 =	sshll.u32 s14, $0x4  }
0xb: {  	s8 =	sshrl.u32 s26, $0x1;
	s16 =	sshll.u32 s14, $0x6;
	s4 =	sadd.s32 s0, s30  }
0xc: {  	s31 =	sadd.s32 s7, s5;
	s18 =	ssub.s32 s26, s8;
	s16 =	sadd.s32 s1, s16  }
0xd: {  	s0 =	simm.s32 $0x2;
	s26 =	simm.s32 $0x18A00;
	s5 =	sadd.s32 $0x10, s4  }
0xe: {  	s6 =	sadd.s32 $0x20, s4;
	s7 =	sadd.s32 $0x40, s4;
	s8 =	sadd.s32 $0x50, s4  }
0xf: {  	s9 =	sadd.s32 $0x60, s4;
	s10 =	sadd.s32 $0x80, s4;
	s11 =	sadd.s32 $0x90, s4  }
0x10: {  	v0 =	vlaneseq.u32;
	s12 =	sadd.s32 $0xA0, s4;
	s13 =	sadd.s32 $0xC0, s4;
	s14 =	sadd.s32 $0xD0, s4  }
0x11: {  	v0 =	vmul.u32 $0x10, v0;
	s15 =	sadd.s32 $0xE0, s4;
	s17 =	sadd.s32 $0x400, s31;
	s18 =	smax.u32 s18, $0x1  }
.LBB2_1:
0x12: {  	[tilespmem:s3], [sflag:$0x2] =	stream.linear.gather [hbm4b:s4+s3], $0x80, $0x38;
	[tilespmem:$0x19280] =	vst v63  }
0x13: {  	_ = 	snop  }
0x14: {  	[tilespmem:s19], [sflag:$0x2] =	stream.linear.gather [hbm4b:s5+s3], $0x80, $0x38;
	[tilespmem:$0x19280] =	vst v63  }
0x15: {  	s1 =	simm.s32 $0x100  }
0x16: {  	[tilespmem:s1], [sflag:$0x2] =	stream.linear.gather [hbm4b:s6+s3], $0x80, $0x38;
	[tilespmem:$0x19280] =	vst v63  }
0x17: {  	s20 =	simm.s32 $0x180  }
0x18: {  	[tilespmem:s20], [sflag:$0x1] =	stream.linear.gather [hbm4b:s7+s3], $0x80, $0x38;
	[tilespmem:$0x19280] =	vst v63  }
0x19: {  	s23 =	simm.s32 $0x200  }
0x1a: {  	[tilespmem:s23], [sflag:$0x1] =	stream.linear.gather [hbm4b:s8+s3], $0x80, $0x38;
	[tilespmem:$0x19280] =	vst v63  }
0x1b: {  	s30 =	simm.s32 $0x280  }
0x1c: {  	[tilespmem:s30], [sflag:$0x1] =	stream.linear.gather [hbm4b:s9+s3], $0x80, $0x38;
	[tilespmem:$0x19280] =	vst v63  }
0x1d: {  	s31 =	simm.s32 $0x300  }
0x1e: {  	[tilespmem:s31], [sflag:$0x1] =	stream.linear.gather [hbm4b:s10+s3], $0x80, $0x38;
	[tilespmem:$0x19280] =	vst v63  }
0x1f: {  	s31 =	simm.s32 $0x380  }
0x20: {  	[tilespmem:s31], [sflag:$0x1] =	stream.linear.gather [hbm4b:s11+s3], $0x80, $0x38;
	[tilespmem:$0x19280] =	vst v63  }
0x21: {  	s31 =	simm.s32 $0x400  }
0x22: {  	[tilespmem:s31], [sflag:$0x1] =	stream.linear.gather [hbm4b:s12+s3], $0x80, $0x38;
	[tilespmem:$0x19280] =	vst v63  }
0x23: {  	s31 =	simm.s32 $0x480  }
0x24: {  	[tilespmem:s31], [sflag:$0x1] =	stream.linear.gather [hbm4b:s13+s3], $0x80, $0x38;
	[tilespmem:$0x19280] =	vst v63  }
0x25: {  	s31 =	simm.s32 $0x500  }
0x26: {  	[tilespmem:s31], [sflag:$0x1] =	stream.linear.gather [hbm4b:s14+s3], $0x80, $0x38;
	[tilespmem:$0x19280] =	vst v63  }
0x27: {  	s31 =	simm.s32 $0x580  }
0x28: {  	[tilespmem:s31], [sflag:$0x1] =	stream.linear.gather [hbm4b:s15+s3], $0x80, $0x38;
	[tilespmem:$0x19280] =	vst v63  }
0x29: {  	s31 =	simm.s32 $0x18800  }
0x2a: {  	[tilespmem:s31], [sflag:$0x3] =	stream.linear.gather [hbm4b:s16+s3], $0x200, $0x38;
	[tilespmem:$0x19280] =	vst v63  }
0x2b: {  	_ =	swait.ge [sflag:s0], $0x80  }
0x2c: {  	[sflag:s0] =	ssyncset.done $0x0  }
0x2d: {  	[sflag:s0] =	ssyncadd.s32 $0xFFFFFF80  }
0x2e: {  	_ =	swait.ge [sflag:s0], $0x80  }
0x2f: {  	[sflag:s0] =	ssyncset.done $0x0  }
0x30: {  	[sflag:s0] =	ssyncadd.s32 $0xFFFFFF80  }
0x31: {  	_ =	swait.ge [sflag:s0], $0x80  }
0x32: {  	[sflag:s0] =	ssyncset.done $0x0  }
0x33: {  	s31 =	simm.s32 $0x800;
	[sflag:s0] =	ssyncadd.s32 $0xFFFFFF80  }
0x34: {  	[tilespmem:s31], [sflag:$0x2] =	stream.indirect.gather [hbm4b:s2+s19], $0x80, s3, s19, $0xb8;
	[tilespmem:$0x19280] =	vst v63  }
0x35: {  	s31 =	simm.s32 $0x4800  }
0x36: {  	[tilespmem:s31], [sflag:$0x2] =	stream.indirect.gather [hbm4b:s2+s19], $0x80, s19, s19, $0xb8;
	[tilespmem:$0x19280] =	vst v63  }
0x37: {  	s31 =	simm.s32 $0x8800  }
0x38: {  	[tilespmem:s31], [sflag:$0x2] =	stream.indirect.gather [hbm4b:s2+s19], $0x80, s1, s19, $0xb8;
	[tilespmem:$0x19280] =	vst v63  }
0x39: {  	_ =	swait.ge [sflag:s21], $0x80  }
0x3a: {  	[sflag:s21] =	ssyncset.done $0x0  }
0x3b: {  	[sflag:s21] =	ssyncadd.s32 $0xFFFFFF80  }
0x3c: {  	_ =	swait.ge [sflag:s21], $0x80  }
0x3d: {  	[sflag:s21] =	ssyncset.done $0x0  }
0x3e: {  	[sflag:s21] =	ssyncadd.s32 $0xFFFFFF80  }
0x3f: {  	_ =	swait.ge [sflag:s21], $0x80  }
0x40: {  	[sflag:s21] =	ssyncset.done $0x0  }
0x41: {  	[sflag:s21] =	ssyncadd.s32 $0xFFFFFF80  }
0x42: {  	_ =	swait.ge [sflag:s21], $0x80  }
0x43: {  	[sflag:s21] =	ssyncset.done $0x0  }
0x44: {  	[sflag:s21] =	ssyncadd.s32 $0xFFFFFF80  }
0x45: {  	_ =	swait.ge [sflag:s21], $0x80  }
0x46: {  	[sflag:s21] =	ssyncset.done $0x0  }
0x47: {  	[sflag:s21] =	ssyncadd.s32 $0xFFFFFF80  }
0x48: {  	_ =	swait.ge [sflag:s21], $0x80  }
0x49: {  	[sflag:s21] =	ssyncset.done $0x0  }
0x4a: {  	[sflag:s21] =	ssyncadd.s32 $0xFFFFFF80  }
0x4b: {  	_ =	swait.ge [sflag:s21], $0x80  }
0x4c: {  	[sflag:s21] =	ssyncset.done $0x0  }
0x4d: {  	[sflag:s21] =	ssyncadd.s32 $0xFFFFFF80  }
0x4e: {  	_ =	swait.ge [sflag:s21], $0x80  }
0x4f: {  	[sflag:s21] =	ssyncset.done $0x0  }
0x50: {  	[sflag:s21] =	ssyncadd.s32 $0xFFFFFF80  }
0x51: {  	_ =	swait.ge [sflag:s21], $0x80  }
0x52: {  	[sflag:s21] =	ssyncset.done $0x0  }
0x53: {  	[sflag:s21] =	ssyncadd.s32 $0xFFFFFF80  }
0x54: {  	_ =	swait.ge [sflag:s22], $0x200  }
0x55: {  	[sflag:s22] =	ssyncset.done $0x0  }
0x56: {  	s1 =	simm.s32 $0xC800;
	[sflag:s22] =	ssyncadd.s32 $0xFFFFFE00  }
0x57: {  	[tilespmem:s1], [sflag:$0x3] =	stream.indirect.gather [hbm4b:s2+s19], $0x80, s20, s19, $0xb8;
	[tilespmem:$0x19280] =	vst v63  }
0x58: {  	_ = 	snop  }
0x59: {  	[tilespmem:s24], [sflag:$0x3] =	stream.indirect.gather [hbm4b:s2+s19], $0x80, s23, s19, $0xb8;
	[tilespmem:$0x19280] =	vst v63  }
0x5a: {  	_ = 	snop  }
0x5b: {  	[tilespmem:s25], [sflag:$0x3] =	stream.indirect.gather [hbm4b:s2+s19], $0x80, s30, s19, $0xb8;
	[tilespmem:$0x19280] =	vst v63  }
0x5c: {  	_ =	swait.ge [sflag:s0], $0x4000  }
0x5d: {  	[sflag:s0] =	ssyncset.done $0x0  }
0x5e: {  	[sflag:s0] =	ssyncadd.s32 $0xFFFFC000  }
0x5f: {  	_ =	swait.ge [sflag:s0], $0x4000  }
0x60: {  	[sflag:s0] =	ssyncset.done $0x0  }
0x61: {  	[sflag:s0] =	ssyncadd.s32 $0xFFFFC000  }
0x62: {  	_ =	swait.ge [sflag:s0], $0x4000  }
0x63: {  	[sflag:s0] =	ssyncset.done $0x0  }
0x64: {  	s30 =	simm.s32 $0x4880;
	[sflag:s0] =	ssyncadd.s32 $0xFFFFC000  }
0x65: {  	v1 =	vld [tilespmem:s30+$0x4060]  }
0x66: {  	v2 =	vld [tilespmem:s30+$0x4050]  }
0x67: {  	v3 =	vld [tilespmem:s30+$0x4040]  }
0x68: {  	v4 =	vld [tilespmem:s30+$0x4030]  }
0x69: {  	v5 =	vld [tilespmem:s30+$0x4020]  }
0x6a: {  	v6 =	vld [tilespmem:s30+$0x4010]  }
0x6b: {  	v7 =	vld [tilespmem:s30+$0x4000]  }
0x6c: {  	v8 =	vld [tilespmem:s30+$0xFFFFC000]  }
0x6d: {  	v9 =	vld [tilespmem:s30+$0x0]  }
0x6e: {  	v10 =	vld [tilespmem:s30+$0xFFFFC010]  }
0x6f: {  	v11 =	vld [tilespmem:s30+$0x10]  }
0x70: {  	v12 =	vld [tilespmem:s30+$0xFFFFC020]  }
0x71: {  	v13 =	vld [tilespmem:s30+$0x20]  }
0x72: {  	v14 =	vld [tilespmem:s30+$0xFFFFC030]  }
0x73: {  	v15 =	vld [tilespmem:s30+$0x30]  }
0x74: {  	v16 =	vld [tilespmem:s30+$0xFFFFC040]  }
0x75: {  	v17 =	vld [tilespmem:s30+$0x40]  }
0x76: {  	v18 =	vld [tilespmem:s30+$0xFFFFC050]  }
0x77: {  	v19 =	vld [tilespmem:s30+$0x50]  }
0x78: {  	v20 =	vld [tilespmem:s30+$0xFFFFC060]  }
0x79: {  	v21 =	vld [tilespmem:s30+$0x60]  }
0x7a: {  	v22 =	vld [tilespmem:s30+$0xFFFFC070]  }
0x7b: {  	v23 =	vld [tilespmem:s30+$0x70]  }
0x7c: {  	v24 =	vld [tilespmem:s30+$0xFFFFFF80]  }
0x7d: {  	v25 =	vld [tilespmem:s30+$0x4070]  }
0x7e: {  	v26 =	vld [tilespmem:s30+$0xFFFFBF80]  }
0x7f: {  	v27 =	vld [tilespmem:s30+$0xFFFFBF90];
	v8 =	vmul.f32 v9, v8  }
0x80: {  	v56 =	vld [tilespmem:s30+$0xFFFFBFA0]  }
0x81: {  	v57 =	vld [tilespmem:s30+$0xFFFFFFA0];
	v7 =	vmul.f32 v7, v8;
	v8 =	vmul.f32 v11, v10  }
0x82: {  	v9 =	vld [tilespmem:s30+$0x3F80]  }
0x83: {  	v10 =	vld [tilespmem:s30+$0xFFFFFF90];
	v7 =	vadd.f32 $0.0e+00, v7;
	v6 =	vmul.f32 v6, v8;
	v8 =	vmul.f32 v13, v12  }
0x84: {  	v58 =	vld [tilespmem:s30+$0xFFFFBFB0]  }
0x85: {  	v11 =	vld [tilespmem:s30+$0x3F90];
	v6 =	vadd.f32 v6, v7;
	v5 =	vmul.f32 v5, v8;
	v7 =	vmul.f32 v15, v14  }
0x86: {  	v60 =	vld [tilespmem:s30+$0x3FB0];
	v59 =	vmul.f32 v24, v26  }
0x87: {  	v61 =	vld [tilespmem:s30+$0xFFFFFFC0];
	v5 =	vadd.f32 v5, v6;
	v4 =	vmul.f32 v4, v7;
	v6 =	vmul.f32 v17, v16  }
0x88: {  	v9 =	vmul.f32 v9, v59;
	v8 =	vld [tilespmem:s30+$0x3FA0];
	v10 =	vmul.f32 v10, v27  }
0x89: {  	v7 =	vld [tilespmem:s30+$0xFFFFFFB0];
	v4 =	vadd.f32 v4, v5;
	v3 =	vmul.f32 v3, v6;
	v5 =	vmul.f32 v19, v18  }
0x8a: {  	v10 =	vmul.f32 v11, v10;
	v11 =	vmul.f32 v57, v56;
	v6 =	vld [tilespmem:s30+$0xFFFFBFC0]  }
0x8b: {  	v62 =	vld [tilespmem:s30+$0xFFFFBFD0];
	v3 =	vadd.f32 v3, v4;
	v2 =	vmul.f32 v2, v5;
	v4 =	vmul.f32 v21, v20  }
0x8c: {  	v9 =	vadd.f32 $0.0e+00, v9;
	v5 =	vld [tilespmem:s30+$0x3FC0]  }
0x8d: {  	v63 =	vld [tilespmem:s30+$0xFFFFFFD0];
	v8 =	vmul.f32 v8, v11;
	v2 =	vadd.f32 v2, v3;
	v1 =	vmul.f32 v1, v4  }
0x8e: {  	v7 =	vmul.f32 v7, v58;
	v3 =	vmul.f32 v23, v22;
	v4 =	vadd.f32 v10, v9;
	v9 =	vld [tilespmem:s30+$0x3FD0]  }
0x8f: {  	v6 =	vmul.f32 v61, v6;
	v1 =	vadd.f32 v1, v2;
	v2 =	vld [tilespmem:s30+$0xFFFFBFE0]  }
0x90: {  	v7 =	vmul.f32 v60, v7;
	v3 =	vmul.f32 v25, v3;
	v8 =	vadd.f32 v8, v4;
	v4 =	vld [tilespmem:s30+$0xFFFFFFE0]  }
0x91: {  	v6 =	vmul.f32 v5, v6;
	v5 =	vld [tilespmem:s30+$0xFFFFBFF0]  }
0x92: {  	v11 =	vmul.f32 v63, v62;
	v10 =	vadd.f32 v3, v1;
	v3 =	vld [tilespmem:s30+$0x3FE0];
	v8 =	vadd.f32 v7, v8  }
0x93: {  	s1 =	simm.s32 $0x18A10;
	v7 =	vld [tilespmem:s30+$0xFFFFFFF0]  }
0x94: {  	s31 =	simm.s32 $0x0;
	s20 =	simm.s32 $0x4980;
	v1 =	vimm.f32 $0.0e+00;
	v9 =	vmul.f32 v9, v11;
	[tilespmem:s1+$0x0] =	vst v10;
	v8 =	vadd.f32 v6, v8;
	v6 =	vld [tilespmem:s30+$0x3FF0]  }
.LBB2_2:
0x95: {  	v10 =	vld [tilespmem:s20+$0x4060];
	v2 =	vmul.f32 v4, v2  }
0x96: {  	v4 =	vld [tilespmem:s20+$0x4050];
	v8 =	vadd.f32 v9, v8  }
0x97: {  	v9 =	vld [tilespmem:s20+$0x4040];
	v2 =	vmul.f32 v3, v2  }
0x98: {  	v3 =	vld [tilespmem:s20+$0x4030];
	v5 =	vmul.f32 v7, v5  }
0x99: {  	v7 =	vld [tilespmem:s20+$0x4020];
	v2 =	vadd.f32 v2, v8  }
0x9a: {  	v8 =	vld [tilespmem:s20+$0x4010];
	v5 =	vmul.f32 v6, v5  }
0x9b: {  	v6 =	vld [tilespmem:s20+$0x4000]  }
0x9c: {  	v11 =	vld [tilespmem:s20+$0xFFFFC000];
	v2 =	vadd.f32 v5, v2  }
0x9d: {  	s31 =	sadd.s32 $0x2, s31;
	v5 =	vld [tilespmem:s20+$0x0]  }
0x9e: {  	p0 =	slt.u32 s31, $0x7E;
	v12 =	vld [tilespmem:s20+$0xFFFFC010];
	[tilespmem:s1+$0xFFFFFFF0] =	vst v2  }
0x9f: {  	v2 =	vld [tilespmem:s20+$0x10]  }
0xa0: {  	v13 =	vld [tilespmem:s20+$0xFFFFC020]  }
0xa1: {  	v14 =	vld [tilespmem:s20+$0x20]  }
0xa2: {  	v5 =	vmul.f32 v5, v11;
	v11 =	vld [tilespmem:s20+$0xFFFFC030]  }
0xa3: {  	v15 =	vld [tilespmem:s20+$0x30]  }
0xa4: {  	v5 =	vmul.f32 v6, v5;
	v2 =	vmul.f32 v2, v12;
	v6 =	vld [tilespmem:s20+$0xFFFFC040]  }
0xa5: {  	v12 =	vld [tilespmem:s20+$0x40]  }
0xa6: {  	v5 =	vadd.f32 $0.0e+00, v5;
	v2 =	vmul.f32 v8, v2;
	v8 =	vmul.f32 v14, v13;
	v13 =	vld [tilespmem:s20+$0xFFFFC050]  }
0xa7: {  	v14 =	vld [tilespmem:s20+$0x50]  }
0xa8: {  	v2 =	vadd.f32 v2, v5;
	v5 =	vmul.f32 v7, v8;
	v7 =	vmul.f32 v15, v11;
	v8 =	vld [tilespmem:s20+$0xFFFFC060]  }
0xa9: {  	v11 =	vld [tilespmem:s20+$0x60]  }
0xaa: {  	v2 =	vadd.f32 v5, v2;
	v3 =	vmul.f32 v3, v7;
	v5 =	vmul.f32 v12, v6;
	v6 =	vld [tilespmem:s20+$0xFFFFC070]  }
0xab: {  	v7 =	vld [tilespmem:s20+$0x70]  }
0xac: {  	v12 =	vld [tilespmem:s20+$0xFFFFFF80];
	v2 =	vadd.f32 v3, v2;
	v3 =	vmul.f32 v9, v5;
	v5 =	vmul.f32 v14, v13  }
0xad: {  	v9 =	vld [tilespmem:s20+$0x4070]  }
0xae: {  	v13 =	vld [tilespmem:s20+$0xFFFFBF80];
	v2 =	vadd.f32 v3, v2;
	v3 =	vmul.f32 v4, v5;
	v4 =	vmul.f32 v11, v8  }
0xaf: {  	v5 =	vld [tilespmem:s20+$0x3F80]  }
0xb0: {  	v8 =	vld [tilespmem:s20+$0xFFFFBF90];
	v2 =	vadd.f32 v3, v2;
	v3 =	vmul.f32 v10, v4;
	v4 =	vmul.f32 v7, v6  }
0xb1: {  	v6 =	vld [tilespmem:s20+$0xFFFFFF90]  }
0xb2: {  	v7 =	vld [tilespmem:s20+$0x3F90];
	v2 =	vadd.f32 v3, v2;
	v3 =	vmul.f32 v9, v4  }
0xb3: {  	v4 =	vmul.f32 v12, v13;
	v9 =	vld [tilespmem:s20+$0xFFFFBFA0]  }
0xb4: {  	v10 =	vld [tilespmem:s20+$0xFFFFFFA0];
	v2 =	vadd.f32 v3, v2  }
0xb5: {  	s1 =	sadd.s32 $0x20, s1;
	v3 =	vmul.f32 v5, v4;
	v4 =	vld [tilespmem:s20+$0x3FA0]  }
0xb6: {  	s23 =	simm.s32 $0x0;
	s30 =	simm.s32 $0x18800;
	v5 =	vmul.f32 v6, v8;
	v6 =	vld [tilespmem:s20+$0xFFFFBFB0];
	[tilespmem:s1+$0x0] =	vst v2  }
0xb7: {  	v2 =	vadd.f32 $0.0e+00, v3;
	v3 =	vld [tilespmem:s20+$0xFFFFFFB0]  }
0xb8: {  	v5 =	vmul.f32 v7, v5;
	v7 =	vld [tilespmem:s20+$0x3FB0]  }
0xb9: {  	v8 =	vmul.f32 v10, v9;
	v9 =	vld [tilespmem:s20+$0xFFFFBFC0]  }
0xba: {  	v2 =	vadd.f32 v5, v2;
	v5 =	vld [tilespmem:s20+$0xFFFFFFC0]  }
0xbb: {  	v4 =	vmul.f32 v4, v8;
	v8 =	vld [tilespmem:s20+$0x3FC0]  }
0xbc: {  	v3 =	vmul.f32 v3, v6;
	v6 =	vld [tilespmem:s20+$0xFFFFBFD0]  }
0xbd: {  	v4 =	vadd.f32 v4, v2;
	v10 =	vld [tilespmem:s20+$0xFFFFFFD0]  }
0xbe: {  	v3 =	vmul.f32 v7, v3;
	v11 =	vld [tilespmem:s20+$0x3FD0]  }
0xbf: {  	v5 =	vmul.f32 v5, v9;
	v2 =	vld [tilespmem:s20+$0xFFFFBFE0]  }
.Ltmp0:
0xc0: {  	v7 =	vadd.f32 v3, v4;
	v4 =	vld [tilespmem:s20+$0xFFFFFFE0];
	(pc) =	sbr.rel @p0 .LBB2_2-.Ltmp0, $4  }
0xc1: {  	v8 =	vmul.f32 v8, v5;
	v3 =	vld [tilespmem:s20+$0x3FE0]  }
0xc2: {  	v6 =	vmul.f32 v10, v6;
	v5 =	vld [tilespmem:s20+$0xFFFFBFF0]  }
0xc3: {  	v8 =	vadd.f32 v8, v7;
	v7 =	vld [tilespmem:s20+$0xFFFFFFF0]  }
0xc4: {  	v9 =	vmul.f32 v11, v6;
	v6 =	vld [tilespmem:s20+$0x3FF0];
	s20 =	sadd.s32 $0x100, s20  }
0xc5: {  	_ = 	snop  }
0xc6: {  	v2 =	vmul.f32 v4, v2  }
0xc7: {  	v4 =	vadd.f32 v9, v8  }
0xc8: {  	v2 =	vmul.f32 v3, v2;
	v3 =	vmul.f32 v7, v5;
	v5 =	vmov s23  }
0xc9: {  	v5 =	vshll.u32 v5, $0x4  }
0xca: {  	v2 =	vadd.f32 v2, v4;
	v3 =	vmul.f32 v6, v3;
	v4 =	vor.u32 v0, v5;
	_ =	sdelay $0x1  }
0xcb: {  	v2 =	vadd.f32 v3, v2;
	v3 =	vor.u32 $0x1, v4;
	_ =	sdelay $0x1  }
0xcc: {  	[tilespmem:s1+$0xFFFFFFF0] =	vst v2;
	v2 =	vor.u32 $0x2, v4  }
0xcd: {  	v5 =	vld.idx.msk [tilespmem:v4+s26+$0x0], $0xffff  }
0xce: {  	v6 =	vor.u32 $0x3, v4  }
0xcf: {  	v3 =	vld.idx.msk [tilespmem:v3+s26+$0x0], $0xffff  }
0xd0: {  	v7 =	vor.u32 $0x4, v4  }
0xd1: {  	v2 =	vld.idx.msk [tilespmem:v2+s26+$0x0], $0xffff  }
0xd2: {  	v8 =	vor.u32 $0x5, v4;
	v5 =	vadd.f32 $0.0e+00, v5  }
0xd3: {  	v6 =	vld.idx.msk [tilespmem:v6+s26+$0x0], $0xffff  }
0xd4: {  	v9 =	vor.u32 $0x6, v4;
	v3 =	vadd.f32 v3, v5  }
0xd5: {  	s31 =	simm.s32 $0x10;
	v5 =	vld.idx.msk [tilespmem:v7+s26+$0x0], $0xffff  }
0xd6: {  	v10 =	vmov s31;
	v7 =	vor.u32 $0x7, v4;
	v2 =	vadd.f32 v2, v3  }
0xd7: {  	v3 =	vld.idx.msk [tilespmem:v8+s26+$0x0], $0xffff;
	v8 =	vshll.u32 v10, $0x4;
	v10 =	vor.u32 $0x8, v4  }
0xd8: {  	v8 =	vor.u32 v0, v8;
	v2 =	vadd.f32 v6, v2  }
0xd9: {  	v6 =	vld.idx.msk [tilespmem:v9+s26+$0x0], $0xffff;
	v9 =	vor.u32 $0x9, v4  }
0xda: {  	v11 =	vor.u32 $0x1, v8;
	v2 =	vadd.f32 v5, v2  }
0xdb: {  	v5 =	vld.idx.msk [tilespmem:v7+s26+$0x0], $0xffff;
	v7 =	vor.u32 $0xA, v4  }
0xdc: {  	v12 =	vor.u32 $0x2, v8;
	v2 =	vadd.f32 v3, v2;
	v3 =	vld.idx.msk [tilespmem:v10+s26+$0x0], $0xffff  }
0xdd: {  	v13 =	vor.u32 $0xB, v4;
	v10 =	vld.idx.msk [tilespmem:v8+s26+$0x0], $0xffff  }
0xde: {  	v14 =	vor.u32 $0x3, v8;
	v2 =	vadd.f32 v6, v2;
	v6 =	vld.idx.msk [tilespmem:v9+s26+$0x0], $0xffff  }
0xdf: {  	v15 =	vor.u32 $0x4, v8;
	v9 =	vld.idx.msk [tilespmem:v11+s26+$0x0], $0xffff  }
0xe0: {  	v11 =	vor.u32 $0xC, v4;
	v2 =	vadd.f32 v5, v2;
	v5 =	vld.idx.msk [tilespmem:v7+s26+$0x0], $0xffff  }
0xe1: {  	v7 =	vld.idx.msk [tilespmem:v12+s26+$0x0], $0xffff;
	v12 =	vor.u32 $0xD, v4  }
0xe2: {  	v16 =	vor.u32 $0x5, v8;
	v10 =	vadd.f32 $0.0e+00, v10;
	v2 =	vadd.f32 v3, v2;
	v3 =	vld.idx.msk [tilespmem:v13+s26+$0x0], $0xffff  }
0xe3: {  	v13 =	vld.idx.msk [tilespmem:v14+s26+$0x0], $0xffff;
	v14 =	vor.u32 $0xE, v4  }
0xe4: {  	v17 =	vor.u32 $0x6, v8;
	v9 =	vadd.f32 v9, v10;
	v10 =	vld.idx.msk [tilespmem:v15+s26+$0x0], $0xffff;
	v2 =	vadd.f32 v6, v2  }
0xe5: {  	s20 =	simm.s32 $0x20;
	v4 =	vor.u32 $0xF, v4;
	v6 =	vld.idx.msk [tilespmem:v11+s26+$0x0], $0xffff;
	v11 =	vor.u32 $0x7, v8  }
0xe6: {  	v7 =	vadd.f32 v7, v9;
	v2 =	vadd.f32 v5, v2;
	v5 =	vld.idx.msk [tilespmem:v12+s26+$0x0], $0xffff;
	v12 =	vmov s20  }
0xe7: {  	v15 =	vor.u32 $0x8, v8;
	v9 =	vld.idx.msk [tilespmem:v16+s26+$0x0], $0xffff;
	v12 =	vshll.u32 v12, $0x4  }
0xe8: {  	v7 =	vadd.f32 v13, v7;
	v2 =	vadd.f32 v3, v2;
	v3 =	vld.idx.msk [tilespmem:v14+s26+$0x0], $0xffff;
	v14 =	vor.u32 v0, v12  }
0xe9: {  	v13 =	vor.u32 $0x9, v8;
	v12 =	vld.idx.msk [tilespmem:v17+s26+$0x0], $0xffff  }
0xea: {  	v4 =	vld.idx.msk [tilespmem:v4+s26+$0x0], $0xffff;
	v7 =	vadd.f32 v10, v7;
	v2 =	vadd.f32 v6, v2;
	v6 =	vor.u32 $0x1, v14  }
0xeb: {  	v10 =	vld.idx.msk [tilespmem:v11+s26+$0x0], $0xffff;
	v11 =	vor.u32 $0xA, v8  }
0xec: {  	v7 =	vadd.f32 v9, v7;
	v9 =	vld.idx.msk [tilespmem:v15+s26+$0x0], $0xffff;
	v2 =	vadd.f32 v5, v2;
	v5 =	vor.u32 $0x2, v14  }
0xed: {  	v16 =	vor.u32 $0xB, v8;
	v15 =	vld.idx.msk [tilespmem:v14+s26+$0x0], $0xffff  }
0xee: {  	v7 =	vadd.f32 v12, v7;
	v12 =	vld.idx.msk [tilespmem:v13+s26+$0x0], $0xffff;
	v2 =	vadd.f32 v3, v2;
	v3 =	vor.u32 $0x3, v14  }
0xef: {  	v13 =	vor.u32 $0xC, v8;
	v6 =	vld.idx.msk [tilespmem:v6+s26+$0x0], $0xffff  }
0xf0: {  	v7 =	vadd.f32 v10, v7;
	v10 =	vld.idx.msk [tilespmem:v11+s26+$0x0], $0xffff;
	v2 =	vadd.f32 v4, v2;
	v4 =	vor.u32 $0x4, v14  }
0xf1: {  	v11 =	vor.u32 $0xD, v8;
	v5 =	vld.idx.msk [tilespmem:v5+s26+$0x0], $0xffff  }
0xf2: {  	v17 =	vor.u32 $0x5, v14;
	v7 =	vadd.f32 v9, v7;
	v9 =	vld.idx.msk [tilespmem:v16+s26+$0x0], $0xffff;
	v2 =	vsub.f32 $0.0e+00, v2  }
0xf3: {  	v16 =	vor.u32 $0xE, v8;
	v15 =	vadd.f32 $0.0e+00, v15;
	v3 =	vld.idx.msk [tilespmem:v3+s26+$0x0], $0xffff  }
0xf4: {  	v8 =	vor.u32 $0xF, v8;
	v7 =	vadd.f32 v12, v7;
	v12 =	vld.idx.msk [tilespmem:v13+s26+$0x0], $0xffff;
	v2 =	vmul.f32 $1.442695020e+00, v2  }
0xf5: {  	v18 =	vor.u32 $0x6, v14;
	v6 =	vadd.f32 v6, v15;
	v4 =	vld.idx.msk [tilespmem:v4+s26+$0x0], $0xffff  }
0xf6: {  	s23 =	simm.s32 $0x30;
	v13 =	vor.u32 $0x7, v14;
	(erf) = vpow2.f32 v2;
	v2 =	vadd.f32 v10, v7;
	v7 =	vld.idx.msk [tilespmem:v11+s26+$0x0], $0xffff  }
0xf7: {  	v10 =	vmov s23;
	v5 =	vadd.f32 v5, v6;
	v6 =	vld.idx.msk [tilespmem:v17+s26+$0x0], $0xffff  }
0xf8: {  	v11 =	vor.u32 $0x8, v14;
	v15 =	vld.idx.msk [tilespmem:v16+s26+$0x0], $0xffff;
	v10 =	vshll.u32 v10, $0x4;
	v9 =	vadd.f32 v9, v2  }
0xf9: {  	v8 =	vld.idx.msk [tilespmem:v8+s26+$0x0], $0xffff;
	v2 =	vor.u32 v0, v10;
	v3 =	vadd.f32 v3, v5  }
0xfa: {  	v5 =	vld.idx.msk [tilespmem:v18+s26+$0x0], $0xffff;
	v10 =	vor.u32 $0x9, v14;
	v9 =	vadd.f32 v12, v9  }
0xfb: {  	v3 =	vadd.f32 v4, v3;
	v4 =	vld.idx.msk [tilespmem:v13+s26+$0x0], $0xffff;
	v13 =	vor.u32 $0xA, v14  }
0xfc: {  	v12 =	vor.u32 $0x1, v2;
	v7 =	vadd.f32 v7, v9;
	v9 =	vld [tilespmem:s30+$0x0]  }
0xfd: {  	v16 =	vor.u32 $0x2, v2;
	v3 =	vadd.f32 v6, v3;
	v6 =	vld.idx.msk [tilespmem:v11+s26+$0x0], $0xffff  }
0xfe: {  	v17 =	vor.u32 $0xB, v14;
	v11 =	vld.idx.msk [tilespmem:v2+s26+$0x0], $0xffff;
	v7 =	vadd.f32 v15, v7  }
0xff: {  	v62 =	vor.u32 $0x3, v2;
	v3 =	vadd.f32 v5, v3;
	v5 =	vld.idx.msk [tilespmem:v10+s26+$0x0], $0xffff;
	v15 =	vpop (erf)  }
0x100: {  	v19 =	vor.u32 $0xC, v14;
	v20 =	vld.idx.msk [tilespmem:v13+s26+$0x0], $0xffff;
	v10 =	vsub.f32 $1.000000000e+00, v15;
	v7 =	vadd.f32 v8, v7  }
0x101: {  	v15 =	vld.idx.msk [tilespmem:v12+s26+$0x0], $0xffff;
	v8 =	vor.u32 $0x4, v2;
	v3 =	vadd.f32 v4, v3  }
0x102: {  	v4 =	vmax.f32 v10, $9.999999740e-06;
	v10 =	vld.idx.msk [tilespmem:v16+s26+$0x0], $0xffff;
	v16 =	vor.u32 $0xD, v14;
	v13 =	vsub.f32 $0.0e+00, v7  }
0x103: {  	v21 =	vor.u32 $0x5, v2;
	v12 =	vor.u32 $0xE, v14;
	v6 =	vadd.f32 v6, v3;
	v3 =	vld.idx.msk [tilespmem:v17+s26+$0x0], $0xffff  }
0x104: {  	v17 =	vadd.f32 $0.0e+00, v11;
	v7 =	vld.idx.msk [tilespmem:v62+s26+$0x0], $0xffff;
	v4 =	vmin.f32 v4, $1.000000000e+00;
	v63 =	vmul.f32 $1.442695020e+00, v13  }
0x105: {  	v11 =	vor.u32 $0x6, v2;
	v9 =	vmul.f32 v4, v9;
	v6 =	vadd.f32 v5, v6;
	v4 =	vld.idx.msk [tilespmem:v19+s26+$0x0], $0xffff  }
0x106: {  	v13 =	vor.u32 $0xF, v14;
	v17 =	vadd.f32 v15, v17;
	v8 =	vld.idx.msk [tilespmem:v8+s26+$0x0], $0xffff;
	(erf) = vpow2.f32 v63  }
0x107: {  	s31 =	simm.s32 $0x40;
	v1 =	vadd.f32 v9, v1;
	v9 =	vor.u32 $0x7, v2;
	v6 =	vadd.f32 v20, v6;
	v5 =	vld.idx.msk [tilespmem:v16+s26+$0x0], $0xffff  }
0x108: {  	s1 =	simm.s32 $0x50;
	v15 =	vmov s31;
	v14 =	vadd.f32 v10, v17;
	v10 =	vld.idx.msk [tilespmem:v21+s26+$0x0], $0xffff  }
.LBB2_4:
0x109: {  	p0 =	sne.s32 s1, $0x70;
	v15 =	vshll.u32 v15, $0x4;
	v16 =	vor.u32 $0x8, v2;
	v3 =	vadd.f32 v3, v6;
	v6 =	vld.idx.msk [tilespmem:v12+s26+$0x0], $0xffff  }
0x10a: {  	v15 =	vor.u32 v0, v15;
	v7 =	vadd.f32 v7, v14;
	v11 =	vld.idx.msk [tilespmem:v11+s26+$0x0], $0xffff  }
0x10b: {  	v12 =	vor.u32 $0x9, v2;
	v3 =	vadd.f32 v4, v3;
	v4 =	vld.idx.msk [tilespmem:v13+s26+$0x0], $0xffff  }
0x10c: {  	s30 =	sadd.s32 $0x10, s30;
	v13 =	vor.u32 $0x1, v15;
	v7 =	vadd.f32 v8, v7;
	v8 =	vld.idx.msk [tilespmem:v9+s26+$0x0], $0xffff  }
0x10d: {  	v9 =	vor.u32 $0xA, v2;
	v3 =	vadd.f32 v5, v3;
	v5 =	vld [tilespmem:s30+$0x0]  }
0x10e: {  	v14 =	vor.u32 $0x2, v15;
	v7 =	vadd.f32 v10, v7;
	v10 =	vld.idx.msk [tilespmem:v16+s26+$0x0], $0xffff  }
0x10f: {  	v17 =	vor.u32 $0xB, v2;
	v16 =	vld.idx.msk [tilespmem:v15+s26+$0x0], $0xffff;
	v3 =	vadd.f32 v6, v3;
	v6 =	vpop (erf)  }
0x110: {  	v18 =	vor.u32 $0x3, v15;
	v7 =	vadd.f32 v11, v7;
	v19 =	vld.idx.msk [tilespmem:v12+s26+$0x0], $0xffff;
	v6 =	vsub.f32 $1.000000000e+00, v6  }
0x111: {  	v20 =	vor.u32 $0xC, v2;
	v13 =	vld.idx.msk [tilespmem:v13+s26+$0x0], $0xffff;
	v3 =	vadd.f32 v4, v3  }
0x112: {  	v21 =	vor.u32 $0x4, v15;
	v4 =	vadd.f32 v8, v7;
	v22 =	vld.idx.msk [tilespmem:v9+s26+$0x0], $0xffff;
	v6 =	vmax.f32 v6, $9.999999740e-06  }
0x113: {  	v23 =	vor.u32 $0xD, v2;
	v14 =	vld.idx.msk [tilespmem:v14+s26+$0x0], $0xffff;
	v8 =	vsub.f32 $0.0e+00, v3;
	v6 =	vmin.f32 v6, $1.000000000e+00  }
0x114: {  	v24 =	vor.u32 $0x5, v15;
	v4 =	vadd.f32 v10, v4;
	v3 =	vld.idx.msk [tilespmem:v17+s26+$0x0], $0xffff;
	v5 =	vmul.f32 v6, v5  }
.Ltmp1:
0x115: {  	v12 =	vor.u32 $0xE, v2;
	v6 =	vadd.f32 $0.0e+00, v16;
	v7 =	vld.idx.msk [tilespmem:v18+s26+$0x0], $0xffff;
	v9 =	vmul.f32 $1.442695020e+00, v8;
	(pc) =	sbr.rel @p0 .LBB2_4-.Ltmp1, $4  }
0x116: {  	v11 =	vor.u32 $0x6, v15;
	v10 =	vadd.f32 v19, v4;
	v4 =	vld.idx.msk [tilespmem:v20+s26+$0x0], $0xffff;
	v1 =	vadd.f32 v5, v1  }
0x117: {  	v16 =	vadd.f32 v13, v6;
	v13 =	vor.u32 $0xF, v2;
	v2 =	vmovc v15;
	v8 =	vld.idx.msk [tilespmem:v21+s26+$0x0], $0xffff;
	(erf) = vpow2.f32 v9  }
0x118: {  	v9 =	vor.u32 $0x7, v2;
	v6 =	vadd.f32 v22, v10;
	v5 =	vld.idx.msk [tilespmem:v23+s26+$0x0], $0xffff  }
0x119: {  	v15 =	vmov s1;
	s1 =	sadd.s32 $0x10, s1;
	v14 =	vadd.f32 v14, v16;
	v10 =	vld.idx.msk [tilespmem:v24+s26+$0x0], $0xffff  }
0x11a: {  	v15 =	vshll.u32 v15, $0x4  }
0x11b: {  	v15 =	vor.u32 v0, v15;
	_ =	sdelay $0x1  }
0x11c: {  	v16 =	vor.u32 $0x1, v15;
	_ =	sdelay $0x1  }
0x11d: {  	v17 =	vor.u32 $0x2, v15  }
0x11e: {  	v18 =	vld.idx.msk [tilespmem:v15+s26+$0x0], $0xffff  }
0x11f: {  	v19 =	vor.u32 $0x3, v15  }
0x120: {  	v16 =	vld.idx.msk [tilespmem:v16+s26+$0x0], $0xffff  }
0x121: {  	v20 =	vor.u32 $0x4, v15  }
0x122: {  	v17 =	vld.idx.msk [tilespmem:v17+s26+$0x0], $0xffff  }
0x123: {  	v21 =	vor.u32 $0x5, v15;
	v18 =	vadd.f32 $0.0e+00, v18  }
0x124: {  	v19 =	vld.idx.msk [tilespmem:v19+s26+$0x0], $0xffff  }
0x125: {  	v12 =	vld.idx.msk [tilespmem:v12+s26+$0x0], $0xffff;
	v22 =	vor.u32 $0x6, v15;
	v16 =	vadd.f32 v16, v18  }
0x126: {  	v41 =	vld.idx.msk [tilespmem:v20+s26+$0x0], $0xffff  }
0x127: {  	v11 =	vld.idx.msk [tilespmem:v11+s26+$0x0], $0xffff;
	v42 =	vor.u32 $0x7, v15;
	v16 =	vadd.f32 v17, v16  }
0x128: {  	v43 =	vor.u32 $0x8, v2;
	v7 =	vadd.f32 v7, v14;
	v44 =	vld.idx.msk [tilespmem:v21+s26+$0x0], $0xffff  }
0x129: {  	v13 =	vld.idx.msk [tilespmem:v13+s26+$0x0], $0xffff;
	v45 =	vor.u32 $0x8, v15;
	v16 =	vadd.f32 v19, v16  }
0x12a: {  	v46 =	vor.u32 $0x9, v2;
	v7 =	vadd.f32 v8, v7;
	v8 =	vld.idx.msk [tilespmem:v22+s26+$0x0], $0xffff  }
0x12b: {  	v9 =	vld.idx.msk [tilespmem:v9+s26+$0x0], $0xffff;
	v47 =	vor.u32 $0x9, v15;
	v16 =	vadd.f32 v41, v16  }
0x12c: {  	v48 =	vor.u32 $0xA, v2;
	v7 =	vadd.f32 v10, v7;
	v10 =	vld.idx.msk [tilespmem:v42+s26+$0x0], $0xffff  }
0x12d: {  	v49 =	vor.u32 $0xA, v15;
	v17 =	vld.idx.msk [tilespmem:v43+s26+$0x0], $0xffff;
	v14 =	vadd.f32 v44, v16  }
0x12e: {  	v50 =	vor.u32 $0xB, v2;
	v7 =	vadd.f32 v11, v7;
	v11 =	vld.idx.msk [tilespmem:v45+s26+$0x0], $0xffff  }
0x12f: {  	v51 =	vor.u32 $0xB, v15;
	v19 =	vld.idx.msk [tilespmem:v46+s26+$0x0], $0xffff;
	v8 =	vadd.f32 v8, v14  }
0x130: {  	v52 =	vor.u32 $0xC, v2;
	v7 =	vadd.f32 v9, v7;
	v9 =	vld.idx.msk [tilespmem:v47+s26+$0x0], $0xffff  }
0x131: {  	v53 =	vor.u32 $0xC, v15;
	v18 =	vld.idx.msk [tilespmem:v48+s26+$0x0], $0xffff;
	v8 =	vadd.f32 v10, v8  }
0x132: {  	v54 =	vld.idx.msk [tilespmem:v49+s26+$0x0], $0xffff;
	v7 =	vadd.f32 v17, v7;
	v10 =	vor.u32 $0xD, v2  }
0x133: {  	v55 =	vor.u32 $0xD, v15;
	v16 =	vld.idx.msk [tilespmem:v50+s26+$0x0], $0xffff;
	v8 =	vadd.f32 v11, v8  }
0x134: {  	v56 =	vld.idx.msk [tilespmem:v51+s26+$0x0], $0xffff;
	v7 =	vadd.f32 v19, v7;
	v11 =	vor.u32 $0xE, v2  }
0x135: {  	v57 =	vor.u32 $0xE, v15;
	v14 =	vld.idx.msk [tilespmem:v52+s26+$0x0], $0xffff;
	v8 =	vadd.f32 v9, v8  }
0x136: {  	v7 =	vadd.f32 v18, v7;
	v2 =	vor.u32 $0xF, v2;
	v9 =	vld.idx.msk [tilespmem:v53+s26+$0x0], $0xffff  }
0x137: {  	v3 =	vadd.f32 v3, v6;
	v6 =	vld.idx.msk [tilespmem:v10+s26+$0x0], $0xffff;
	v10 =	vor.u32 $0xF, v15;
	v8 =	vadd.f32 v54, v8  }
0x138: {  	v58 =	vld.idx.msk [tilespmem:v55+s26+$0x0], $0xffff;
	v7 =	vadd.f32 v16, v7  }
0x139: {  	v3 =	vadd.f32 v4, v3;
	v4 =	vld.idx.msk [tilespmem:v11+s26+$0x0], $0xffff;
	v8 =	vadd.f32 v56, v8  }
0x13a: {  	v7 =	vadd.f32 v14, v7;
	v11 =	vld.idx.msk [tilespmem:v57+s26+$0x0], $0xffff  }
0x13b: {  	v3 =	vadd.f32 v5, v3;
	v2 =	vld.idx.msk [tilespmem:v2+s26+$0x0], $0xffff;
	v5 =	vadd.f32 v9, v8  }
0x13c: {  	v6 =	vadd.f32 v6, v7;
	v7 =	vld.idx.msk [tilespmem:v10+s26+$0x0], $0xffff  }
0x13d: {  	v3 =	vadd.f32 v12, v3;
	v5 =	vadd.f32 v58, v5  }
0x13e: {  	v4 =	vadd.f32 v4, v6  }
0x13f: {  	v3 =	vadd.f32 v13, v3;
	v5 =	vadd.f32 v11, v5  }
0x140: {  	v2 =	vadd.f32 v2, v4  }
0x141: {  	v3 =	vsub.f32 $0.0e+00, v3;
	v4 =	vadd.f32 v7, v5  }
0x142: {  	v2 =	vsub.f32 $0.0e+00, v2  }
0x143: {  	v3 =	vmul.f32 $1.442695020e+00, v3;
	v4 =	vsub.f32 $0.0e+00, v4  }
0x144: {  	v2 =	vmul.f32 $1.442695020e+00, v2  }
0x145: {  	(erf) = vpow2.f32 v3;
	v3 =	vmul.f32 $1.442695020e+00, v4  }
0x146: {  	(erf) = vpow2.f32 v2  }
0x147: {  	(erf) = vpow2.f32 v3  }
0x148: {  	s1 =	sadd.s32 $0x10, s30  }
0x149: {  	v2 =	vld [tilespmem:s1+$0x0];
	s1 =	sadd.s32 $0x10, s1  }
0x14a: {  	v3 =	vld [tilespmem:s1+$0x0];
	s1 =	sadd.s32 $0x10, s1  }
0x14b: {  	s23 =	simm.s32 $0x300;
	s20 =	simm.s32 $0x800;
	v4 =	vld [tilespmem:s1+$0x0];
	s1 =	sadd.s32 $0x10, s1  }
0x14c: {  	v5 =	vld [tilespmem:s1+$0x0];
	[tilespmem:s20], [sflag:$0x2] =	stream.indirect.gather [hbm4b:s2+s19], $0x80, s23, s19, $0xb8  }
0x14d: {  	v6 =	vpop (erf);
	s20 =	simm.s32 $0x380;
	s23 =	simm.s32 $0x4800  }
0x14e: {  	v7 =	vpop (erf);
	[tilespmem:s23], [sflag:$0x2] =	stream.indirect.gather [hbm4b:s2+s19], $0x80, s20, s19, $0xb8;
	[tilespmem:$0x19280] =	vst v63  }
0x14f: {  	s20 =	simm.s32 $0x400;
	s23 =	simm.s32 $0x8800;
	v8 =	vpop (erf)  }
0x150: {  	[tilespmem:s23], [sflag:$0x2] =	stream.indirect.gather [hbm4b:s2+s19], $0x80, s20, s19, $0xb8;
	v9 =	vpop (erf);
	[tilespmem:$0x19280] =	vst v63  }
0x151: {  	_ =	swait.ge [sflag:s22], $0x4000  }
0x152: {  	[sflag:s22] =	ssyncset.done $0x0  }
0x153: {  	[sflag:s22] =	ssyncadd.s32 $0xFFFFC000  }
0x154: {  	_ =	swait.ge [sflag:s22], $0x4000  }
0x155: {  	[sflag:s22] =	ssyncset.done $0x0  }
0x156: {  	[sflag:s22] =	ssyncadd.s32 $0xFFFFC000  }
0x157: {  	_ =	swait.ge [sflag:s22], $0x4000  }
0x158: {  	[sflag:s22] =	ssyncset.done $0x0  }
0x159: {  	s23 =	simm.s32 $0x10880;
	[sflag:s22] =	ssyncadd.s32 $0xFFFFC000  }
0x15a: {  	v10 =	vld [tilespmem:s23+$0x4060]  }
0x15b: {  	v11 =	vld [tilespmem:s23+$0x4050]  }
0x15c: {  	v59 =	vld [tilespmem:s23+$0x4040]  }
0x15d: {  	v60 =	vld [tilespmem:s23+$0x4030]  }
0x15e: {  	v61 =	vld [tilespmem:s23+$0x4020]  }
0x15f: {  	v62 =	vld [tilespmem:s23+$0x4010]  }
0x160: {  	v63 =	vld [tilespmem:s23+$0x4000]  }
0x161: {  	v36 =	vld [tilespmem:s23+$0xFFFFC000]  }
0x162: {  	v37 =	vld [tilespmem:s23+$0x0]  }
0x163: {  	v38 =	vld [tilespmem:s23+$0xFFFFC010]  }
0x164: {  	v39 =	vld [tilespmem:s23+$0x10]  }
0x165: {  	v40 =	vld [tilespmem:s23+$0xFFFFC020]  }
0x166: {  	v41 =	vld [tilespmem:s23+$0x20]  }
0x167: {  	v23 =	vld [tilespmem:s23+$0xFFFFC030]  }
0x168: {  	v24 =	vld [tilespmem:s23+$0x30]  }
0x169: {  	v25 =	vld [tilespmem:s23+$0xFFFFC040]  }
0x16a: {  	v26 =	vld [tilespmem:s23+$0x40]  }
0x16b: {  	v27 =	vld [tilespmem:s23+$0xFFFFC050]  }
0x16c: {  	v28 =	vld [tilespmem:s23+$0x50]  }
0x16d: {  	v29 =	vld [tilespmem:s23+$0xFFFFC060]  }
0x16e: {  	v30 =	vld [tilespmem:s23+$0x60]  }
0x16f: {  	v31 =	vld [tilespmem:s23+$0xFFFFC070]  }
0x170: {  	v32 =	vld [tilespmem:s23+$0x70]  }
0x171: {  	v42 =	vld [tilespmem:s23+$0xFFFFFF80]  }
0x172: {  	v6 =	vsub.f32 $1.000000000e+00, v6;
	v33 =	vld [tilespmem:s23+$0x4070]  }
0x173: {  	v44 =	vld [tilespmem:s23+$0xFFFFBF80];
	v17 =	vmul.f32 v37, v36  }
0x174: {  	v6 =	vmax.f32 v6, $9.999999740e-06;
	v7 =	vsub.f32 $1.000000000e+00, v7;
	v8 =	vsub.f32 $1.000000000e+00, v8;
	v45 =	vld [tilespmem:s23+$0x3F80]  }
0x175: {  	v6 =	vmin.f32 v6, $1.000000000e+00;
	v46 =	vld [tilespmem:s23+$0xFFFFBF90];
	v43 =	vmul.f32 v39, v38;
	v16 =	vmul.f32 v63, v17  }
0x176: {  	v7 =	vmax.f32 v7, $9.999999740e-06;
	v2 =	vmul.f32 v6, v2;
	v8 =	vmax.f32 v8, $9.999999740e-06;
	v47 =	vld [tilespmem:s23+$0xFFFFFF90]  }
0x177: {  	v48 =	vld [tilespmem:s23+$0x3F90];
	v21 =	vmul.f32 v41, v40;
	v15 =	vmul.f32 v62, v43;
	v16 =	vadd.f32 $0.0e+00, v16  }
0x178: {  	v1 =	vadd.f32 v2, v1;
	v2 =	vmin.f32 v7, $1.000000000e+00;
	v8 =	vmin.f32 v8, $1.000000000e+00;
	v50 =	vld [tilespmem:s23+$0xFFFFBFA0]  }
0x179: {  	v7 =	vld [tilespmem:s23+$0xFFFFFFA0];
	v49 =	vmul.f32 v24, v23;
	v14 =	vmul.f32 v61, v21;
	v6 =	vadd.f32 v15, v16  }
0x17a: {  	v2 =	vmul.f32 v2, v3;
	v8 =	vmul.f32 v8, v4;
	v51 =	vld [tilespmem:s23+$0x3FA0]  }
0x17b: {  	v53 =	vld [tilespmem:s23+$0xFFFFBFB0];
	v54 =	vmul.f32 v28, v27;
	v3 =	vadd.f32 v14, v6;
	v6 =	vmul.f32 v60, v49  }
0x17c: {  	v1 =	vadd.f32 v2, v1;
	v56 =	vld [tilespmem:s23+$0xFFFFBFC0];
	v52 =	vmul.f32 v26, v25;
	v57 =	vmul.f32 v30, v29  }
0x17d: {  	v4 =	vmul.f32 v11, v54;
	v11 =	vld [tilespmem:s23+$0xFFFFFFC0];
	v2 =	vadd.f32 v6, v3;
	v3 =	vmul.f32 v42, v44  }
0x17e: {  	v7 =	vmul.f32 v7, v50;
	v12 =	vmul.f32 v59, v52;
	v6 =	vld [tilespmem:s23+$0xFFFFFFB0]  }
0x17f: {  	v55 =	vld [tilespmem:s23+$0x3FB0];
	v17 =	vmul.f32 v47, v46;
	v3 =	vmul.f32 v45, v3  }
0x180: {  	v59 =	vld [tilespmem:s23+$0x3FC0];
	v10 =	vmul.f32 v10, v57;
	v2 =	vadd.f32 v12, v2  }
0x181: {  	v61 =	vld [tilespmem:s23+$0xFFFFFFD0];
	v7 =	vmul.f32 v51, v7;
	v58 =	vmul.f32 v48, v17;
	v3 =	vadd.f32 $0.0e+00, v3  }
0x182: {  	v60 =	vmul.f32 v32, v31;
	v2 =	vadd.f32 v4, v2;
	v4 =	vsub.f32 $1.000000000e+00, v9;
	v9 =	vld [tilespmem:s23+$0xFFFFBFD0]  }
0x183: {  	v62 =	vld [tilespmem:s23+$0x3FD0];
	v11 =	vmul.f32 v11, v56;
	v6 =	vmul.f32 v6, v53;
	v3 =	vadd.f32 v58, v3  }
0x184: {  	v12 =	vmul.f32 v33, v60;
	v4 =	vmax.f32 v4, $9.999999740e-06;
	v10 =	vadd.f32 v10, v2;
	v2 =	vld [tilespmem:s23+$0xFFFFBFE0]  }
0x185: {  	v63 =	vmin.f32 v4, $1.000000000e+00;
	v6 =	vmul.f32 v55, v6;
	v4 =	vld [tilespmem:s23+$0xFFFFFFE0];
	v7 =	vadd.f32 v7, v3  }
0x186: {  	v1 =	vadd.f32 v8, v1;
	v11 =	vmul.f32 v59, v11;
	v8 =	vmul.f32 v63, v5;
	v3 =	vld [tilespmem:s23+$0x3FE0]  }
0x187: {  	v10 =	vadd.f32 v12, v10;
	v5 =	vld [tilespmem:s23+$0xFFFFBFF0];
	v9 =	vmul.f32 v61, v9;
	v7 =	vadd.f32 v6, v7  }
0x188: {  	s1 =	simm.s32 $0x18A10;
	v6 =	vld [tilespmem:s23+$0xFFFFFFF0]  }
0x189: {  	s31 =	simm.s32 $0x0;
	s30 =	simm.s32 $0x18880;
	s20 =	simm.s32 $0x10980;
	v1 =	vadd.f32 v8, v1;
	[tilespmem:s1+$0x0] =	vst v10;
	v9 =	vmul.f32 v62, v9;
	v8 =	vadd.f32 v11, v7;
	v7 =	vld [tilespmem:s23+$0x3FF0]  }
.LBB2_6:
0x18a: {  	v10 =	vld [tilespmem:s20+$0x4060];
	v2 =	vmul.f32 v4, v2  }
0x18b: {  	v4 =	vld [tilespmem:s20+$0x4050];
	v8 =	vadd.f32 v9, v8  }
0x18c: {  	v9 =	vld [tilespmem:s20+$0x4040];
	v2 =	vmul.f32 v3, v2  }
0x18d: {  	v3 =	vld [tilespmem:s20+$0x4030];
	v5 =	vmul.f32 v6, v5  }
0x18e: {  	v6 =	vld [tilespmem:s20+$0x4020];
	v2 =	vadd.f32 v2, v8  }
0x18f: {  	v8 =	vld [tilespmem:s20+$0x4010];
	v5 =	vmul.f32 v7, v5  }
0x190: {  	v7 =	vld [tilespmem:s20+$0x4000]  }
0x191: {  	v11 =	vld [tilespmem:s20+$0xFFFFC000];
	v2 =	vadd.f32 v5, v2  }
0x192: {  	s31 =	sadd.s32 $0x2, s31;
	v5 =	vld [tilespmem:s20+$0x0]  }
0x193: {  	p0 =	slt.u32 s31, $0x7E;
	v12 =	vld [tilespmem:s20+$0xFFFFC010];
	[tilespmem:s1+$0xFFFFFFF0] =	vst v2  }
0x194: {  	v2 =	vld [tilespmem:s20+$0x10]  }
0x195: {  	v13 =	vld [tilespmem:s20+$0xFFFFC020]  }
0x196: {  	v14 =	vld [tilespmem:s20+$0x20]  }
0x197: {  	v5 =	vmul.f32 v5, v11;
	v11 =	vld [tilespmem:s20+$0xFFFFC030]  }
0x198: {  	v15 =	vld [tilespmem:s20+$0x30]  }
0x199: {  	v5 =	vmul.f32 v7, v5;
	v2 =	vmul.f32 v2, v12;
	v7 =	vld [tilespmem:s20+$0xFFFFC040]  }
0x19a: {  	v12 =	vld [tilespmem:s20+$0x40]  }
0x19b: {  	v5 =	vadd.f32 $0.0e+00, v5;
	v2 =	vmul.f32 v8, v2;
	v8 =	vmul.f32 v14, v13;
	v13 =	vld [tilespmem:s20+$0xFFFFC050]  }
0x19c: {  	v14 =	vld [tilespmem:s20+$0x50]  }
0x19d: {  	v2 =	vadd.f32 v2, v5;
	v5 =	vmul.f32 v6, v8;
	v6 =	vmul.f32 v15, v11;
	v8 =	vld [tilespmem:s20+$0xFFFFC060]  }
0x19e: {  	v11 =	vld [tilespmem:s20+$0x60]  }
0x19f: {  	v2 =	vadd.f32 v5, v2;
	v3 =	vmul.f32 v3, v6;
	v5 =	vmul.f32 v12, v7;
	v6 =	vld [tilespmem:s20+$0xFFFFC070]  }
0x1a0: {  	v7 =	vld [tilespmem:s20+$0x70]  }
0x1a1: {  	v12 =	vld [tilespmem:s20+$0xFFFFFF80];
	v2 =	vadd.f32 v3, v2;
	v3 =	vmul.f32 v9, v5;
	v5 =	vmul.f32 v14, v13  }
0x1a2: {  	v9 =	vld [tilespmem:s20+$0x4070]  }
0x1a3: {  	v13 =	vld [tilespmem:s20+$0xFFFFBF80];
	v2 =	vadd.f32 v3, v2;
	v3 =	vmul.f32 v4, v5;
	v4 =	vmul.f32 v11, v8  }
0x1a4: {  	v5 =	vld [tilespmem:s20+$0x3F80]  }
0x1a5: {  	v8 =	vld [tilespmem:s20+$0xFFFFBF90];
	v2 =	vadd.f32 v3, v2;
	v3 =	vmul.f32 v10, v4;
	v4 =	vmul.f32 v7, v6  }
0x1a6: {  	v6 =	vld [tilespmem:s20+$0xFFFFFF90]  }
0x1a7: {  	v7 =	vld [tilespmem:s20+$0x3F90];
	v2 =	vadd.f32 v3, v2;
	v3 =	vmul.f32 v9, v4  }
0x1a8: {  	v4 =	vmul.f32 v12, v13;
	v9 =	vld [tilespmem:s20+$0xFFFFBFA0]  }
0x1a9: {  	v10 =	vld [tilespmem:s20+$0xFFFFFFA0];
	v2 =	vadd.f32 v3, v2  }
0x1aa: {  	s1 =	sadd.s32 $0x20, s1;
	v3 =	vmul.f32 v5, v4;
	v4 =	vld [tilespmem:s20+$0x3FA0]  }
0x1ab: {  	s23 =	simm.s32 $0x0;
	v5 =	vmul.f32 v6, v8;
	v6 =	vld [tilespmem:s20+$0xFFFFBFB0];
	[tilespmem:s1+$0x0] =	vst v2  }
0x1ac: {  	v2 =	vadd.f32 $0.0e+00, v3;
	v3 =	vld [tilespmem:s20+$0xFFFFFFB0]  }
0x1ad: {  	v5 =	vmul.f32 v7, v5;
	v7 =	vld [tilespmem:s20+$0x3FB0]  }
0x1ae: {  	v8 =	vmul.f32 v10, v9;
	v9 =	vld [tilespmem:s20+$0xFFFFBFC0]  }
0x1af: {  	v2 =	vadd.f32 v5, v2;
	v5 =	vld [tilespmem:s20+$0xFFFFFFC0]  }
0x1b0: {  	v4 =	vmul.f32 v4, v8;
	v8 =	vld [tilespmem:s20+$0x3FC0]  }
0x1b1: {  	v3 =	vmul.f32 v3, v6;
	v6 =	vld [tilespmem:s20+$0xFFFFBFD0]  }
0x1b2: {  	v4 =	vadd.f32 v4, v2;
	v10 =	vld [tilespmem:s20+$0xFFFFFFD0]  }
0x1b3: {  	v3 =	vmul.f32 v7, v3;
	v7 =	vld [tilespmem:s20+$0x3FD0]  }
0x1b4: {  	v5 =	vmul.f32 v5, v9;
	v2 =	vld [tilespmem:s20+$0xFFFFBFE0]  }
.Ltmp2:
0x1b5: {  	v9 =	vadd.f32 v3, v4;
	v4 =	vld [tilespmem:s20+$0xFFFFFFE0];
	(pc) =	sbr.rel @p0 .LBB2_6-.Ltmp2, $4  }
0x1b6: {  	v8 =	vmul.f32 v8, v5;
	v3 =	vld [tilespmem:s20+$0x3FE0]  }
0x1b7: {  	v10 =	vmul.f32 v10, v6;
	v5 =	vld [tilespmem:s20+$0xFFFFBFF0]  }
0x1b8: {  	v8 =	vadd.f32 v8, v9;
	v6 =	vld [tilespmem:s20+$0xFFFFFFF0]  }
0x1b9: {  	v9 =	vmul.f32 v7, v10;
	v7 =	vld [tilespmem:s20+$0x3FF0];
	s20 =	sadd.s32 $0x100, s20  }
0x1ba: {  	_ = 	snop  }
0x1bb: {  	v2 =	vmul.f32 v4, v2  }
0x1bc: {  	v4 =	vadd.f32 v9, v8  }
0x1bd: {  	v2 =	vmul.f32 v3, v2;
	v3 =	vmul.f32 v6, v5;
	v5 =	vmov s23  }
0x1be: {  	v5 =	vshll.u32 v5, $0x4  }
0x1bf: {  	v2 =	vadd.f32 v2, v4;
	v3 =	vmul.f32 v7, v3;
	v4 =	vor.u32 v0, v5;
	_ =	sdelay $0x1  }
0x1c0: {  	v2 =	vadd.f32 v3, v2;
	v3 =	vor.u32 $0x1, v4;
	_ =	sdelay $0x1  }
0x1c1: {  	[tilespmem:s1+$0xFFFFFFF0] =	vst v2;
	v2 =	vor.u32 $0x2, v4  }
0x1c2: {  	v5 =	vld.idx.msk [tilespmem:v4+s26+$0x0], $0xffff  }
0x1c3: {  	v6 =	vor.u32 $0x3, v4  }
0x1c4: {  	v3 =	vld.idx.msk [tilespmem:v3+s26+$0x0], $0xffff  }
0x1c5: {  	v7 =	vor.u32 $0x4, v4  }
0x1c6: {  	v2 =	vld.idx.msk [tilespmem:v2+s26+$0x0], $0xffff  }
0x1c7: {  	v8 =	vor.u32 $0x5, v4;
	v5 =	vadd.f32 $0.0e+00, v5  }
0x1c8: {  	v6 =	vld.idx.msk [tilespmem:v6+s26+$0x0], $0xffff  }
0x1c9: {  	v9 =	vor.u32 $0x6, v4;
	v3 =	vadd.f32 v3, v5  }
0x1ca: {  	s31 =	simm.s32 $0x10;
	v5 =	vld.idx.msk [tilespmem:v7+s26+$0x0], $0xffff  }
0x1cb: {  	v10 =	vmov s31;
	v7 =	vor.u32 $0x7, v4;
	v2 =	vadd.f32 v2, v3  }
0x1cc: {  	v3 =	vld.idx.msk [tilespmem:v8+s26+$0x0], $0xffff;
	v8 =	vshll.u32 v10, $0x4;
	v10 =	vor.u32 $0x8, v4  }
0x1cd: {  	v8 =	vor.u32 v0, v8;
	v2 =	vadd.f32 v6, v2  }
0x1ce: {  	v6 =	vld.idx.msk [tilespmem:v9+s26+$0x0], $0xffff;
	v9 =	vor.u32 $0x9, v4  }
0x1cf: {  	v11 =	vor.u32 $0x1, v8;
	v2 =	vadd.f32 v5, v2  }
0x1d0: {  	v5 =	vld.idx.msk [tilespmem:v7+s26+$0x0], $0xffff;
	v7 =	vor.u32 $0xA, v4  }
0x1d1: {  	v12 =	vor.u32 $0x2, v8;
	v2 =	vadd.f32 v3, v2;
	v3 =	vld.idx.msk [tilespmem:v10+s26+$0x0], $0xffff  }
0x1d2: {  	v13 =	vor.u32 $0xB, v4;
	v10 =	vld.idx.msk [tilespmem:v8+s26+$0x0], $0xffff  }
0x1d3: {  	v14 =	vor.u32 $0x3, v8;
	v2 =	vadd.f32 v6, v2;
	v6 =	vld.idx.msk [tilespmem:v9+s26+$0x0], $0xffff  }
0x1d4: {  	v15 =	vor.u32 $0x4, v8;
	v9 =	vld.idx.msk [tilespmem:v11+s26+$0x0], $0xffff  }
0x1d5: {  	v11 =	vor.u32 $0xC, v4;
	v2 =	vadd.f32 v5, v2;
	v5 =	vld.idx.msk [tilespmem:v7+s26+$0x0], $0xffff  }
0x1d6: {  	v7 =	vld.idx.msk [tilespmem:v12+s26+$0x0], $0xffff;
	v12 =	vor.u32 $0xD, v4  }
0x1d7: {  	v16 =	vor.u32 $0x5, v8;
	v10 =	vadd.f32 $0.0e+00, v10;
	v2 =	vadd.f32 v3, v2;
	v3 =	vld.idx.msk [tilespmem:v13+s26+$0x0], $0xffff  }
0x1d8: {  	v13 =	vld.idx.msk [tilespmem:v14+s26+$0x0], $0xffff;
	v14 =	vor.u32 $0xE, v4  }
0x1d9: {  	v17 =	vor.u32 $0x6, v8;
	v9 =	vadd.f32 v9, v10;
	v10 =	vld.idx.msk [tilespmem:v15+s26+$0x0], $0xffff;
	v2 =	vadd.f32 v6, v2  }
0x1da: {  	s20 =	simm.s32 $0x20;
	v4 =	vor.u32 $0xF, v4;
	v6 =	vld.idx.msk [tilespmem:v11+s26+$0x0], $0xffff;
	v11 =	vor.u32 $0x7, v8  }
0x1db: {  	v7 =	vadd.f32 v7, v9;
	v2 =	vadd.f32 v5, v2;
	v5 =	vld.idx.msk [tilespmem:v12+s26+$0x0], $0xffff;
	v12 =	vmov s20  }
0x1dc: {  	v15 =	vor.u32 $0x8, v8;
	v9 =	vld.idx.msk [tilespmem:v16+s26+$0x0], $0xffff;
	v12 =	vshll.u32 v12, $0x4  }
0x1dd: {  	v7 =	vadd.f32 v13, v7;
	v2 =	vadd.f32 v3, v2;
	v3 =	vld.idx.msk [tilespmem:v14+s26+$0x0], $0xffff;
	v14 =	vor.u32 v0, v12  }
0x1de: {  	v13 =	vor.u32 $0x9, v8;
	v12 =	vld.idx.msk [tilespmem:v17+s26+$0x0], $0xffff  }
0x1df: {  	v4 =	vld.idx.msk [tilespmem:v4+s26+$0x0], $0xffff;
	v7 =	vadd.f32 v10, v7;
	v2 =	vadd.f32 v6, v2;
	v6 =	vor.u32 $0x1, v14  }
0x1e0: {  	v10 =	vld.idx.msk [tilespmem:v11+s26+$0x0], $0xffff;
	v11 =	vor.u32 $0xA, v8  }
0x1e1: {  	v7 =	vadd.f32 v9, v7;
	v9 =	vld.idx.msk [tilespmem:v15+s26+$0x0], $0xffff;
	v2 =	vadd.f32 v5, v2;
	v5 =	vor.u32 $0x2, v14  }
0x1e2: {  	v16 =	vor.u32 $0xB, v8;
	v15 =	vld.idx.msk [tilespmem:v14+s26+$0x0], $0xffff  }
0x1e3: {  	v7 =	vadd.f32 v12, v7;
	v12 =	vld.idx.msk [tilespmem:v13+s26+$0x0], $0xffff;
	v2 =	vadd.f32 v3, v2;
	v3 =	vor.u32 $0x3, v14  }
0x1e4: {  	v13 =	vor.u32 $0xC, v8;
	v6 =	vld.idx.msk [tilespmem:v6+s26+$0x0], $0xffff  }
0x1e5: {  	v7 =	vadd.f32 v10, v7;
	v10 =	vld.idx.msk [tilespmem:v11+s26+$0x0], $0xffff;
	v2 =	vadd.f32 v4, v2;
	v4 =	vor.u32 $0x4, v14  }
0x1e6: {  	v11 =	vor.u32 $0xD, v8;
	v5 =	vld.idx.msk [tilespmem:v5+s26+$0x0], $0xffff  }
0x1e7: {  	v17 =	vor.u32 $0x5, v14;
	v7 =	vadd.f32 v9, v7;
	v9 =	vld.idx.msk [tilespmem:v16+s26+$0x0], $0xffff;
	v2 =	vsub.f32 $0.0e+00, v2  }
0x1e8: {  	v16 =	vor.u32 $0xE, v8;
	v15 =	vadd.f32 $0.0e+00, v15;
	v3 =	vld.idx.msk [tilespmem:v3+s26+$0x0], $0xffff  }
0x1e9: {  	v8 =	vor.u32 $0xF, v8;
	v7 =	vadd.f32 v12, v7;
	v12 =	vld.idx.msk [tilespmem:v13+s26+$0x0], $0xffff;
	v2 =	vmul.f32 $1.442695020e+00, v2  }
0x1ea: {  	v18 =	vor.u32 $0x6, v14;
	v6 =	vadd.f32 v6, v15;
	v4 =	vld.idx.msk [tilespmem:v4+s26+$0x0], $0xffff  }
0x1eb: {  	s23 =	simm.s32 $0x30;
	v13 =	vor.u32 $0x7, v14;
	(erf) = vpow2.f32 v2;
	v2 =	vadd.f32 v10, v7;
	v7 =	vld.idx.msk [tilespmem:v11+s26+$0x0], $0xffff  }
0x1ec: {  	v10 =	vmov s23;
	v5 =	vadd.f32 v5, v6;
	v6 =	vld.idx.msk [tilespmem:v17+s26+$0x0], $0xffff  }
0x1ed: {  	v11 =	vor.u32 $0x8, v14;
	v15 =	vld.idx.msk [tilespmem:v16+s26+$0x0], $0xffff;
	v10 =	vshll.u32 v10, $0x4;
	v9 =	vadd.f32 v9, v2  }
0x1ee: {  	v8 =	vld.idx.msk [tilespmem:v8+s26+$0x0], $0xffff;
	v2 =	vor.u32 v0, v10;
	v3 =	vadd.f32 v3, v5  }
0x1ef: {  	v5 =	vld.idx.msk [tilespmem:v18+s26+$0x0], $0xffff;
	v10 =	vor.u32 $0x9, v14;
	v9 =	vadd.f32 v12, v9  }
0x1f0: {  	v3 =	vadd.f32 v4, v3;
	v4 =	vld.idx.msk [tilespmem:v13+s26+$0x0], $0xffff;
	v13 =	vor.u32 $0xA, v14  }
0x1f1: {  	v12 =	vor.u32 $0x1, v2;
	v7 =	vadd.f32 v7, v9;
	v9 =	vld [tilespmem:s30+$0x0]  }
0x1f2: {  	v16 =	vor.u32 $0x2, v2;
	v3 =	vadd.f32 v6, v3;
	v6 =	vld.idx.msk [tilespmem:v11+s26+$0x0], $0xffff  }
0x1f3: {  	v17 =	vor.u32 $0xB, v14;
	v11 =	vld.idx.msk [tilespmem:v2+s26+$0x0], $0xffff;
	v7 =	vadd.f32 v15, v7  }
0x1f4: {  	v62 =	vor.u32 $0x3, v2;
	v3 =	vadd.f32 v5, v3;
	v5 =	vld.idx.msk [tilespmem:v10+s26+$0x0], $0xffff;
	v15 =	vpop (erf)  }
0x1f5: {  	v19 =	vor.u32 $0xC, v14;
	v20 =	vld.idx.msk [tilespmem:v13+s26+$0x0], $0xffff;
	v10 =	vsub.f32 $1.000000000e+00, v15;
	v7 =	vadd.f32 v8, v7  }
0x1f6: {  	v15 =	vld.idx.msk [tilespmem:v12+s26+$0x0], $0xffff;
	v8 =	vor.u32 $0x4, v2;
	v3 =	vadd.f32 v4, v3  }
0x1f7: {  	v4 =	vmax.f32 v10, $9.999999740e-06;
	v10 =	vld.idx.msk [tilespmem:v16+s26+$0x0], $0xffff;
	v16 =	vor.u32 $0xD, v14;
	v13 =	vsub.f32 $0.0e+00, v7  }
0x1f8: {  	v21 =	vor.u32 $0x5, v2;
	v12 =	vor.u32 $0xE, v14;
	v6 =	vadd.f32 v6, v3;
	v3 =	vld.idx.msk [tilespmem:v17+s26+$0x0], $0xffff  }
0x1f9: {  	v17 =	vadd.f32 $0.0e+00, v11;
	v7 =	vld.idx.msk [tilespmem:v62+s26+$0x0], $0xffff;
	v4 =	vmin.f32 v4, $1.000000000e+00;
	v63 =	vmul.f32 $1.442695020e+00, v13  }
0x1fa: {  	v11 =	vor.u32 $0x6, v2;
	v9 =	vmul.f32 v4, v9;
	v6 =	vadd.f32 v5, v6;
	v4 =	vld.idx.msk [tilespmem:v19+s26+$0x0], $0xffff  }
0x1fb: {  	v13 =	vor.u32 $0xF, v14;
	v17 =	vadd.f32 v15, v17;
	v8 =	vld.idx.msk [tilespmem:v8+s26+$0x0], $0xffff;
	(erf) = vpow2.f32 v63  }
0x1fc: {  	s31 =	simm.s32 $0x40;
	v1 =	vadd.f32 v9, v1;
	v9 =	vor.u32 $0x7, v2;
	v6 =	vadd.f32 v20, v6;
	v5 =	vld.idx.msk [tilespmem:v16+s26+$0x0], $0xffff  }
0x1fd: {  	s1 =	simm.s32 $0x50;
	v15 =	vmov s31;
	v14 =	vadd.f32 v10, v17;
	v10 =	vld.idx.msk [tilespmem:v21+s26+$0x0], $0xffff  }
.LBB2_8:
0x1fe: {  	p0 =	sne.s32 s1, $0x70;
	v15 =	vshll.u32 v15, $0x4;
	v16 =	vor.u32 $0x8, v2;
	v3 =	vadd.f32 v3, v6;
	v6 =	vld.idx.msk [tilespmem:v12+s26+$0x0], $0xffff  }
0x1ff: {  	v15 =	vor.u32 v0, v15;
	v7 =	vadd.f32 v7, v14;
	v11 =	vld.idx.msk [tilespmem:v11+s26+$0x0], $0xffff  }
0x200: {  	v12 =	vor.u32 $0x9, v2;
	v3 =	vadd.f32 v4, v3;
	v4 =	vld.idx.msk [tilespmem:v13+s26+$0x0], $0xffff  }
0x201: {  	s30 =	sadd.s32 $0x10, s30;
	v13 =	vor.u32 $0x1, v15;
	v7 =	vadd.f32 v8, v7;
	v8 =	vld.idx.msk [tilespmem:v9+s26+$0x0], $0xffff  }
0x202: {  	v9 =	vor.u32 $0xA, v2;
	v3 =	vadd.f32 v5, v3;
	v5 =	vld [tilespmem:s30+$0x0]  }
0x203: {  	v14 =	vor.u32 $0x2, v15;
	v7 =	vadd.f32 v10, v7;
	v10 =	vld.idx.msk [tilespmem:v16+s26+$0x0], $0xffff  }
0x204: {  	v17 =	vor.u32 $0xB, v2;
	v16 =	vld.idx.msk [tilespmem:v15+s26+$0x0], $0xffff;
	v3 =	vadd.f32 v6, v3;
	v6 =	vpop (erf)  }
0x205: {  	v18 =	vor.u32 $0x3, v15;
	v7 =	vadd.f32 v11, v7;
	v19 =	vld.idx.msk [tilespmem:v12+s26+$0x0], $0xffff;
	v6 =	vsub.f32 $1.000000000e+00, v6  }
0x206: {  	v20 =	vor.u32 $0xC, v2;
	v13 =	vld.idx.msk [tilespmem:v13+s26+$0x0], $0xffff;
	v3 =	vadd.f32 v4, v3  }
0x207: {  	v21 =	vor.u32 $0x4, v15;
	v4 =	vadd.f32 v8, v7;
	v22 =	vld.idx.msk [tilespmem:v9+s26+$0x0], $0xffff;
	v6 =	vmax.f32 v6, $9.999999740e-06  }
0x208: {  	v23 =	vor.u32 $0xD, v2;
	v14 =	vld.idx.msk [tilespmem:v14+s26+$0x0], $0xffff;
	v8 =	vsub.f32 $0.0e+00, v3;
	v6 =	vmin.f32 v6, $1.000000000e+00  }
0x209: {  	v24 =	vor.u32 $0x5, v15;
	v4 =	vadd.f32 v10, v4;
	v3 =	vld.idx.msk [tilespmem:v17+s26+$0x0], $0xffff;
	v5 =	vmul.f32 v6, v5  }
.Ltmp3:
0x20a: {  	v12 =	vor.u32 $0xE, v2;
	v6 =	vadd.f32 $0.0e+00, v16;
	v7 =	vld.idx.msk [tilespmem:v18+s26+$0x0], $0xffff;
	v9 =	vmul.f32 $1.442695020e+00, v8;
	(pc) =	sbr.rel @p0 .LBB2_8-.Ltmp3, $4  }
0x20b: {  	v11 =	vor.u32 $0x6, v15;
	v10 =	vadd.f32 v19, v4;
	v4 =	vld.idx.msk [tilespmem:v20+s26+$0x0], $0xffff;
	v1 =	vadd.f32 v5, v1  }
0x20c: {  	v16 =	vadd.f32 v13, v6;
	v13 =	vor.u32 $0xF, v2;
	v2 =	vmovc v15;
	v8 =	vld.idx.msk [tilespmem:v21+s26+$0x0], $0xffff;
	(erf) = vpow2.f32 v9  }
0x20d: {  	v9 =	vor.u32 $0x7, v2;
	v6 =	vadd.f32 v22, v10;
	v5 =	vld.idx.msk [tilespmem:v23+s26+$0x0], $0xffff  }
0x20e: {  	v15 =	vmov s1;
	s1 =	sadd.s32 $0x10, s1;
	v14 =	vadd.f32 v14, v16;
	v10 =	vld.idx.msk [tilespmem:v24+s26+$0x0], $0xffff  }
0x20f: {  	v15 =	vshll.u32 v15, $0x4  }
0x210: {  	v15 =	vor.u32 v0, v15;
	_ =	sdelay $0x1  }
0x211: {  	v16 =	vor.u32 $0x1, v15;
	_ =	sdelay $0x1  }
0x212: {  	v17 =	vor.u32 $0x2, v15  }
0x213: {  	v18 =	vld.idx.msk [tilespmem:v15+s26+$0x0], $0xffff  }
0x214: {  	v19 =	vor.u32 $0x3, v15  }
0x215: {  	v16 =	vld.idx.msk [tilespmem:v16+s26+$0x0], $0xffff  }
0x216: {  	v20 =	vor.u32 $0x4, v15  }
0x217: {  	v17 =	vld.idx.msk [tilespmem:v17+s26+$0x0], $0xffff  }
0x218: {  	v21 =	vor.u32 $0x5, v15;
	v18 =	vadd.f32 $0.0e+00, v18  }
0x219: {  	v19 =	vld.idx.msk [tilespmem:v19+s26+$0x0], $0xffff  }
0x21a: {  	v12 =	vld.idx.msk [tilespmem:v12+s26+$0x0], $0xffff;
	v22 =	vor.u32 $0x6, v15;
	v16 =	vadd.f32 v16, v18  }
0x21b: {  	v41 =	vld.idx.msk [tilespmem:v20+s26+$0x0], $0xffff  }
0x21c: {  	v11 =	vld.idx.msk [tilespmem:v11+s26+$0x0], $0xffff;
	v42 =	vor.u32 $0x7, v15;
	v16 =	vadd.f32 v17, v16  }
0x21d: {  	v43 =	vor.u32 $0x8, v2;
	v7 =	vadd.f32 v7, v14;
	v44 =	vld.idx.msk [tilespmem:v21+s26+$0x0], $0xffff  }
0x21e: {  	v13 =	vld.idx.msk [tilespmem:v13+s26+$0x0], $0xffff;
	v45 =	vor.u32 $0x8, v15;
	v16 =	vadd.f32 v19, v16  }
0x21f: {  	v46 =	vor.u32 $0x9, v2;
	v7 =	vadd.f32 v8, v7;
	v8 =	vld.idx.msk [tilespmem:v22+s26+$0x0], $0xffff  }
0x220: {  	v9 =	vld.idx.msk [tilespmem:v9+s26+$0x0], $0xffff;
	v47 =	vor.u32 $0x9, v15;
	v16 =	vadd.f32 v41, v16  }
0x221: {  	v48 =	vor.u32 $0xA, v2;
	v7 =	vadd.f32 v10, v7;
	v10 =	vld.idx.msk [tilespmem:v42+s26+$0x0], $0xffff  }
0x222: {  	v49 =	vor.u32 $0xA, v15;
	v17 =	vld.idx.msk [tilespmem:v43+s26+$0x0], $0xffff;
	v14 =	vadd.f32 v44, v16  }
0x223: {  	v50 =	vor.u32 $0xB, v2;
	v7 =	vadd.f32 v11, v7;
	v11 =	vld.idx.msk [tilespmem:v45+s26+$0x0], $0xffff  }
0x224: {  	v51 =	vor.u32 $0xB, v15;
	v19 =	vld.idx.msk [tilespmem:v46+s26+$0x0], $0xffff;
	v8 =	vadd.f32 v8, v14  }
0x225: {  	v52 =	vor.u32 $0xC, v2;
	v7 =	vadd.f32 v9, v7;
	v9 =	vld.idx.msk [tilespmem:v47+s26+$0x0], $0xffff  }
0x226: {  	v53 =	vor.u32 $0xC, v15;
	v18 =	vld.idx.msk [tilespmem:v48+s26+$0x0], $0xffff;
	v8 =	vadd.f32 v10, v8  }
0x227: {  	v54 =	vld.idx.msk [tilespmem:v49+s26+$0x0], $0xffff;
	v7 =	vadd.f32 v17, v7;
	v10 =	vor.u32 $0xD, v2  }
0x228: {  	v55 =	vor.u32 $0xD, v15;
	v16 =	vld.idx.msk [tilespmem:v50+s26+$0x0], $0xffff;
	v8 =	vadd.f32 v11, v8  }
0x229: {  	v56 =	vld.idx.msk [tilespmem:v51+s26+$0x0], $0xffff;
	v7 =	vadd.f32 v19, v7;
	v11 =	vor.u32 $0xE, v2  }
0x22a: {  	v57 =	vor.u32 $0xE, v15;
	v14 =	vld.idx.msk [tilespmem:v52+s26+$0x0], $0xffff;
	v8 =	vadd.f32 v9, v8  }
0x22b: {  	v7 =	vadd.f32 v18, v7;
	v2 =	vor.u32 $0xF, v2;
	v9 =	vld.idx.msk [tilespmem:v53+s26+$0x0], $0xffff  }
0x22c: {  	v3 =	vadd.f32 v3, v6;
	v6 =	vld.idx.msk [tilespmem:v10+s26+$0x0], $0xffff;
	v10 =	vor.u32 $0xF, v15;
	v8 =	vadd.f32 v54, v8  }
0x22d: {  	v58 =	vld.idx.msk [tilespmem:v55+s26+$0x0], $0xffff;
	v7 =	vadd.f32 v16, v7  }
0x22e: {  	v3 =	vadd.f32 v4, v3;
	v4 =	vld.idx.msk [tilespmem:v11+s26+$0x0], $0xffff;
	v8 =	vadd.f32 v56, v8  }
0x22f: {  	v7 =	vadd.f32 v14, v7;
	v11 =	vld.idx.msk [tilespmem:v57+s26+$0x0], $0xffff  }
0x230: {  	v3 =	vadd.f32 v5, v3;
	v2 =	vld.idx.msk [tilespmem:v2+s26+$0x0], $0xffff;
	v5 =	vadd.f32 v9, v8  }
0x231: {  	v6 =	vadd.f32 v6, v7;
	v7 =	vld.idx.msk [tilespmem:v10+s26+$0x0], $0xffff  }
0x232: {  	v3 =	vadd.f32 v12, v3;
	v5 =	vadd.f32 v58, v5  }
0x233: {  	v4 =	vadd.f32 v4, v6  }
0x234: {  	v3 =	vadd.f32 v13, v3;
	v5 =	vadd.f32 v11, v5  }
0x235: {  	v2 =	vadd.f32 v2, v4  }
0x236: {  	v3 =	vsub.f32 $0.0e+00, v3;
	v4 =	vadd.f32 v7, v5  }
0x237: {  	v2 =	vsub.f32 $0.0e+00, v2  }
0x238: {  	v3 =	vmul.f32 $1.442695020e+00, v3;
	v4 =	vsub.f32 $0.0e+00, v4  }
0x239: {  	v2 =	vmul.f32 $1.442695020e+00, v2  }
0x23a: {  	(erf) = vpow2.f32 v3;
	v3 =	vmul.f32 $1.442695020e+00, v4  }
0x23b: {  	(erf) = vpow2.f32 v2  }
0x23c: {  	(erf) = vpow2.f32 v3  }
0x23d: {  	s1 =	sadd.s32 $0x10, s30  }
0x23e: {  	v2 =	vld [tilespmem:s1+$0x0];
	s1 =	sadd.s32 $0x10, s1  }
0x23f: {  	v3 =	vld [tilespmem:s1+$0x0];
	s1 =	sadd.s32 $0x10, s1  }
0x240: {  	s23 =	simm.s32 $0x480;
	s20 =	simm.s32 $0xC800;
	v4 =	vld [tilespmem:s1+$0x0];
	s1 =	sadd.s32 $0x10, s1  }
0x241: {  	v5 =	vld [tilespmem:s1+$0x0];
	[tilespmem:s20], [sflag:$0x3] =	stream.indirect.gather [hbm4b:s2+s19], $0x80, s23, s19, $0xb8  }
0x242: {  	v6 =	vpop (erf);
	s23 =	simm.s32 $0x500  }
0x243: {  	v7 =	vpop (erf);
	[tilespmem:s24], [sflag:$0x3] =	stream.indirect.gather [hbm4b:s2+s19], $0x80, s23, s19, $0xb8;
	[tilespmem:$0x19280] =	vst v63  }
0x244: {  	s20 =	simm.s32 $0x580;
	v8 =	vpop (erf)  }
0x245: {  	[tilespmem:s25], [sflag:$0x3] =	stream.indirect.gather [hbm4b:s2+s19], $0x80, s20, s19, $0xb8;
	v9 =	vpop (erf);
	[tilespmem:$0x19280] =	vst v63  }
0x246: {  	_ =	swait.ge [sflag:s0], $0x4000  }
0x247: {  	[sflag:s0] =	ssyncset.done $0x0  }
0x248: {  	[sflag:s0] =	ssyncadd.s32 $0xFFFFC000  }
0x249: {  	_ =	swait.ge [sflag:s0], $0x4000  }
0x24a: {  	[sflag:s0] =	ssyncset.done $0x0  }
0x24b: {  	[sflag:s0] =	ssyncadd.s32 $0xFFFFC000  }
0x24c: {  	_ =	swait.ge [sflag:s0], $0x4000  }
0x24d: {  	[sflag:s0] =	ssyncset.done $0x0  }
0x24e: {  	s23 =	simm.s32 $0x4880;
	[sflag:s0] =	ssyncadd.s32 $0xFFFFC000  }
0x24f: {  	v10 =	vld [tilespmem:s23+$0x4060]  }
0x250: {  	v11 =	vld [tilespmem:s23+$0x4050]  }
0x251: {  	v59 =	vld [tilespmem:s23+$0x4040]  }
0x252: {  	v60 =	vld [tilespmem:s23+$0x4030]  }
0x253: {  	v61 =	vld [tilespmem:s23+$0x4020]  }
0x254: {  	v62 =	vld [tilespmem:s23+$0x4010]  }
0x255: {  	v63 =	vld [tilespmem:s23+$0x4000]  }
0x256: {  	v36 =	vld [tilespmem:s23+$0xFFFFC000]  }
0x257: {  	v37 =	vld [tilespmem:s23+$0x0]  }
0x258: {  	v38 =	vld [tilespmem:s23+$0xFFFFC010]  }
0x259: {  	v39 =	vld [tilespmem:s23+$0x10]  }
0x25a: {  	v40 =	vld [tilespmem:s23+$0xFFFFC020]  }
0x25b: {  	v41 =	vld [tilespmem:s23+$0x20]  }
0x25c: {  	v23 =	vld [tilespmem:s23+$0xFFFFC030]  }
0x25d: {  	v24 =	vld [tilespmem:s23+$0x30]  }
0x25e: {  	v25 =	vld [tilespmem:s23+$0xFFFFC040]  }
0x25f: {  	v26 =	vld [tilespmem:s23+$0x40]  }
0x260: {  	v27 =	vld [tilespmem:s23+$0xFFFFC050]  }
0x261: {  	v28 =	vld [tilespmem:s23+$0x50]  }
0x262: {  	v29 =	vld [tilespmem:s23+$0xFFFFC060]  }
0x263: {  	v30 =	vld [tilespmem:s23+$0x60]  }
0x264: {  	v31 =	vld [tilespmem:s23+$0xFFFFC070]  }
0x265: {  	v32 =	vld [tilespmem:s23+$0x70]  }
0x266: {  	v42 =	vld [tilespmem:s23+$0xFFFFFF80]  }
0x267: {  	v6 =	vsub.f32 $1.000000000e+00, v6;
	v33 =	vld [tilespmem:s23+$0x4070]  }
0x268: {  	v44 =	vld [tilespmem:s23+$0xFFFFBF80];
	v17 =	vmul.f32 v37, v36  }
0x269: {  	v6 =	vmax.f32 v6, $9.999999740e-06;
	v7 =	vsub.f32 $1.000000000e+00, v7;
	v8 =	vsub.f32 $1.000000000e+00, v8;
	v45 =	vld [tilespmem:s23+$0x3F80]  }
0x26a: {  	v6 =	vmin.f32 v6, $1.000000000e+00;
	v46 =	vld [tilespmem:s23+$0xFFFFBF90];
	v43 =	vmul.f32 v39, v38;
	v16 =	vmul.f32 v63, v17  }
0x26b: {  	v7 =	vmax.f32 v7, $9.999999740e-06;
	v2 =	vmul.f32 v6, v2;
	v8 =	vmax.f32 v8, $9.999999740e-06;
	v47 =	vld [tilespmem:s23+$0xFFFFFF90]  }
0x26c: {  	v48 =	vld [tilespmem:s23+$0x3F90];
	v21 =	vmul.f32 v41, v40;
	v15 =	vmul.f32 v62, v43;
	v16 =	vadd.f32 $0.0e+00, v16  }
0x26d: {  	v1 =	vadd.f32 v2, v1;
	v2 =	vmin.f32 v7, $1.000000000e+00;
	v8 =	vmin.f32 v8, $1.000000000e+00;
	v50 =	vld [tilespmem:s23+$0xFFFFBFA0]  }
0x26e: {  	v7 =	vld [tilespmem:s23+$0xFFFFFFA0];
	v49 =	vmul.f32 v24, v23;
	v14 =	vmul.f32 v61, v21;
	v6 =	vadd.f32 v15, v16  }
0x26f: {  	v2 =	vmul.f32 v2, v3;
	v8 =	vmul.f32 v8, v4;
	v51 =	vld [tilespmem:s23+$0x3FA0]  }
0x270: {  	v53 =	vld [tilespmem:s23+$0xFFFFBFB0];
	v54 =	vmul.f32 v28, v27;
	v3 =	vadd.f32 v14, v6;
	v6 =	vmul.f32 v60, v49  }
0x271: {  	v1 =	vadd.f32 v2, v1;
	v56 =	vld [tilespmem:s23+$0xFFFFBFC0];
	v52 =	vmul.f32 v26, v25;
	v57 =	vmul.f32 v30, v29  }
0x272: {  	v4 =	vmul.f32 v11, v54;
	v11 =	vld [tilespmem:s23+$0xFFFFFFC0];
	v2 =	vadd.f32 v6, v3;
	v3 =	vmul.f32 v42, v44  }
0x273: {  	v7 =	vmul.f32 v7, v50;
	v12 =	vmul.f32 v59, v52;
	v6 =	vld [tilespmem:s23+$0xFFFFFFB0]  }
0x274: {  	v55 =	vld [tilespmem:s23+$0x3FB0];
	v17 =	vmul.f32 v47, v46;
	v3 =	vmul.f32 v45, v3  }
0x275: {  	v59 =	vld [tilespmem:s23+$0x3FC0];
	v10 =	vmul.f32 v10, v57;
	v2 =	vadd.f32 v12, v2  }
0x276: {  	v61 =	vld [tilespmem:s23+$0xFFFFFFD0];
	v7 =	vmul.f32 v51, v7;
	v58 =	vmul.f32 v48, v17;
	v3 =	vadd.f32 $0.0e+00, v3  }
0x277: {  	v60 =	vmul.f32 v32, v31;
	v2 =	vadd.f32 v4, v2;
	v4 =	vsub.f32 $1.000000000e+00, v9;
	v9 =	vld [tilespmem:s23+$0xFFFFBFD0]  }
0x278: {  	v62 =	vld [tilespmem:s23+$0x3FD0];
	v11 =	vmul.f32 v11, v56;
	v6 =	vmul.f32 v6, v53;
	v3 =	vadd.f32 v58, v3  }
0x279: {  	v12 =	vmul.f32 v33, v60;
	v4 =	vmax.f32 v4, $9.999999740e-06;
	v10 =	vadd.f32 v10, v2;
	v2 =	vld [tilespmem:s23+$0xFFFFBFE0]  }
0x27a: {  	v63 =	vmin.f32 v4, $1.000000000e+00;
	v6 =	vmul.f32 v55, v6;
	v4 =	vld [tilespmem:s23+$0xFFFFFFE0];
	v7 =	vadd.f32 v7, v3  }
0x27b: {  	v1 =	vadd.f32 v8, v1;
	v11 =	vmul.f32 v59, v11;
	v8 =	vmul.f32 v63, v5;
	v3 =	vld [tilespmem:s23+$0x3FE0]  }
0x27c: {  	v10 =	vadd.f32 v12, v10;
	v5 =	vld [tilespmem:s23+$0xFFFFBFF0];
	v9 =	vmul.f32 v61, v9;
	v7 =	vadd.f32 v6, v7  }
0x27d: {  	s1 =	simm.s32 $0x18A10;
	v6 =	vld [tilespmem:s23+$0xFFFFFFF0]  }
0x27e: {  	s31 =	simm.s32 $0x0;
	s30 =	simm.s32 $0x18900;
	s20 =	simm.s32 $0x4980;
	v1 =	vadd.f32 v8, v1;
	[tilespmem:s1+$0x0] =	vst v10;
	v9 =	vmul.f32 v62, v9;
	v8 =	vadd.f32 v11, v7;
	v7 =	vld [tilespmem:s23+$0x3FF0]  }
.LBB2_10:
0x27f: {  	v10 =	vld [tilespmem:s20+$0x4060];
	v2 =	vmul.f32 v4, v2  }
0x280: {  	v4 =	vld [tilespmem:s20+$0x4050];
	v8 =	vadd.f32 v9, v8  }
0x281: {  	v9 =	vld [tilespmem:s20+$0x4040];
	v2 =	vmul.f32 v3, v2  }
0x282: {  	v3 =	vld [tilespmem:s20+$0x4030];
	v5 =	vmul.f32 v6, v5  }
0x283: {  	v6 =	vld [tilespmem:s20+$0x4020];
	v2 =	vadd.f32 v2, v8  }
0x284: {  	v8 =	vld [tilespmem:s20+$0x4010];
	v5 =	vmul.f32 v7, v5  }
0x285: {  	v7 =	vld [tilespmem:s20+$0x4000]  }
0x286: {  	v11 =	vld [tilespmem:s20+$0xFFFFC000];
	v2 =	vadd.f32 v5, v2  }
0x287: {  	s31 =	sadd.s32 $0x2, s31;
	v5 =	vld [tilespmem:s20+$0x0]  }
0x288: {  	p0 =	slt.u32 s31, $0x7E;
	v12 =	vld [tilespmem:s20+$0xFFFFC010];
	[tilespmem:s1+$0xFFFFFFF0] =	vst v2  }
0x289: {  	v2 =	vld [tilespmem:s20+$0x10]  }
0x28a: {  	v13 =	vld [tilespmem:s20+$0xFFFFC020]  }
0x28b: {  	v14 =	vld [tilespmem:s20+$0x20]  }
0x28c: {  	v5 =	vmul.f32 v5, v11;
	v11 =	vld [tilespmem:s20+$0xFFFFC030]  }
0x28d: {  	v15 =	vld [tilespmem:s20+$0x30]  }
0x28e: {  	v5 =	vmul.f32 v7, v5;
	v2 =	vmul.f32 v2, v12;
	v7 =	vld [tilespmem:s20+$0xFFFFC040]  }
0x28f: {  	v12 =	vld [tilespmem:s20+$0x40]  }
0x290: {  	v5 =	vadd.f32 $0.0e+00, v5;
	v2 =	vmul.f32 v8, v2;
	v8 =	vmul.f32 v14, v13;
	v13 =	vld [tilespmem:s20+$0xFFFFC050]  }
0x291: {  	v14 =	vld [tilespmem:s20+$0x50]  }
0x292: {  	v2 =	vadd.f32 v2, v5;
	v5 =	vmul.f32 v6, v8;
	v6 =	vmul.f32 v15, v11;
	v8 =	vld [tilespmem:s20+$0xFFFFC060]  }
0x293: {  	v11 =	vld [tilespmem:s20+$0x60]  }
0x294: {  	v2 =	vadd.f32 v5, v2;
	v3 =	vmul.f32 v3, v6;
	v5 =	vmul.f32 v12, v7;
	v6 =	vld [tilespmem:s20+$0xFFFFC070]  }
0x295: {  	v7 =	vld [tilespmem:s20+$0x70]  }
0x296: {  	v12 =	vld [tilespmem:s20+$0xFFFFFF80];
	v2 =	vadd.f32 v3, v2;
	v3 =	vmul.f32 v9, v5;
	v5 =	vmul.f32 v14, v13  }
0x297: {  	v9 =	vld [tilespmem:s20+$0x4070]  }
0x298: {  	v13 =	vld [tilespmem:s20+$0xFFFFBF80];
	v2 =	vadd.f32 v3, v2;
	v3 =	vmul.f32 v4, v5;
	v4 =	vmul.f32 v11, v8  }
0x299: {  	v5 =	vld [tilespmem:s20+$0x3F80]  }
0x29a: {  	v8 =	vld [tilespmem:s20+$0xFFFFBF90];
	v2 =	vadd.f32 v3, v2;
	v3 =	vmul.f32 v10, v4;
	v4 =	vmul.f32 v7, v6  }
0x29b: {  	v6 =	vld [tilespmem:s20+$0xFFFFFF90]  }
0x29c: {  	v7 =	vld [tilespmem:s20+$0x3F90];
	v2 =	vadd.f32 v3, v2;
	v3 =	vmul.f32 v9, v4  }
0x29d: {  	v4 =	vmul.f32 v12, v13;
	v9 =	vld [tilespmem:s20+$0xFFFFBFA0]  }
0x29e: {  	v10 =	vld [tilespmem:s20+$0xFFFFFFA0];
	v2 =	vadd.f32 v3, v2  }
0x29f: {  	s1 =	sadd.s32 $0x20, s1;
	v3 =	vmul.f32 v5, v4;
	v4 =	vld [tilespmem:s20+$0x3FA0]  }
0x2a0: {  	s23 =	simm.s32 $0x0;
	v5 =	vmul.f32 v6, v8;
	v6 =	vld [tilespmem:s20+$0xFFFFBFB0];
	[tilespmem:s1+$0x0] =	vst v2  }
0x2a1: {  	v2 =	vadd.f32 $0.0e+00, v3;
	v3 =	vld [tilespmem:s20+$0xFFFFFFB0]  }
0x2a2: {  	v5 =	vmul.f32 v7, v5;
	v7 =	vld [tilespmem:s20+$0x3FB0]  }
0x2a3: {  	v8 =	vmul.f32 v10, v9;
	v9 =	vld [tilespmem:s20+$0xFFFFBFC0]  }
0x2a4: {  	v2 =	vadd.f32 v5, v2;
	v5 =	vld [tilespmem:s20+$0xFFFFFFC0]  }
0x2a5: {  	v4 =	vmul.f32 v4, v8;
	v8 =	vld [tilespmem:s20+$0x3FC0]  }
0x2a6: {  	v3 =	vmul.f32 v3, v6;
	v6 =	vld [tilespmem:s20+$0xFFFFBFD0]  }
0x2a7: {  	v4 =	vadd.f32 v4, v2;
	v10 =	vld [tilespmem:s20+$0xFFFFFFD0]  }
0x2a8: {  	v3 =	vmul.f32 v7, v3;
	v7 =	vld [tilespmem:s20+$0x3FD0]  }
0x2a9: {  	v5 =	vmul.f32 v5, v9;
	v2 =	vld [tilespmem:s20+$0xFFFFBFE0]  }
.Ltmp4:
0x2aa: {  	v9 =	vadd.f32 v3, v4;
	v4 =	vld [tilespmem:s20+$0xFFFFFFE0];
	(pc) =	sbr.rel @p0 .LBB2_10-.Ltmp4, $4  }
0x2ab: {  	v8 =	vmul.f32 v8, v5;
	v3 =	vld [tilespmem:s20+$0x3FE0]  }
0x2ac: {  	v10 =	vmul.f32 v10, v6;
	v5 =	vld [tilespmem:s20+$0xFFFFBFF0]  }
0x2ad: {  	v8 =	vadd.f32 v8, v9;
	v6 =	vld [tilespmem:s20+$0xFFFFFFF0]  }
0x2ae: {  	v9 =	vmul.f32 v7, v10;
	v7 =	vld [tilespmem:s20+$0x3FF0];
	s20 =	sadd.s32 $0x100, s20  }
0x2af: {  	_ = 	snop  }
0x2b0: {  	v2 =	vmul.f32 v4, v2  }
0x2b1: {  	v4 =	vadd.f32 v9, v8  }
0x2b2: {  	v2 =	vmul.f32 v3, v2;
	v3 =	vmul.f32 v6, v5;
	v5 =	vmov s23  }
0x2b3: {  	v5 =	vshll.u32 v5, $0x4  }
0x2b4: {  	v2 =	vadd.f32 v2, v4;
	v3 =	vmul.f32 v7, v3;
	v4 =	vor.u32 v0, v5;
	_ =	sdelay $0x1  }
0x2b5: {  	v2 =	vadd.f32 v3, v2;
	v3 =	vor.u32 $0x1, v4;
	_ =	sdelay $0x1  }
0x2b6: {  	[tilespmem:s1+$0xFFFFFFF0] =	vst v2;
	v2 =	vor.u32 $0x2, v4  }
0x2b7: {  	v5 =	vld.idx.msk [tilespmem:v4+s26+$0x0], $0xffff  }
0x2b8: {  	v6 =	vor.u32 $0x3, v4  }
0x2b9: {  	v3 =	vld.idx.msk [tilespmem:v3+s26+$0x0], $0xffff  }
0x2ba: {  	v7 =	vor.u32 $0x4, v4  }
0x2bb: {  	v2 =	vld.idx.msk [tilespmem:v2+s26+$0x0], $0xffff  }
0x2bc: {  	v8 =	vor.u32 $0x5, v4;
	v5 =	vadd.f32 $0.0e+00, v5  }
0x2bd: {  	v6 =	vld.idx.msk [tilespmem:v6+s26+$0x0], $0xffff  }
0x2be: {  	v9 =	vor.u32 $0x6, v4;
	v3 =	vadd.f32 v3, v5  }
0x2bf: {  	s31 =	simm.s32 $0x10;
	v5 =	vld.idx.msk [tilespmem:v7+s26+$0x0], $0xffff  }
0x2c0: {  	v10 =	vmov s31;
	v7 =	vor.u32 $0x7, v4;
	v2 =	vadd.f32 v2, v3  }
0x2c1: {  	v3 =	vld.idx.msk [tilespmem:v8+s26+$0x0], $0xffff;
	v8 =	vshll.u32 v10, $0x4;
	v10 =	vor.u32 $0x8, v4  }
0x2c2: {  	v8 =	vor.u32 v0, v8;
	v2 =	vadd.f32 v6, v2  }
0x2c3: {  	v6 =	vld.idx.msk [tilespmem:v9+s26+$0x0], $0xffff;
	v9 =	vor.u32 $0x9, v4  }
0x2c4: {  	v11 =	vor.u32 $0x1, v8;
	v2 =	vadd.f32 v5, v2  }
0x2c5: {  	v5 =	vld.idx.msk [tilespmem:v7+s26+$0x0], $0xffff;
	v7 =	vor.u32 $0xA, v4  }
0x2c6: {  	v12 =	vor.u32 $0x2, v8;
	v2 =	vadd.f32 v3, v2;
	v3 =	vld.idx.msk [tilespmem:v10+s26+$0x0], $0xffff  }
0x2c7: {  	v13 =	vor.u32 $0xB, v4;
	v10 =	vld.idx.msk [tilespmem:v8+s26+$0x0], $0xffff  }
0x2c8: {  	v14 =	vor.u32 $0x3, v8;
	v2 =	vadd.f32 v6, v2;
	v6 =	vld.idx.msk [tilespmem:v9+s26+$0x0], $0xffff  }
0x2c9: {  	v15 =	vor.u32 $0x4, v8;
	v9 =	vld.idx.msk [tilespmem:v11+s26+$0x0], $0xffff  }
0x2ca: {  	v11 =	vor.u32 $0xC, v4;
	v2 =	vadd.f32 v5, v2;
	v5 =	vld.idx.msk [tilespmem:v7+s26+$0x0], $0xffff  }
0x2cb: {  	v7 =	vld.idx.msk [tilespmem:v12+s26+$0x0], $0xffff;
	v12 =	vor.u32 $0xD, v4  }
0x2cc: {  	v16 =	vor.u32 $0x5, v8;
	v10 =	vadd.f32 $0.0e+00, v10;
	v2 =	vadd.f32 v3, v2;
	v3 =	vld.idx.msk [tilespmem:v13+s26+$0x0], $0xffff  }
0x2cd: {  	v13 =	vld.idx.msk [tilespmem:v14+s26+$0x0], $0xffff;
	v14 =	vor.u32 $0xE, v4  }
0x2ce: {  	v17 =	vor.u32 $0x6, v8;
	v9 =	vadd.f32 v9, v10;
	v10 =	vld.idx.msk [tilespmem:v15+s26+$0x0], $0xffff;
	v2 =	vadd.f32 v6, v2  }
0x2cf: {  	s20 =	simm.s32 $0x20;
	v4 =	vor.u32 $0xF, v4;
	v6 =	vld.idx.msk [tilespmem:v11+s26+$0x0], $0xffff;
	v11 =	vor.u32 $0x7, v8  }
0x2d0: {  	v7 =	vadd.f32 v7, v9;
	v2 =	vadd.f32 v5, v2;
	v5 =	vld.idx.msk [tilespmem:v12+s26+$0x0], $0xffff;
	v12 =	vmov s20  }
0x2d1: {  	v15 =	vor.u32 $0x8, v8;
	v9 =	vld.idx.msk [tilespmem:v16+s26+$0x0], $0xffff;
	v12 =	vshll.u32 v12, $0x4  }
0x2d2: {  	v7 =	vadd.f32 v13, v7;
	v2 =	vadd.f32 v3, v2;
	v3 =	vld.idx.msk [tilespmem:v14+s26+$0x0], $0xffff;
	v14 =	vor.u32 v0, v12  }
0x2d3: {  	v13 =	vor.u32 $0x9, v8;
	v12 =	vld.idx.msk [tilespmem:v17+s26+$0x0], $0xffff  }
0x2d4: {  	v4 =	vld.idx.msk [tilespmem:v4+s26+$0x0], $0xffff;
	v7 =	vadd.f32 v10, v7;
	v2 =	vadd.f32 v6, v2;
	v6 =	vor.u32 $0x1, v14  }
0x2d5: {  	v10 =	vld.idx.msk [tilespmem:v11+s26+$0x0], $0xffff;
	v11 =	vor.u32 $0xA, v8  }
0x2d6: {  	v7 =	vadd.f32 v9, v7;
	v9 =	vld.idx.msk [tilespmem:v15+s26+$0x0], $0xffff;
	v2 =	vadd.f32 v5, v2;
	v5 =	vor.u32 $0x2, v14  }
0x2d7: {  	v16 =	vor.u32 $0xB, v8;
	v15 =	vld.idx.msk [tilespmem:v14+s26+$0x0], $0xffff  }
0x2d8: {  	v7 =	vadd.f32 v12, v7;
	v12 =	vld.idx.msk [tilespmem:v13+s26+$0x0], $0xffff;
	v2 =	vadd.f32 v3, v2;
	v3 =	vor.u32 $0x3, v14  }
0x2d9: {  	v13 =	vor.u32 $0xC, v8;
	v6 =	vld.idx.msk [tilespmem:v6+s26+$0x0], $0xffff  }
0x2da: {  	v7 =	vadd.f32 v10, v7;
	v10 =	vld.idx.msk [tilespmem:v11+s26+$0x0], $0xffff;
	v2 =	vadd.f32 v4, v2;
	v4 =	vor.u32 $0x4, v14  }
0x2db: {  	v11 =	vor.u32 $0xD, v8;
	v5 =	vld.idx.msk [tilespmem:v5+s26+$0x0], $0xffff  }
0x2dc: {  	v17 =	vor.u32 $0x5, v14;
	v7 =	vadd.f32 v9, v7;
	v9 =	vld.idx.msk [tilespmem:v16+s26+$0x0], $0xffff;
	v2 =	vsub.f32 $0.0e+00, v2  }
0x2dd: {  	v16 =	vor.u32 $0xE, v8;
	v15 =	vadd.f32 $0.0e+00, v15;
	v3 =	vld.idx.msk [tilespmem:v3+s26+$0x0], $0xffff  }
0x2de: {  	v8 =	vor.u32 $0xF, v8;
	v7 =	vadd.f32 v12, v7;
	v12 =	vld.idx.msk [tilespmem:v13+s26+$0x0], $0xffff;
	v2 =	vmul.f32 $1.442695020e+00, v2  }
0x2df: {  	v18 =	vor.u32 $0x6, v14;
	v6 =	vadd.f32 v6, v15;
	v4 =	vld.idx.msk [tilespmem:v4+s26+$0x0], $0xffff  }
0x2e0: {  	s23 =	simm.s32 $0x30;
	v13 =	vor.u32 $0x7, v14;
	(erf) = vpow2.f32 v2;
	v2 =	vadd.f32 v10, v7;
	v7 =	vld.idx.msk [tilespmem:v11+s26+$0x0], $0xffff  }
0x2e1: {  	v10 =	vmov s23;
	v5 =	vadd.f32 v5, v6;
	v6 =	vld.idx.msk [tilespmem:v17+s26+$0x0], $0xffff  }
0x2e2: {  	v11 =	vor.u32 $0x8, v14;
	v15 =	vld.idx.msk [tilespmem:v16+s26+$0x0], $0xffff;
	v10 =	vshll.u32 v10, $0x4;
	v9 =	vadd.f32 v9, v2  }
0x2e3: {  	v8 =	vld.idx.msk [tilespmem:v8+s26+$0x0], $0xffff;
	v2 =	vor.u32 v0, v10;
	v3 =	vadd.f32 v3, v5  }
0x2e4: {  	v5 =	vld.idx.msk [tilespmem:v18+s26+$0x0], $0xffff;
	v10 =	vor.u32 $0x9, v14;
	v9 =	vadd.f32 v12, v9  }
0x2e5: {  	v3 =	vadd.f32 v4, v3;
	v4 =	vld.idx.msk [tilespmem:v13+s26+$0x0], $0xffff;
	v13 =	vor.u32 $0xA, v14  }
0x2e6: {  	v12 =	vor.u32 $0x1, v2;
	v7 =	vadd.f32 v7, v9;
	v9 =	vld [tilespmem:s30+$0x0]  }
0x2e7: {  	v16 =	vor.u32 $0x2, v2;
	v3 =	vadd.f32 v6, v3;
	v6 =	vld.idx.msk [tilespmem:v11+s26+$0x0], $0xffff  }
0x2e8: {  	v17 =	vor.u32 $0xB, v14;
	v11 =	vld.idx.msk [tilespmem:v2+s26+$0x0], $0xffff;
	v7 =	vadd.f32 v15, v7  }
0x2e9: {  	v62 =	vor.u32 $0x3, v2;
	v3 =	vadd.f32 v5, v3;
	v5 =	vld.idx.msk [tilespmem:v10+s26+$0x0], $0xffff;
	v15 =	vpop (erf)  }
0x2ea: {  	v19 =	vor.u32 $0xC, v14;
	v20 =	vld.idx.msk [tilespmem:v13+s26+$0x0], $0xffff;
	v10 =	vsub.f32 $1.000000000e+00, v15;
	v7 =	vadd.f32 v8, v7  }
0x2eb: {  	v15 =	vld.idx.msk [tilespmem:v12+s26+$0x0], $0xffff;
	v8 =	vor.u32 $0x4, v2;
	v3 =	vadd.f32 v4, v3  }
0x2ec: {  	v4 =	vmax.f32 v10, $9.999999740e-06;
	v10 =	vld.idx.msk [tilespmem:v16+s26+$0x0], $0xffff;
	v16 =	vor.u32 $0xD, v14;
	v13 =	vsub.f32 $0.0e+00, v7  }
0x2ed: {  	v21 =	vor.u32 $0x5, v2;
	v12 =	vor.u32 $0xE, v14;
	v6 =	vadd.f32 v6, v3;
	v3 =	vld.idx.msk [tilespmem:v17+s26+$0x0], $0xffff  }
0x2ee: {  	v17 =	vadd.f32 $0.0e+00, v11;
	v7 =	vld.idx.msk [tilespmem:v62+s26+$0x0], $0xffff;
	v4 =	vmin.f32 v4, $1.000000000e+00;
	v63 =	vmul.f32 $1.442695020e+00, v13  }
0x2ef: {  	v11 =	vor.u32 $0x6, v2;
	v9 =	vmul.f32 v4, v9;
	v6 =	vadd.f32 v5, v6;
	v4 =	vld.idx.msk [tilespmem:v19+s26+$0x0], $0xffff  }
0x2f0: {  	v13 =	vor.u32 $0xF, v14;
	v17 =	vadd.f32 v15, v17;
	v8 =	vld.idx.msk [tilespmem:v8+s26+$0x0], $0xffff;
	(erf) = vpow2.f32 v63  }
0x2f1: {  	s31 =	simm.s32 $0x40;
	v1 =	vadd.f32 v9, v1;
	v9 =	vor.u32 $0x7, v2;
	v6 =	vadd.f32 v20, v6;
	v5 =	vld.idx.msk [tilespmem:v16+s26+$0x0], $0xffff  }
0x2f2: {  	s1 =	simm.s32 $0x50;
	v15 =	vmov s31;
	v14 =	vadd.f32 v10, v17;
	v10 =	vld.idx.msk [tilespmem:v21+s26+$0x0], $0xffff  }
.LBB2_12:
0x2f3: {  	p0 =	sne.s32 s1, $0x70;
	v15 =	vshll.u32 v15, $0x4;
	v16 =	vor.u32 $0x8, v2;
	v3 =	vadd.f32 v3, v6;
	v6 =	vld.idx.msk [tilespmem:v12+s26+$0x0], $0xffff  }
0x2f4: {  	v15 =	vor.u32 v0, v15;
	v7 =	vadd.f32 v7, v14;
	v11 =	vld.idx.msk [tilespmem:v11+s26+$0x0], $0xffff  }
0x2f5: {  	v12 =	vor.u32 $0x9, v2;
	v3 =	vadd.f32 v4, v3;
	v4 =	vld.idx.msk [tilespmem:v13+s26+$0x0], $0xffff  }
0x2f6: {  	s30 =	sadd.s32 $0x10, s30;
	v13 =	vor.u32 $0x1, v15;
	v7 =	vadd.f32 v8, v7;
	v8 =	vld.idx.msk [tilespmem:v9+s26+$0x0], $0xffff  }
0x2f7: {  	v9 =	vor.u32 $0xA, v2;
	v3 =	vadd.f32 v5, v3;
	v5 =	vld [tilespmem:s30+$0x0]  }
0x2f8: {  	v14 =	vor.u32 $0x2, v15;
	v7 =	vadd.f32 v10, v7;
	v10 =	vld.idx.msk [tilespmem:v16+s26+$0x0], $0xffff  }
0x2f9: {  	v17 =	vor.u32 $0xB, v2;
	v16 =	vld.idx.msk [tilespmem:v15+s26+$0x0], $0xffff;
	v3 =	vadd.f32 v6, v3;
	v6 =	vpop (erf)  }
0x2fa: {  	v18 =	vor.u32 $0x3, v15;
	v7 =	vadd.f32 v11, v7;
	v19 =	vld.idx.msk [tilespmem:v12+s26+$0x0], $0xffff;
	v6 =	vsub.f32 $1.000000000e+00, v6  }
0x2fb: {  	v20 =	vor.u32 $0xC, v2;
	v13 =	vld.idx.msk [tilespmem:v13+s26+$0x0], $0xffff;
	v3 =	vadd.f32 v4, v3  }
0x2fc: {  	v21 =	vor.u32 $0x4, v15;
	v4 =	vadd.f32 v8, v7;
	v22 =	vld.idx.msk [tilespmem:v9+s26+$0x0], $0xffff;
	v6 =	vmax.f32 v6, $9.999999740e-06  }
0x2fd: {  	v23 =	vor.u32 $0xD, v2;
	v14 =	vld.idx.msk [tilespmem:v14+s26+$0x0], $0xffff;
	v8 =	vsub.f32 $0.0e+00, v3;
	v6 =	vmin.f32 v6, $1.000000000e+00  }
0x2fe: {  	v24 =	vor.u32 $0x5, v15;
	v4 =	vadd.f32 v10, v4;
	v3 =	vld.idx.msk [tilespmem:v17+s26+$0x0], $0xffff;
	v5 =	vmul.f32 v6, v5  }
.Ltmp5:
0x2ff: {  	v12 =	vor.u32 $0xE, v2;
	v6 =	vadd.f32 $0.0e+00, v16;
	v7 =	vld.idx.msk [tilespmem:v18+s26+$0x0], $0xffff;
	v9 =	vmul.f32 $1.442695020e+00, v8;
	(pc) =	sbr.rel @p0 .LBB2_12-.Ltmp5, $4  }
0x300: {  	v11 =	vor.u32 $0x6, v15;
	v10 =	vadd.f32 v19, v4;
	v4 =	vld.idx.msk [tilespmem:v20+s26+$0x0], $0xffff;
	v1 =	vadd.f32 v5, v1  }
0x301: {  	v16 =	vadd.f32 v13, v6;
	v13 =	vor.u32 $0xF, v2;
	v2 =	vmovc v15;
	v8 =	vld.idx.msk [tilespmem:v21+s26+$0x0], $0xffff;
	(erf) = vpow2.f32 v9  }
0x302: {  	v9 =	vor.u32 $0x7, v2;
	v6 =	vadd.f32 v22, v10;
	v5 =	vld.idx.msk [tilespmem:v23+s26+$0x0], $0xffff  }
0x303: {  	v15 =	vmov s1;
	s1 =	sadd.s32 $0x10, s1;
	v14 =	vadd.f32 v14, v16;
	v10 =	vld.idx.msk [tilespmem:v24+s26+$0x0], $0xffff  }
0x304: {  	v15 =	vshll.u32 v15, $0x4  }
0x305: {  	v15 =	vor.u32 v0, v15;
	_ =	sdelay $0x1  }
0x306: {  	v16 =	vor.u32 $0x1, v15;
	_ =	sdelay $0x1  }
0x307: {  	v17 =	vor.u32 $0x2, v15  }
0x308: {  	v18 =	vld.idx.msk [tilespmem:v15+s26+$0x0], $0xffff  }
0x309: {  	v19 =	vor.u32 $0x3, v15  }
0x30a: {  	v16 =	vld.idx.msk [tilespmem:v16+s26+$0x0], $0xffff  }
0x30b: {  	v20 =	vor.u32 $0x4, v15  }
0x30c: {  	v17 =	vld.idx.msk [tilespmem:v17+s26+$0x0], $0xffff  }
0x30d: {  	v21 =	vor.u32 $0x5, v15;
	v18 =	vadd.f32 $0.0e+00, v18  }
0x30e: {  	v19 =	vld.idx.msk [tilespmem:v19+s26+$0x0], $0xffff  }
0x30f: {  	v12 =	vld.idx.msk [tilespmem:v12+s26+$0x0], $0xffff;
	v22 =	vor.u32 $0x6, v15;
	v16 =	vadd.f32 v16, v18  }
0x310: {  	v41 =	vld.idx.msk [tilespmem:v20+s26+$0x0], $0xffff  }
0x311: {  	v11 =	vld.idx.msk [tilespmem:v11+s26+$0x0], $0xffff;
	v42 =	vor.u32 $0x7, v15;
	v16 =	vadd.f32 v17, v16  }
0x312: {  	v43 =	vor.u32 $0x8, v2;
	v7 =	vadd.f32 v7, v14;
	v44 =	vld.idx.msk [tilespmem:v21+s26+$0x0], $0xffff  }
0x313: {  	v13 =	vld.idx.msk [tilespmem:v13+s26+$0x0], $0xffff;
	v45 =	vor.u32 $0x8, v15;
	v16 =	vadd.f32 v19, v16  }
0x314: {  	v46 =	vor.u32 $0x9, v2;
	v7 =	vadd.f32 v8, v7;
	v8 =	vld.idx.msk [tilespmem:v22+s26+$0x0], $0xffff  }
0x315: {  	v9 =	vld.idx.msk [tilespmem:v9+s26+$0x0], $0xffff;
	v47 =	vor.u32 $0x9, v15;
	v16 =	vadd.f32 v41, v16  }
0x316: {  	v48 =	vor.u32 $0xA, v2;
	v7 =	vadd.f32 v10, v7;
	v10 =	vld.idx.msk [tilespmem:v42+s26+$0x0], $0xffff  }
0x317: {  	v49 =	vor.u32 $0xA, v15;
	v17 =	vld.idx.msk [tilespmem:v43+s26+$0x0], $0xffff;
	v14 =	vadd.f32 v44, v16  }
0x318: {  	v50 =	vor.u32 $0xB, v2;
	v7 =	vadd.f32 v11, v7;
	v11 =	vld.idx.msk [tilespmem:v45+s26+$0x0], $0xffff  }
0x319: {  	v51 =	vor.u32 $0xB, v15;
	v19 =	vld.idx.msk [tilespmem:v46+s26+$0x0], $0xffff;
	v8 =	vadd.f32 v8, v14  }
0x31a: {  	v52 =	vor.u32 $0xC, v2;
	v7 =	vadd.f32 v9, v7;
	v9 =	vld.idx.msk [tilespmem:v47+s26+$0x0], $0xffff  }
0x31b: {  	v53 =	vor.u32 $0xC, v15;
	v18 =	vld.idx.msk [tilespmem:v48+s26+$0x0], $0xffff;
	v8 =	vadd.f32 v10, v8  }
0x31c: {  	v54 =	vld.idx.msk [tilespmem:v49+s26+$0x0], $0xffff;
	v7 =	vadd.f32 v17, v7;
	v10 =	vor.u32 $0xD, v2  }
0x31d: {  	v55 =	vor.u32 $0xD, v15;
	v16 =	vld.idx.msk [tilespmem:v50+s26+$0x0], $0xffff;
	v8 =	vadd.f32 v11, v8  }
0x31e: {  	v56 =	vld.idx.msk [tilespmem:v51+s26+$0x0], $0xffff;
	v7 =	vadd.f32 v19, v7;
	v11 =	vor.u32 $0xE, v2  }
0x31f: {  	v57 =	vor.u32 $0xE, v15;
	v14 =	vld.idx.msk [tilespmem:v52+s26+$0x0], $0xffff;
	v8 =	vadd.f32 v9, v8  }
0x320: {  	v7 =	vadd.f32 v18, v7;
	v2 =	vor.u32 $0xF, v2;
	v9 =	vld.idx.msk [tilespmem:v53+s26+$0x0], $0xffff  }
0x321: {  	v3 =	vadd.f32 v3, v6;
	v6 =	vld.idx.msk [tilespmem:v10+s26+$0x0], $0xffff;
	v10 =	vor.u32 $0xF, v15;
	v8 =	vadd.f32 v54, v8  }
0x322: {  	v58 =	vld.idx.msk [tilespmem:v55+s26+$0x0], $0xffff;
	v7 =	vadd.f32 v16, v7  }
0x323: {  	v3 =	vadd.f32 v4, v3;
	v4 =	vld.idx.msk [tilespmem:v11+s26+$0x0], $0xffff;
	v8 =	vadd.f32 v56, v8  }
0x324: {  	v7 =	vadd.f32 v14, v7;
	v11 =	vld.idx.msk [tilespmem:v57+s26+$0x0], $0xffff  }
0x325: {  	v3 =	vadd.f32 v5, v3;
	v2 =	vld.idx.msk [tilespmem:v2+s26+$0x0], $0xffff;
	v5 =	vadd.f32 v9, v8  }
0x326: {  	v6 =	vadd.f32 v6, v7;
	v7 =	vld.idx.msk [tilespmem:v10+s26+$0x0], $0xffff  }
0x327: {  	v3 =	vadd.f32 v12, v3;
	v5 =	vadd.f32 v58, v5  }
0x328: {  	v4 =	vadd.f32 v4, v6  }
0x329: {  	v3 =	vadd.f32 v13, v3;
	v5 =	vadd.f32 v11, v5  }
0x32a: {  	v2 =	vadd.f32 v2, v4  }
0x32b: {  	v3 =	vsub.f32 $0.0e+00, v3;
	v4 =	vadd.f32 v7, v5  }
0x32c: {  	v2 =	vsub.f32 $0.0e+00, v2  }
0x32d: {  	v3 =	vmul.f32 $1.442695020e+00, v3;
	v4 =	vsub.f32 $0.0e+00, v4  }
0x32e: {  	v2 =	vmul.f32 $1.442695020e+00, v2  }
0x32f: {  	(erf) = vpow2.f32 v3;
	v3 =	vmul.f32 $1.442695020e+00, v4  }
0x330: {  	(erf) = vpow2.f32 v2  }
0x331: {  	(erf) = vpow2.f32 v3;
	_ =	sdelay $0x5  }
0x332: {  	s1 =	sadd.s32 $0x10, s30;
	v2 =	vpop (erf)  }
0x333: {  	v3 =	vld [tilespmem:s1+$0x0];
	s1 =	sadd.s32 $0x10, s1;
	v4 =	vpop (erf)  }
0x334: {  	v5 =	vld [tilespmem:s1+$0x0];
	s1 =	sadd.s32 $0x10, s1;
	v6 =	vpop (erf)  }
0x335: {  	v7 =	vld [tilespmem:s1+$0x0];
	s1 =	sadd.s32 $0x10, s1;
	v9 =	vpop (erf)  }
0x336: {  	v8 =	vld [tilespmem:s1+$0x0];
	_ =	swait.ge [sflag:s22], $0x4000  }
0x337: {  	[sflag:s22] =	ssyncset.done $0x0  }
0x338: {  	[sflag:s22] =	ssyncadd.s32 $0xFFFFC000  }
0x339: {  	_ =	swait.ge [sflag:s22], $0x4000  }
0x33a: {  	[sflag:s22] =	ssyncset.done $0x0  }
0x33b: {  	[sflag:s22] =	ssyncadd.s32 $0xFFFFC000  }
0x33c: {  	_ =	swait.ge [sflag:s22], $0x4000  }
0x33d: {  	[sflag:s22] =	ssyncset.done $0x0  }
0x33e: {  	s20 =	simm.s32 $0x10880;
	[sflag:s22] =	ssyncadd.s32 $0xFFFFC000  }
0x33f: {  	v10 =	vld [tilespmem:s20+$0x4060]  }
0x340: {  	v11 =	vld [tilespmem:s20+$0x4050]  }
0x341: {  	v59 =	vld [tilespmem:s20+$0x4040]  }
0x342: {  	v60 =	vld [tilespmem:s20+$0x4030]  }
0x343: {  	v61 =	vld [tilespmem:s20+$0x4020]  }
0x344: {  	v62 =	vld [tilespmem:s20+$0x4010]  }
0x345: {  	v63 =	vld [tilespmem:s20+$0x4000]  }
0x346: {  	v36 =	vld [tilespmem:s20+$0xFFFFC000]  }
0x347: {  	v37 =	vld [tilespmem:s20+$0x0]  }
0x348: {  	v38 =	vld [tilespmem:s20+$0xFFFFC010]  }
0x349: {  	v39 =	vld [tilespmem:s20+$0x10]  }
0x34a: {  	v40 =	vld [tilespmem:s20+$0xFFFFC020]  }
0x34b: {  	v41 =	vld [tilespmem:s20+$0x20]  }
0x34c: {  	v23 =	vld [tilespmem:s20+$0xFFFFC030]  }
0x34d: {  	v24 =	vld [tilespmem:s20+$0x30]  }
0x34e: {  	v25 =	vld [tilespmem:s20+$0xFFFFC040]  }
0x34f: {  	v26 =	vld [tilespmem:s20+$0x40]  }
0x350: {  	v27 =	vld [tilespmem:s20+$0xFFFFC050]  }
0x351: {  	v28 =	vld [tilespmem:s20+$0x50]  }
0x352: {  	v29 =	vld [tilespmem:s20+$0xFFFFC060]  }
0x353: {  	v30 =	vld [tilespmem:s20+$0x60]  }
0x354: {  	v31 =	vld [tilespmem:s20+$0xFFFFC070]  }
0x355: {  	v32 =	vld [tilespmem:s20+$0x70]  }
0x356: {  	v42 =	vld [tilespmem:s20+$0xFFFFFF80]  }
0x357: {  	v2 =	vsub.f32 $1.000000000e+00, v2;
	v33 =	vld [tilespmem:s20+$0x4070]  }
0x358: {  	v44 =	vld [tilespmem:s20+$0xFFFFBF80];
	v17 =	vmul.f32 v37, v36  }
0x359: {  	v4 =	vsub.f32 $1.000000000e+00, v4;
	v2 =	vmax.f32 v2, $9.999999740e-06;
	v45 =	vld [tilespmem:s20+$0x3F80]  }
0x35a: {  	v2 =	vmin.f32 v2, $1.000000000e+00;
	v46 =	vld [tilespmem:s20+$0xFFFFBF90];
	v43 =	vmul.f32 v39, v38;
	v16 =	vmul.f32 v63, v17  }
0x35b: {  	v4 =	vmax.f32 v4, $9.999999740e-06;
	v2 =	vmul.f32 v2, v3;
	v6 =	vsub.f32 $1.000000000e+00, v6;
	v47 =	vld [tilespmem:s20+$0xFFFFFF90]  }
0x35c: {  	v48 =	vld [tilespmem:s20+$0x3F90];
	v21 =	vmul.f32 v41, v40;
	v15 =	vmul.f32 v62, v43;
	v16 =	vadd.f32 $0.0e+00, v16  }
0x35d: {  	v1 =	vadd.f32 v2, v1;
	v2 =	vmin.f32 v4, $1.000000000e+00;
	v6 =	vmax.f32 v6, $9.999999740e-06;
	v50 =	vld [tilespmem:s20+$0xFFFFBFA0]  }
0x35e: {  	v4 =	vld [tilespmem:s20+$0xFFFFFFA0];
	v49 =	vmul.f32 v24, v23;
	v14 =	vmul.f32 v61, v21;
	v3 =	vadd.f32 v15, v16  }
0x35f: {  	v2 =	vmul.f32 v2, v5;
	v6 =	vmin.f32 v6, $1.000000000e+00;
	v51 =	vld [tilespmem:s20+$0x3FA0]  }
0x360: {  	v53 =	vld [tilespmem:s20+$0xFFFFBFB0];
	v54 =	vmul.f32 v28, v27;
	v5 =	vmul.f32 v60, v49;
	v3 =	vadd.f32 v14, v3  }
0x361: {  	v1 =	vadd.f32 v2, v1;
	v6 =	vmul.f32 v6, v7;
	v56 =	vld [tilespmem:s20+$0xFFFFBFC0];
	v52 =	vmul.f32 v26, v25  }
0x362: {  	v7 =	vmul.f32 v11, v54;
	v11 =	vld [tilespmem:s20+$0xFFFFFFC0];
	v2 =	vadd.f32 v5, v3;
	v3 =	vmul.f32 v42, v44  }
0x363: {  	v57 =	vmul.f32 v30, v29;
	v12 =	vmul.f32 v59, v52;
	v5 =	vld [tilespmem:s20+$0xFFFFFFB0]  }
0x364: {  	v55 =	vld [tilespmem:s20+$0x3FB0];
	v17 =	vmul.f32 v47, v46;
	v3 =	vmul.f32 v45, v3  }
0x365: {  	v4 =	vmul.f32 v4, v50;
	v59 =	vld [tilespmem:s20+$0x3FC0];
	v10 =	vmul.f32 v10, v57;
	v2 =	vadd.f32 v12, v2  }
0x366: {  	v60 =	vmul.f32 v32, v31;
	v61 =	vld [tilespmem:s20+$0xFFFFFFD0];
	v58 =	vmul.f32 v48, v17;
	v3 =	vadd.f32 $0.0e+00, v3  }
0x367: {  	v4 =	vmul.f32 v51, v4;
	v2 =	vadd.f32 v7, v2;
	v7 =	vsub.f32 $1.000000000e+00, v9;
	v9 =	vld [tilespmem:s20+$0xFFFFBFD0]  }
0x368: {  	v62 =	vld [tilespmem:s20+$0x3FD0];
	v11 =	vmul.f32 v11, v56;
	v5 =	vmul.f32 v5, v53;
	v3 =	vadd.f32 v58, v3  }
0x369: {  	v12 =	vmul.f32 v33, v60;
	v7 =	vmax.f32 v7, $9.999999740e-06;
	v10 =	vadd.f32 v10, v2;
	v2 =	vld [tilespmem:s20+$0xFFFFBFE0]  }
0x36a: {  	v7 =	vmin.f32 v7, $1.000000000e+00;
	v5 =	vmul.f32 v55, v5;
	v63 =	vadd.f32 v4, v3;
	v4 =	vld [tilespmem:s20+$0xFFFFFFE0]  }
0x36b: {  	v1 =	vadd.f32 v6, v1;
	v6 =	vld [tilespmem:s20+$0xFFFFFFF0];
	v11 =	vmul.f32 v59, v11;
	v7 =	vmul.f32 v7, v8  }
0x36c: {  	v8 =	vadd.f32 v12, v10;
	v3 =	vld [tilespmem:s20+$0x3FE0];
	v9 =	vmul.f32 v61, v9;
	v10 =	vadd.f32 v5, v63  }
0x36d: {  	s1 =	simm.s32 $0x18A10;
	v5 =	vld [tilespmem:s20+$0xFFFFBFF0]  }
0x36e: {  	s31 =	simm.s32 $0x0;
	s30 =	simm.s32 $0x18980;
	v1 =	vadd.f32 v7, v1;
	[tilespmem:s1+$0x0] =	vst v8;
	v7 =	vld [tilespmem:s20+$0x3FF0];
	s20 =	simm.s32 $0x10980;
	v9 =	vmul.f32 v62, v9;
	v8 =	vadd.f32 v11, v10  }
.LBB2_14:
0x36f: {  	v10 =	vld [tilespmem:s20+$0x4060];
	v2 =	vmul.f32 v4, v2  }
0x370: {  	v4 =	vld [tilespmem:s20+$0x4050];
	v8 =	vadd.f32 v9, v8  }
0x371: {  	v9 =	vld [tilespmem:s20+$0x4040];
	v2 =	vmul.f32 v3, v2  }
0x372: {  	v3 =	vld [tilespmem:s20+$0x4030];
	v5 =	vmul.f32 v6, v5  }
0x373: {  	v6 =	vld [tilespmem:s20+$0x4020];
	v2 =	vadd.f32 v2, v8  }
0x374: {  	v8 =	vld [tilespmem:s20+$0x4010];
	v5 =	vmul.f32 v7, v5  }
0x375: {  	v7 =	vld [tilespmem:s20+$0x4000]  }
0x376: {  	v11 =	vld [tilespmem:s20+$0xFFFFC000];
	v2 =	vadd.f32 v5, v2  }
0x377: {  	s31 =	sadd.s32 $0x2, s31;
	v5 =	vld [tilespmem:s20+$0x0]  }
0x378: {  	p0 =	slt.u32 s31, $0x7E;
	v12 =	vld [tilespmem:s20+$0xFFFFC010];
	[tilespmem:s1+$0xFFFFFFF0] =	vst v2  }
0x379: {  	v2 =	vld [tilespmem:s20+$0x10]  }
0x37a: {  	v13 =	vld [tilespmem:s20+$0xFFFFC020]  }
0x37b: {  	v14 =	vld [tilespmem:s20+$0x20]  }
0x37c: {  	v5 =	vmul.f32 v5, v11;
	v11 =	vld [tilespmem:s20+$0xFFFFC030]  }
0x37d: {  	v15 =	vld [tilespmem:s20+$0x30]  }
0x37e: {  	v5 =	vmul.f32 v7, v5;
	v2 =	vmul.f32 v2, v12;
	v7 =	vld [tilespmem:s20+$0xFFFFC040]  }
0x37f: {  	v12 =	vld [tilespmem:s20+$0x40]  }
0x380: {  	v5 =	vadd.f32 $0.0e+00, v5;
	v2 =	vmul.f32 v8, v2;
	v8 =	vmul.f32 v14, v13;
	v13 =	vld [tilespmem:s20+$0xFFFFC050]  }
0x381: {  	v14 =	vld [tilespmem:s20+$0x50]  }
0x382: {  	v2 =	vadd.f32 v2, v5;
	v5 =	vmul.f32 v6, v8;
	v6 =	vmul.f32 v15, v11;
	v8 =	vld [tilespmem:s20+$0xFFFFC060]  }
0x383: {  	v11 =	vld [tilespmem:s20+$0x60]  }
0x384: {  	v2 =	vadd.f32 v5, v2;
	v3 =	vmul.f32 v3, v6;
	v5 =	vmul.f32 v12, v7;
	v6 =	vld [tilespmem:s20+$0xFFFFC070]  }
0x385: {  	v7 =	vld [tilespmem:s20+$0x70]  }
0x386: {  	v12 =	vld [tilespmem:s20+$0xFFFFFF80];
	v2 =	vadd.f32 v3, v2;
	v3 =	vmul.f32 v9, v5;
	v5 =	vmul.f32 v14, v13  }
0x387: {  	v9 =	vld [tilespmem:s20+$0x4070]  }
0x388: {  	v13 =	vld [tilespmem:s20+$0xFFFFBF80];
	v2 =	vadd.f32 v3, v2;
	v3 =	vmul.f32 v4, v5;
	v4 =	vmul.f32 v11, v8  }
0x389: {  	v5 =	vld [tilespmem:s20+$0x3F80]  }
0x38a: {  	v8 =	vld [tilespmem:s20+$0xFFFFBF90];
	v2 =	vadd.f32 v3, v2;
	v3 =	vmul.f32 v10, v4;
	v4 =	vmul.f32 v7, v6  }
0x38b: {  	v6 =	vld [tilespmem:s20+$0xFFFFFF90]  }
0x38c: {  	v7 =	vld [tilespmem:s20+$0x3F90];
	v2 =	vadd.f32 v3, v2;
	v3 =	vmul.f32 v9, v4  }
0x38d: {  	v4 =	vmul.f32 v12, v13;
	v9 =	vld [tilespmem:s20+$0xFFFFBFA0]  }
0x38e: {  	v10 =	vld [tilespmem:s20+$0xFFFFFFA0];
	v2 =	vadd.f32 v3, v2  }
0x38f: {  	s1 =	sadd.s32 $0x20, s1;
	v3 =	vmul.f32 v5, v4;
	v4 =	vld [tilespmem:s20+$0x3FA0]  }
0x390: {  	s23 =	simm.s32 $0x0;
	v5 =	vmul.f32 v6, v8;
	v6 =	vld [tilespmem:s20+$0xFFFFBFB0];
	[tilespmem:s1+$0x0] =	vst v2  }
0x391: {  	v2 =	vadd.f32 $0.0e+00, v3;
	v3 =	vld [tilespmem:s20+$0xFFFFFFB0]  }
0x392: {  	v5 =	vmul.f32 v7, v5;
	v7 =	vld [tilespmem:s20+$0x3FB0]  }
0x393: {  	v8 =	vmul.f32 v10, v9;
	v9 =	vld [tilespmem:s20+$0xFFFFBFC0]  }
0x394: {  	v2 =	vadd.f32 v5, v2;
	v5 =	vld [tilespmem:s20+$0xFFFFFFC0]  }
0x395: {  	v4 =	vmul.f32 v4, v8;
	v8 =	vld [tilespmem:s20+$0x3FC0]  }
0x396: {  	v3 =	vmul.f32 v3, v6;
	v6 =	vld [tilespmem:s20+$0xFFFFBFD0]  }
0x397: {  	v4 =	vadd.f32 v4, v2;
	v10 =	vld [tilespmem:s20+$0xFFFFFFD0]  }
0x398: {  	v3 =	vmul.f32 v7, v3;
	v7 =	vld [tilespmem:s20+$0x3FD0]  }
0x399: {  	v5 =	vmul.f32 v5, v9;
	v2 =	vld [tilespmem:s20+$0xFFFFBFE0]  }
.Ltmp6:
0x39a: {  	v9 =	vadd.f32 v3, v4;
	v4 =	vld [tilespmem:s20+$0xFFFFFFE0];
	(pc) =	sbr.rel @p0 .LBB2_14-.Ltmp6, $4  }
0x39b: {  	v8 =	vmul.f32 v8, v5;
	v3 =	vld [tilespmem:s20+$0x3FE0]  }
0x39c: {  	v10 =	vmul.f32 v10, v6;
	v5 =	vld [tilespmem:s20+$0xFFFFBFF0]  }
0x39d: {  	v8 =	vadd.f32 v8, v9;
	v6 =	vld [tilespmem:s20+$0xFFFFFFF0]  }
0x39e: {  	v9 =	vmul.f32 v7, v10;
	v7 =	vld [tilespmem:s20+$0x3FF0];
	s20 =	sadd.s32 $0x100, s20  }
0x39f: {  	_ = 	snop  }
0x3a0: {  	v2 =	vmul.f32 v4, v2  }
0x3a1: {  	v4 =	vadd.f32 v9, v8  }
0x3a2: {  	v2 =	vmul.f32 v3, v2;
	v3 =	vmul.f32 v6, v5;
	v5 =	vmov s23  }
0x3a3: {  	v5 =	vshll.u32 v5, $0x4  }
0x3a4: {  	v2 =	vadd.f32 v2, v4;
	v3 =	vmul.f32 v7, v3;
	v4 =	vor.u32 v0, v5;
	_ =	sdelay $0x1  }
0x3a5: {  	v2 =	vadd.f32 v3, v2;
	v3 =	vor.u32 $0x1, v4;
	_ =	sdelay $0x1  }
0x3a6: {  	[tilespmem:s1+$0xFFFFFFF0] =	vst v2;
	v2 =	vor.u32 $0x2, v4  }
0x3a7: {  	v5 =	vld.idx.msk [tilespmem:v4+s26+$0x0], $0xffff  }
0x3a8: {  	v6 =	vor.u32 $0x3, v4  }
0x3a9: {  	v3 =	vld.idx.msk [tilespmem:v3+s26+$0x0], $0xffff  }
0x3aa: {  	v7 =	vor.u32 $0x4, v4  }
0x3ab: {  	v2 =	vld.idx.msk [tilespmem:v2+s26+$0x0], $0xffff  }
0x3ac: {  	v8 =	vor.u32 $0x5, v4;
	v5 =	vadd.f32 $0.0e+00, v5  }
0x3ad: {  	v6 =	vld.idx.msk [tilespmem:v6+s26+$0x0], $0xffff  }
0x3ae: {  	v9 =	vor.u32 $0x6, v4;
	v3 =	vadd.f32 v3, v5  }
0x3af: {  	s31 =	simm.s32 $0x10;
	v5 =	vld.idx.msk [tilespmem:v7+s26+$0x0], $0xffff  }
0x3b0: {  	v10 =	vmov s31;
	v7 =	vor.u32 $0x7, v4;
	v2 =	vadd.f32 v2, v3  }
0x3b1: {  	v3 =	vld.idx.msk [tilespmem:v8+s26+$0x0], $0xffff;
	v8 =	vshll.u32 v10, $0x4;
	v10 =	vor.u32 $0x8, v4  }
0x3b2: {  	v8 =	vor.u32 v0, v8;
	v2 =	vadd.f32 v6, v2  }
0x3b3: {  	v6 =	vld.idx.msk [tilespmem:v9+s26+$0x0], $0xffff;
	v9 =	vor.u32 $0x9, v4  }
0x3b4: {  	v11 =	vor.u32 $0x1, v8;
	v2 =	vadd.f32 v5, v2  }
0x3b5: {  	v5 =	vld.idx.msk [tilespmem:v7+s26+$0x0], $0xffff;
	v7 =	vor.u32 $0xA, v4  }
0x3b6: {  	v12 =	vor.u32 $0x2, v8;
	v2 =	vadd.f32 v3, v2;
	v3 =	vld.idx.msk [tilespmem:v10+s26+$0x0], $0xffff  }
0x3b7: {  	v13 =	vor.u32 $0xB, v4;
	v10 =	vld.idx.msk [tilespmem:v8+s26+$0x0], $0xffff  }
0x3b8: {  	v14 =	vor.u32 $0x3, v8;
	v2 =	vadd.f32 v6, v2;
	v6 =	vld.idx.msk [tilespmem:v9+s26+$0x0], $0xffff  }
0x3b9: {  	v15 =	vor.u32 $0x4, v8;
	v9 =	vld.idx.msk [tilespmem:v11+s26+$0x0], $0xffff  }
0x3ba: {  	v11 =	vor.u32 $0xC, v4;
	v2 =	vadd.f32 v5, v2;
	v5 =	vld.idx.msk [tilespmem:v7+s26+$0x0], $0xffff  }
0x3bb: {  	v7 =	vld.idx.msk [tilespmem:v12+s26+$0x0], $0xffff;
	v12 =	vor.u32 $0xD, v4  }
0x3bc: {  	v16 =	vor.u32 $0x5, v8;
	v10 =	vadd.f32 $0.0e+00, v10;
	v2 =	vadd.f32 v3, v2;
	v3 =	vld.idx.msk [tilespmem:v13+s26+$0x0], $0xffff  }
0x3bd: {  	v13 =	vld.idx.msk [tilespmem:v14+s26+$0x0], $0xffff;
	v14 =	vor.u32 $0xE, v4  }
0x3be: {  	v17 =	vor.u32 $0x6, v8;
	v9 =	vadd.f32 v9, v10;
	v10 =	vld.idx.msk [tilespmem:v15+s26+$0x0], $0xffff;
	v2 =	vadd.f32 v6, v2  }
0x3bf: {  	s20 =	simm.s32 $0x20;
	v4 =	vor.u32 $0xF, v4;
	v6 =	vld.idx.msk [tilespmem:v11+s26+$0x0], $0xffff;
	v11 =	vor.u32 $0x7, v8  }
0x3c0: {  	v7 =	vadd.f32 v7, v9;
	v2 =	vadd.f32 v5, v2;
	v5 =	vld.idx.msk [tilespmem:v12+s26+$0x0], $0xffff;
	v12 =	vmov s20  }
0x3c1: {  	v15 =	vor.u32 $0x8, v8;
	v9 =	vld.idx.msk [tilespmem:v16+s26+$0x0], $0xffff;
	v12 =	vshll.u32 v12, $0x4  }
0x3c2: {  	v7 =	vadd.f32 v13, v7;
	v2 =	vadd.f32 v3, v2;
	v3 =	vld.idx.msk [tilespmem:v14+s26+$0x0], $0xffff;
	v14 =	vor.u32 v0, v12  }
0x3c3: {  	v13 =	vor.u32 $0x9, v8;
	v12 =	vld.idx.msk [tilespmem:v17+s26+$0x0], $0xffff  }
0x3c4: {  	v4 =	vld.idx.msk [tilespmem:v4+s26+$0x0], $0xffff;
	v7 =	vadd.f32 v10, v7;
	v2 =	vadd.f32 v6, v2;
	v6 =	vor.u32 $0x1, v14  }
0x3c5: {  	v10 =	vld.idx.msk [tilespmem:v11+s26+$0x0], $0xffff;
	v11 =	vor.u32 $0xA, v8  }
0x3c6: {  	v7 =	vadd.f32 v9, v7;
	v9 =	vld.idx.msk [tilespmem:v15+s26+$0x0], $0xffff;
	v2 =	vadd.f32 v5, v2;
	v5 =	vor.u32 $0x2, v14  }
0x3c7: {  	v16 =	vor.u32 $0xB, v8;
	v15 =	vld.idx.msk [tilespmem:v14+s26+$0x0], $0xffff  }
0x3c8: {  	v7 =	vadd.f32 v12, v7;
	v12 =	vld.idx.msk [tilespmem:v13+s26+$0x0], $0xffff;
	v2 =	vadd.f32 v3, v2;
	v3 =	vor.u32 $0x3, v14  }
0x3c9: {  	v13 =	vor.u32 $0xC, v8;
	v6 =	vld.idx.msk [tilespmem:v6+s26+$0x0], $0xffff  }
0x3ca: {  	v7 =	vadd.f32 v10, v7;
	v10 =	vld.idx.msk [tilespmem:v11+s26+$0x0], $0xffff;
	v2 =	vadd.f32 v4, v2;
	v4 =	vor.u32 $0x4, v14  }
0x3cb: {  	v11 =	vor.u32 $0xD, v8;
	v5 =	vld.idx.msk [tilespmem:v5+s26+$0x0], $0xffff  }
0x3cc: {  	v17 =	vor.u32 $0x5, v14;
	v7 =	vadd.f32 v9, v7;
	v9 =	vld.idx.msk [tilespmem:v16+s26+$0x0], $0xffff;
	v2 =	vsub.f32 $0.0e+00, v2  }
0x3cd: {  	v16 =	vor.u32 $0xE, v8;
	v15 =	vadd.f32 $0.0e+00, v15;
	v3 =	vld.idx.msk [tilespmem:v3+s26+$0x0], $0xffff  }
0x3ce: {  	v8 =	vor.u32 $0xF, v8;
	v7 =	vadd.f32 v12, v7;
	v12 =	vld.idx.msk [tilespmem:v13+s26+$0x0], $0xffff;
	v2 =	vmul.f32 $1.442695020e+00, v2  }
0x3cf: {  	v18 =	vor.u32 $0x6, v14;
	v6 =	vadd.f32 v6, v15;
	v4 =	vld.idx.msk [tilespmem:v4+s26+$0x0], $0xffff  }
0x3d0: {  	s23 =	simm.s32 $0x30;
	v13 =	vor.u32 $0x7, v14;
	(erf) = vpow2.f32 v2;
	v2 =	vadd.f32 v10, v7;
	v7 =	vld.idx.msk [tilespmem:v11+s26+$0x0], $0xffff  }
0x3d1: {  	v10 =	vmov s23;
	v5 =	vadd.f32 v5, v6;
	v6 =	vld.idx.msk [tilespmem:v17+s26+$0x0], $0xffff  }
0x3d2: {  	v11 =	vor.u32 $0x8, v14;
	v15 =	vld.idx.msk [tilespmem:v16+s26+$0x0], $0xffff;
	v10 =	vshll.u32 v10, $0x4;
	v9 =	vadd.f32 v9, v2  }
0x3d3: {  	v8 =	vld.idx.msk [tilespmem:v8+s26+$0x0], $0xffff;
	v2 =	vor.u32 v0, v10;
	v3 =	vadd.f32 v3, v5  }
0x3d4: {  	v5 =	vld.idx.msk [tilespmem:v18+s26+$0x0], $0xffff;
	v10 =	vor.u32 $0x9, v14;
	v9 =	vadd.f32 v12, v9  }
0x3d5: {  	v3 =	vadd.f32 v4, v3;
	v4 =	vld.idx.msk [tilespmem:v13+s26+$0x0], $0xffff;
	v13 =	vor.u32 $0xA, v14  }
0x3d6: {  	v12 =	vor.u32 $0x1, v2;
	v7 =	vadd.f32 v7, v9;
	v9 =	vld [tilespmem:s30+$0x0]  }
0x3d7: {  	v16 =	vor.u32 $0x2, v2;
	v3 =	vadd.f32 v6, v3;
	v6 =	vld.idx.msk [tilespmem:v11+s26+$0x0], $0xffff  }
0x3d8: {  	v17 =	vor.u32 $0xB, v14;
	v11 =	vld.idx.msk [tilespmem:v2+s26+$0x0], $0xffff;
	v7 =	vadd.f32 v15, v7  }
0x3d9: {  	v62 =	vor.u32 $0x3, v2;
	v3 =	vadd.f32 v5, v3;
	v5 =	vld.idx.msk [tilespmem:v10+s26+$0x0], $0xffff;
	v15 =	vpop (erf)  }
0x3da: {  	v19 =	vor.u32 $0xC, v14;
	v20 =	vld.idx.msk [tilespmem:v13+s26+$0x0], $0xffff;
	v10 =	vsub.f32 $1.000000000e+00, v15;
	v7 =	vadd.f32 v8, v7  }
0x3db: {  	v15 =	vld.idx.msk [tilespmem:v12+s26+$0x0], $0xffff;
	v8 =	vor.u32 $0x4, v2;
	v3 =	vadd.f32 v4, v3  }
0x3dc: {  	v4 =	vmax.f32 v10, $9.999999740e-06;
	v10 =	vld.idx.msk [tilespmem:v16+s26+$0x0], $0xffff;
	v16 =	vor.u32 $0xD, v14;
	v13 =	vsub.f32 $0.0e+00, v7  }
0x3dd: {  	v21 =	vor.u32 $0x5, v2;
	v12 =	vor.u32 $0xE, v14;
	v6 =	vadd.f32 v6, v3;
	v3 =	vld.idx.msk [tilespmem:v17+s26+$0x0], $0xffff  }
0x3de: {  	v17 =	vadd.f32 $0.0e+00, v11;
	v7 =	vld.idx.msk [tilespmem:v62+s26+$0x0], $0xffff;
	v4 =	vmin.f32 v4, $1.000000000e+00;
	v63 =	vmul.f32 $1.442695020e+00, v13  }
0x3df: {  	v11 =	vor.u32 $0x6, v2;
	v9 =	vmul.f32 v4, v9;
	v6 =	vadd.f32 v5, v6;
	v4 =	vld.idx.msk [tilespmem:v19+s26+$0x0], $0xffff  }
0x3e0: {  	v13 =	vor.u32 $0xF, v14;
	v17 =	vadd.f32 v15, v17;
	v8 =	vld.idx.msk [tilespmem:v8+s26+$0x0], $0xffff;
	(erf) = vpow2.f32 v63  }
0x3e1: {  	s31 =	simm.s32 $0x40;
	v1 =	vadd.f32 v9, v1;
	v9 =	vor.u32 $0x7, v2;
	v6 =	vadd.f32 v20, v6;
	v5 =	vld.idx.msk [tilespmem:v16+s26+$0x0], $0xffff  }
0x3e2: {  	s1 =	simm.s32 $0x50;
	v15 =	vmov s31;
	v14 =	vadd.f32 v10, v17;
	v10 =	vld.idx.msk [tilespmem:v21+s26+$0x0], $0xffff  }
.LBB2_16:
0x3e3: {  	p0 =	sne.s32 s1, $0x70;
	v15 =	vshll.u32 v15, $0x4;
	v16 =	vor.u32 $0x8, v2;
	v3 =	vadd.f32 v3, v6;
	v6 =	vld.idx.msk [tilespmem:v12+s26+$0x0], $0xffff  }
0x3e4: {  	v15 =	vor.u32 v0, v15;
	v7 =	vadd.f32 v7, v14;
	v11 =	vld.idx.msk [tilespmem:v11+s26+$0x0], $0xffff  }
0x3e5: {  	v12 =	vor.u32 $0x9, v2;
	v3 =	vadd.f32 v4, v3;
	v4 =	vld.idx.msk [tilespmem:v13+s26+$0x0], $0xffff  }
0x3e6: {  	s30 =	sadd.s32 $0x10, s30;
	v13 =	vor.u32 $0x1, v15;
	v7 =	vadd.f32 v8, v7;
	v8 =	vld.idx.msk [tilespmem:v9+s26+$0x0], $0xffff  }
0x3e7: {  	v9 =	vor.u32 $0xA, v2;
	v3 =	vadd.f32 v5, v3;
	v5 =	vld [tilespmem:s30+$0x0]  }
0x3e8: {  	v14 =	vor.u32 $0x2, v15;
	v7 =	vadd.f32 v10, v7;
	v10 =	vld.idx.msk [tilespmem:v16+s26+$0x0], $0xffff  }
0x3e9: {  	v17 =	vor.u32 $0xB, v2;
	v16 =	vld.idx.msk [tilespmem:v15+s26+$0x0], $0xffff;
	v3 =	vadd.f32 v6, v3;
	v6 =	vpop (erf)  }
0x3ea: {  	v18 =	vor.u32 $0x3, v15;
	v7 =	vadd.f32 v11, v7;
	v19 =	vld.idx.msk [tilespmem:v12+s26+$0x0], $0xffff;
	v6 =	vsub.f32 $1.000000000e+00, v6  }
0x3eb: {  	v20 =	vor.u32 $0xC, v2;
	v13 =	vld.idx.msk [tilespmem:v13+s26+$0x0], $0xffff;
	v3 =	vadd.f32 v4, v3  }
0x3ec: {  	v21 =	vor.u32 $0x4, v15;
	v4 =	vadd.f32 v8, v7;
	v22 =	vld.idx.msk [tilespmem:v9+s26+$0x0], $0xffff;
	v6 =	vmax.f32 v6, $9.999999740e-06  }
0x3ed: {  	v23 =	vor.u32 $0xD, v2;
	v14 =	vld.idx.msk [tilespmem:v14+s26+$0x0], $0xffff;
	v8 =	vsub.f32 $0.0e+00, v3;
	v6 =	vmin.f32 v6, $1.000000000e+00  }
0x3ee: {  	v24 =	vor.u32 $0x5, v15;
	v4 =	vadd.f32 v10, v4;
	v3 =	vld.idx.msk [tilespmem:v17+s26+$0x0], $0xffff;
	v5 =	vmul.f32 v6, v5  }
.Ltmp7:
0x3ef: {  	v12 =	vor.u32 $0xE, v2;
	v6 =	vadd.f32 $0.0e+00, v16;
	v7 =	vld.idx.msk [tilespmem:v18+s26+$0x0], $0xffff;
	v9 =	vmul.f32 $1.442695020e+00, v8;
	(pc) =	sbr.rel @p0 .LBB2_16-.Ltmp7, $4  }
0x3f0: {  	v11 =	vor.u32 $0x6, v15;
	v10 =	vadd.f32 v19, v4;
	v4 =	vld.idx.msk [tilespmem:v20+s26+$0x0], $0xffff;
	v1 =	vadd.f32 v5, v1  }
0x3f1: {  	v16 =	vadd.f32 v13, v6;
	v13 =	vor.u32 $0xF, v2;
	v2 =	vmovc v15;
	v8 =	vld.idx.msk [tilespmem:v21+s26+$0x0], $0xffff;
	(erf) = vpow2.f32 v9  }
0x3f2: {  	v9 =	vor.u32 $0x7, v2;
	v6 =	vadd.f32 v22, v10;
	v5 =	vld.idx.msk [tilespmem:v23+s26+$0x0], $0xffff  }
0x3f3: {  	v15 =	vmov s1;
	s1 =	sadd.s32 $0x10, s1;
	v14 =	vadd.f32 v14, v16;
	v10 =	vld.idx.msk [tilespmem:v24+s26+$0x0], $0xffff  }
0x3f4: {  	v15 =	vshll.u32 v15, $0x4  }
0x3f5: {  	v15 =	vor.u32 v0, v15;
	_ =	sdelay $0x1  }
0x3f6: {  	v16 =	vor.u32 $0x1, v15;
	_ =	sdelay $0x1  }
0x3f7: {  	v17 =	vor.u32 $0x2, v15  }
0x3f8: {  	v18 =	vld.idx.msk [tilespmem:v15+s26+$0x0], $0xffff  }
0x3f9: {  	v19 =	vor.u32 $0x3, v15  }
0x3fa: {  	v16 =	vld.idx.msk [tilespmem:v16+s26+$0x0], $0xffff  }
0x3fb: {  	v20 =	vor.u32 $0x4, v15  }
0x3fc: {  	v17 =	vld.idx.msk [tilespmem:v17+s26+$0x0], $0xffff  }
0x3fd: {  	v12 =	vld.idx.msk [tilespmem:v12+s26+$0x0], $0xffff;
	v21 =	vor.u32 $0x5, v15;
	v18 =	vadd.f32 $0.0e+00, v18  }
0x3fe: {  	v19 =	vld.idx.msk [tilespmem:v19+s26+$0x0], $0xffff  }
0x3ff: {  	v11 =	vld.idx.msk [tilespmem:v11+s26+$0x0], $0xffff;
	v22 =	vor.u32 $0x6, v15;
	v16 =	vadd.f32 v16, v18  }
0x400: {  	v29 =	vor.u32 $0x8, v2;
	v20 =	vld.idx.msk [tilespmem:v20+s26+$0x0], $0xffff  }
0x401: {  	v13 =	vld.idx.msk [tilespmem:v13+s26+$0x0], $0xffff;
	v7 =	vadd.f32 v7, v14;
	v30 =	vor.u32 $0x7, v15;
	v16 =	vadd.f32 v17, v16  }
0x402: {  	v31 =	vor.u32 $0x9, v2;
	v21 =	vld.idx.msk [tilespmem:v21+s26+$0x0], $0xffff  }
0x403: {  	v32 =	vld.idx.msk [tilespmem:v9+s26+$0x0], $0xffff;
	v33 =	vor.u32 $0x8, v15;
	v7 =	vadd.f32 v8, v7;
	v16 =	vadd.f32 v19, v16  }
0x404: {  	v34 =	vor.u32 $0xA, v2;
	v22 =	vld.idx.msk [tilespmem:v22+s26+$0x0], $0xffff  }
0x405: {  	v36 =	vor.u32 $0x9, v15;
	v7 =	vadd.f32 v10, v7;
	v35 =	vld.idx.msk [tilespmem:v29+s26+$0x0], $0xffff;
	v16 =	vadd.f32 v20, v16  }
0x406: {  	v37 =	vor.u32 $0xB, v2;
	v14 =	vld.idx.msk [tilespmem:v30+s26+$0x0], $0xffff  }
0x407: {  	v39 =	vor.u32 $0xA, v15;
	v38 =	vld.idx.msk [tilespmem:v31+s26+$0x0], $0xffff;
	v7 =	vadd.f32 v11, v7;
	v16 =	vadd.f32 v21, v16  }
0x408: {  	v40 =	vor.u32 $0xC, v2;
	v9 =	vld.idx.msk [tilespmem:v33+s26+$0x0], $0xffff  }
0x409: {  	v42 =	vor.u32 $0xB, v15;
	v41 =	vld.idx.msk [tilespmem:v34+s26+$0x0], $0xffff;
	v7 =	vadd.f32 v32, v7;
	v16 =	vadd.f32 v22, v16  }
0x40a: {  	v43 =	vor.u32 $0xD, v2;
	v18 =	vld.idx.msk [tilespmem:v36+s26+$0x0], $0xffff  }
0x40b: {  	v45 =	vor.u32 $0xC, v15;
	v44 =	vld.idx.msk [tilespmem:v37+s26+$0x0], $0xffff;
	v7 =	vadd.f32 v35, v7;
	v14 =	vadd.f32 v14, v16  }
0x40c: {  	v46 =	vor.u32 $0xE, v2;
	v17 =	vld.idx.msk [tilespmem:v39+s26+$0x0], $0xffff  }
0x40d: {  	v48 =	vor.u32 $0xD, v15;
	v47 =	vld.idx.msk [tilespmem:v40+s26+$0x0], $0xffff;
	v7 =	vadd.f32 v38, v7;
	v9 =	vadd.f32 v9, v14  }
0x40e: {  	v3 =	vadd.f32 v3, v6;
	v2 =	vor.u32 $0xF, v2;
	v49 =	vld.idx.msk [tilespmem:v42+s26+$0x0], $0xffff  }
0x40f: {  	v51 =	vor.u32 $0xE, v15;
	v50 =	vld.idx.msk [tilespmem:v43+s26+$0x0], $0xffff;
	v7 =	vadd.f32 v41, v7;
	v9 =	vadd.f32 v18, v9  }
0x410: {  	v3 =	vadd.f32 v4, v3;
	v52 =	vld.idx.msk [tilespmem:v45+s26+$0x0], $0xffff  }
0x411: {  	v53 =	vld.idx.msk [tilespmem:v46+s26+$0x0], $0xffff;
	v15 =	vor.u32 $0xF, v15;
	v7 =	vadd.f32 v44, v7;
	v9 =	vadd.f32 v17, v9  }
0x412: {  	v3 =	vadd.f32 v5, v3;
	v54 =	vld.idx.msk [tilespmem:v48+s26+$0x0], $0xffff  }
0x413: {  	v2 =	vld.idx.msk [tilespmem:v2+s26+$0x0], $0xffff;
	v7 =	vadd.f32 v47, v7;
	v6 =	vadd.f32 v49, v9  }
0x414: {  	v3 =	vadd.f32 v12, v3;
	v55 =	vld.idx.msk [tilespmem:v51+s26+$0x0], $0xffff  }
0x415: {  	v7 =	vadd.f32 v50, v7;
	v4 =	vadd.f32 v52, v6  }
0x416: {  	v3 =	vadd.f32 v13, v3;
	v56 =	vld.idx.msk [tilespmem:v15+s26+$0x0], $0xffff  }
0x417: {  	v7 =	vadd.f32 v53, v7;
	v4 =	vadd.f32 v54, v4  }
0x418: {  	v3 =	vsub.f32 $0.0e+00, v3  }
0x419: {  	v2 =	vadd.f32 v2, v7;
	v4 =	vadd.f32 v55, v4;
	_ =	sdelay $0x1  }
0x41a: {  	v3 =	vmul.f32 $1.442695020e+00, v3;
	v2 =	vsub.f32 $0.0e+00, v2;
	v4 =	vadd.f32 v56, v4;
	_ =	sdelay $0x1  }
0x41b: {  	(erf) = vpow2.f32 v3;
	v2 =	vmul.f32 $1.442695020e+00, v2;
	v3 =	vsub.f32 $0.0e+00, v4;
	_ =	sdelay $0x1  }
0x41c: {  	(erf) = vpow2.f32 v2;
	v2 =	vmul.f32 $1.442695020e+00, v3;
	_ =	sdelay $0x1  }
0x41d: {  	(erf) = vpow2.f32 v2  }
0x41e: {  	s1 =	sadd.s32 $0x10, s30  }
0x41f: {  	v3 =	vld [tilespmem:s1+$0x0];
	v2 =	vpop (erf)  }
0x420: {  	v2 =	vsub.f32 $1.000000000e+00, v2  }
0x421: {  	s1 =	sadd.s32 $0x10, s1  }
0x422: {  	v58 =	vld [tilespmem:s1+$0x0];
	v57 =	vpop (erf);
	v2 =	vmax.f32 v2, $9.999999740e-06  }
0x423: {  	s1 =	sadd.s32 $0x10, s1;
	v4 =	vsub.f32 $1.000000000e+00, v57;
	v2 =	vmin.f32 v2, $1.000000000e+00  }
0x424: {  	v59 =	vpop (erf);
	v2 =	vmul.f32 v2, v3;
	v3 =	vld [tilespmem:s1+$0x0]  }
0x425: {  	v6 =	vsub.f32 $1.000000000e+00, v59;
	v4 =	vmax.f32 v4, $9.999999740e-06;
	s1 =	sadd.s32 $0x10, s1  }
0x426: {  	v60 =	vld [tilespmem:s1+$0x0];
	v1 =	vadd.f32 v2, v1;
	v2 =	vmin.f32 v4, $1.000000000e+00;
	v61 =	vpop (erf)  }
0x427: {  	v62 =	vmax.f32 v6, $9.999999740e-06;
	v2 =	vmul.f32 v2, v58;
	v63 =	vsub.f32 $1.000000000e+00, v61  }
0x428: {  	v5 =	vmin.f32 v62, $1.000000000e+00  }
0x429: {  	v1 =	vadd.f32 v2, v1;
	v2 =	vmul.f32 v5, v3;
	v3 =	vmax.f32 v63, $9.999999740e-06  }
0x42a: {  	v3 =	vmin.f32 v3, $1.000000000e+00  }
0x42b: {  	v1 =	vadd.f32 v2, v1;
	v2 =	vmul.f32 v3, v60;
	_ =	sdelay $0x1  }
0x42c: {  	s29 =	sadd.s32 $0x1, s29;
	v1 =	vadd.f32 v2, v1  }
0x42d: {  	p0 =	sne.s32 s29, s18  }
.Ltmp8:
0x42e: {  	s31 =	simm.s32 $0x19200;
	[tilespmem:$0x19200] =	vst v1;
	(pc) =	sbr.rel @p0 .LBB2_1-.Ltmp8, $4  }
0x42f: {  	[hbm4b:s17+s3] =	stream.linear.scatter [tilespmem:s31], [sflag:$0x4], $0x80, $0x38;
	[tilespmem:$0x19280] =	vst v63  }
0x430: {  	_ =	swait.ge [sflag:s28], $0x80  }
0x431: {  	[sflag:s28] =	ssyncset.done $0x0  }
0x432: {  	[sflag:s28] =	ssyncadd.s32 $0xFFFFFF80  }
0x433: {  	_ =	sfence.sel $0x180000  }
0x434: {  	[bflag:$0x0] =	sbarrier.arrive $0xFFFF  }
0x435: {  	_ =	strace $0x90000047  }
0x436: {  	s0 =	stileid.u32;
	[bflag:$0x2] =	sbarrier.arrive $0xFFFF  }
0x437: {  	p0 =	sne.s32 s0, $0x0;
	s0 =	rddreg [dreg:$0x4]  }
0x438: {  	s0 =	sadd.s32 @!p0 $0x100000, s0  }
0x439: {  	[sflag:s0] =	ssyncadd.tile.s32 @!p0 $0x1;
	_ =	shalt  }
.Lfunc_end2:
_tile_overlayer_lowered:
.L_overlay_start_2:
0x43a: {  	(tag) =	ssettag $0x2  }
0x43b: {  	s0 =	rddreg [dreg:$0x0];
	s2 =	stileid.u32  }
0x43c: {  	s1 =	rddreg [dreg:$0x1];
	p0 =	sne.s32 s2, $0x0  }
0x43d: {  	s3 =	rddreg [dreg:$0x2];
	[bflag:$0x3] =	sbarrier.arrive $0xFFFF;
	s2 =	simm.s32 @!p0 $0x1C04  }
0x43e: {  	[timem:s3], [sflag:s2] =	dma.local @!p0 [hbm:s0], s1  }
0x43f: {  	s0 =	simm.s32 @!p0 $0x4  }
0x440: {  	_ =	swait.ge @!p0 [sflag:s0], s1  }
0x441: {  	s1 =	ssub.s32 @!p0 $0x0, s1;
	[sflag:s0] =	ssyncset.done @!p0 $0x0  }
0x442: {  	[sflag:s0] =	ssyncadd.s32 @!p0 s1  }
0x443: {  	[bflag:$0x3] =	sbarrier.arrive $0xFFFF  }
0x444: {  	_ =	shalt  }

</sc_bundles>
